<compile_context>
chip_gen: v7x
topology: tpu7x:2x2x1
jax: 0.10.2.dev20260603
libtpu: 0.0.44.dev20260713+nightly
codegen_flags: <defaults>
</compile_context>

<pallas_src>
import functools

import jax
import jax.numpy as jnp
from jax import lax
from jax.experimental import pallas as pl
from jax.experimental.pallas import tpu as pltpu
from jax.experimental.pallas import tpu_sc as plsc

N = 10000
E = 320000
DIM_IN = 128
DIM_H = 8
HEADS = 8
C1 = HEADS * DIM_H
DIM_OUT = 16

NC = 2
NS = 16
NW = NC * NS
CHUNK = 128
NROW = E // CHUNK
BASE_ST = NROW // NW
REM_ST = NROW % NW
MAXST = BASE_ST + 1
NPAIRS = (MAXST + 1) // 2
RPT = 624
TAIL0 = NS * RPT
TAILR = N - TAIL0


def _edge_kernel(cw, dh):
  tw = cw + 16
  ngrp = cw // 16
  hpg = 16 // dh

  mesh = plsc.VectorSubcoreMesh(core_axis_name="c", subcore_axis_name="s")

  @functools.partial(
      pl.kernel,
      out_type=jax.ShapeDtypeStruct((NC, N, tw), jnp.float32),
      mesh=mesh,
      scratch_types=[
          pltpu.VMEM((MAXST, CHUNK), jnp.int32),
          pltpu.VMEM((MAXST, CHUNK), jnp.int32),
          pltpu.VMEM((2, CHUNK, tw), jnp.float32),
          pltpu.VMEM((2, CHUNK, 16), jnp.float32),
          pltpu.VMEM((2, CHUNK, tw), jnp.float32),
          pltpu.VMEM_SHARED((N, tw), jnp.float32),
          pltpu.SemaphoreType.DMA,
          pltpu.SemaphoreType.DMA,
          pltpu.SemaphoreType.DMA,
          pltpu.SemaphoreType.DMA,
      ],
      compiler_params=pltpu.CompilerParams(
          use_tc_tiling_on_sc=False, needs_layout_passes=False
      ),
  )
  def k(t_hbm, adt_hbm, ei_hbm, z_hbm, pacc_hbm,
        sidx, didx, g, gd, msg, acc,
        gsem0, gsem1, ssem0, ssem1):
    gsem = (gsem0, gsem1)
    ssem = (ssem0, ssem1)
    c = lax.axis_index("c")
    s = lax.axis_index("s")
    w = s * NC + c
    r0 = s * RPT

    pltpu.sync_copy(z_hbm, acc.at[pl.ds(r0, RPT)])

    @pl.when(s == NS - 1)
    def _():
      pltpu.sync_copy(z_hbm.at[pl.ds(0, TAILR)], acc.at[pl.ds(TAIL0, TAILR)])

    plsc.subcore_barrier()

    lane = lax.iota(jnp.int32, 16)
    shift = dh.bit_length() - 1
    pidx = [(lane >> shift) + g_ * hpg for g_ in range(ngrp)]

    rw0 = w * BASE_ST + jnp.minimum(w, REM_ST)
    pltpu.sync_copy(ei_hbm.at[0, pl.ds(rw0, BASE_ST)],
                    sidx.at[pl.ds(0, BASE_ST)])
    pltpu.sync_copy(ei_hbm.at[1, pl.ds(rw0, BASE_ST)],
                    didx.at[pl.ds(0, BASE_ST)])

    @pl.when(w < REM_ST)
    def _():
      pltpu.sync_copy(ei_hbm.at[0, rw0 + BASE_ST], sidx.at[BASE_ST])
      pltpu.sync_copy(ei_hbm.at[1, rw0 + BASE_ST], didx.at[BASE_ST])

    def issue_gathers(b, i):
      pltpu.async_copy(t_hbm.at[sidx.at[i]], g.at[b], gsem[b])
      pltpu.async_copy(adt_hbm.at[didx.at[i]], gd.at[b], gsem[b])

    def wait_gathers(b, i):
      pltpu.make_async_copy(t_hbm.at[sidx.at[i]], g.at[b], gsem[b]).wait()
      pltpu.make_async_copy(adt_hbm.at[didx.at[i]], gd.at[b], gsem[b]).wait()

    def issue_scatters(b, i):
      pltpu.async_copy(msg.at[b], acc.at[didx.at[i]], ssem[b], add=True)

    def wait_scatters(b, i):
      pltpu.make_async_copy(msg.at[b], acc.at[didx.at[i]], ssem[b]).wait()

    def compute(b):
      b_vec = jnp.full((16,), b, jnp.int32)

      @plsc.parallel_loop(0, CHUNK, unroll=4)
      def _(e):
        va = g[b, e, pl.ds(cw, 16)]
        vd = gd[b, e, :]
        z = va + vd
        z = jnp.maximum(z, 0.2 * z)
        msg[b, e, pl.ds(cw, 16)] = jnp.exp(z)

      @plsc.parallel_loop(0, CHUNK, unroll=8)
      def _(e):
        if dh < 16:
          e_vec = jnp.full((16,), e, jnp.int32)
          for g_ in range(ngrp):
            pe = plsc.load_gather(msg, [b_vec, e_vec, pidx[g_] + cw])
            msg[b, e, pl.ds(16 * g_, 16)] = g[b, e, pl.ds(16 * g_, 16)] * pe
        else:
          pe = msg[b, e, pl.ds(cw, 16)]
          msg[b, e, pl.ds(0, 16)] = g[b, e, pl.ds(0, 16)] * pe

    ns = BASE_ST + jnp.where(w < REM_ST, 1, 0)

    def handle(b, i):
      nb = 1 - b

      @pl.when(i + 1 < ns)
      def _():
        issue_gathers(nb, i + 1)

      @pl.when(i < ns)
      def _():
        wait_gathers(b, i)

        @pl.when(i >= 2)
        def _():
          wait_scatters(b, i - 2)

        compute(b)
        issue_scatters(b, i)

    issue_gathers(0, 0)

    def pair_body(kk, carry):
      handle(0, 2 * kk)
      handle(1, 2 * kk + 1)
      return carry

    lax.fori_loop(0, NPAIRS, pair_body, 0)
    wait_scatters(1, 0)
    wait_scatters(0, 0)
    plsc.subcore_barrier()
    pltpu.sync_copy(acc.at[pl.ds(r0, RPT)], pacc_hbm.at[c, pl.ds(r0, RPT)])

    @pl.when(s == NS - 1)
    def _():
      pltpu.sync_copy(acc.at[pl.ds(TAIL0, TAILR)],
                      pacc_hbm.at[c, pl.ds(TAIL0, TAILR)])

  return k


_edge1 = _edge_kernel(C1, DIM_H)
_edge2 = _edge_kernel(DIM_OUT, DIM_OUT)


def _tc_pre(x_ref, w1_ref, a0s_ref, a0d_ref, t1_ref, adt_ref):
  h = jnp.dot(x_ref[...], w1_ref[...], preferred_element_type=jnp.float32)
  asrc = jnp.dot(h, a0s_ref[...], preferred_element_type=jnp.float32)
  adst = jnp.dot(h, a0d_ref[...], preferred_element_type=jnp.float32)
  t1_ref[...] = jnp.concatenate([h, asrc, asrc], axis=1)
  adt_ref[...] = jnp.concatenate([adst, adst], axis=1)


def _tc_mid(pacc_ref, w2_ref, a2s_ref, a2d_ref, t2_ref, ad2_ref):
  both = pacc_ref[0] + pacc_ref[1]
  num = both[:, :C1]
  s8 = both[:, C1:C1 + HEADS]
  rep = (lax.broadcasted_iota(jnp.int32, (HEADS, C1), 0)
         == lax.broadcasted_iota(jnp.int32, (HEADS, C1), 1) // DIM_H
         ).astype(jnp.float32)
  srep = jnp.dot(s8, rep, preferred_element_type=jnp.float32)
  out1 = num / (srep + 1e-16)
  gq = jnp.where(out1 > 0, out1, jnp.exp(jnp.minimum(out1, 0.0)) - 1.0)
  h2 = jnp.dot(gq, w2_ref[...], preferred_element_type=jnp.float32)
  as2 = jnp.sum(h2 * a2s_ref[...], axis=1, keepdims=True)
  ad2 = jnp.sum(h2 * a2d_ref[...], axis=1, keepdims=True)
  zeros = jnp.zeros((N, 16), jnp.float32)
  t2_ref[...] = jnp.concatenate([h2, as2 + zeros], axis=1)
  ad2_ref[...] = ad2 + zeros


def _tc_post(pacc_ref, out_ref, ls_ref):
  both = pacc_ref[0] + pacc_ref[1]
  out2 = both[:, :DIM_OUT] / (both[:, DIM_OUT:] + 1e-16)
  m = jnp.max(out2, axis=1, keepdims=True)
  lse = jnp.log(jnp.sum(jnp.exp(out2 - m), axis=1, keepdims=True)) + m
  out_ref[...] = out2
  ls_ref[...] = out2 - lse


@jax.jit
def kernel(x, edge_index, W1, a_src1, a_dst1, W2, a_src2, a_dst2):
  eye = jnp.eye(DIM_H, dtype=jnp.float32)
  a0s = (a_src1[:, :, None] * eye[:, None, :]).reshape(C1, HEADS)
  a0d = (a_dst1[:, :, None] * eye[:, None, :]).reshape(C1, HEADS)

  t1, adt = pl.pallas_call(
      _tc_pre,
      out_shape=(
          jax.ShapeDtypeStruct((N, C1 + 16), jnp.float32),
          jax.ShapeDtypeStruct((N, 16), jnp.float32),
      ),
  )(x, W1, a0s, a0d)

  ei = edge_index.reshape(2, NROW, CHUNK)
  z1 = jnp.zeros((RPT, C1 + 16), jnp.float32)
  pacc1 = _edge1(t1, adt, ei, z1)

  t2, ad2 = pl.pallas_call(
      _tc_mid,
      out_shape=(
          jax.ShapeDtypeStruct((N, 32), jnp.float32),
          jax.ShapeDtypeStruct((N, 16), jnp.float32),
      ),
  )(pacc1, W2, a_src2, a_dst2)

  z2 = jnp.zeros((RPT, DIM_OUT + 16), jnp.float32)
  pacc2 = _edge2(t2, ad2, ei, z2)

  out2, ls = pl.pallas_call(
      _tc_post,
      out_shape=(
          jax.ShapeDtypeStruct((N, DIM_OUT), jnp.float32),
          jax.ShapeDtypeStruct((N, DIM_OUT), jnp.float32),
      ),
  )(pacc2)
  return (out2, ls)

# --- scband reference (transcript-rebuilt; emitter-appended) ---
"""Pipeline reference for scband-gat-66683662238424 (READ-ONLY COPY).

The authoritative reference and input builder live on the scoring server;
editing this copy changes nothing except your own understanding.
"""

import jax, jax.numpy as jnp
import numpy as np

N = 10000
E = 320000
DIM_IN = 128
DIM_H = 8
HEADS = 8
DIM_OUT = 16


def setup_inputs(seed: int = 0) -> dict:
    key = jax.random.key(seed)
    ks = jax.random.split(key, 8)
    x = jax.random.normal(ks[0], (N, DIM_IN), dtype=jnp.float32)
    edge_index = jax.random.randint(ks[1], (2, E), 0, N, dtype=jnp.int32)
    W1 = jax.random.normal(ks[2], (DIM_IN, HEADS * DIM_H), dtype=jnp.float32) * (1.0 / np.sqrt(DIM_IN))
    a_src1 = jax.random.normal(ks[3], (HEADS, DIM_H), dtype=jnp.float32) * (1.0 / np.sqrt(DIM_H))
    a_dst1 = jax.random.normal(ks[4], (HEADS, DIM_H), dtype=jnp.float32) * (1.0 / np.sqrt(DIM_H))
    W2 = jax.random.normal(ks[5], (HEADS * DIM_H, DIM_OUT), dtype=jnp.float32) * (1.0 / np.sqrt(HEADS * DIM_H))
    a_src2 = jax.random.normal(ks[6], (1, DIM_OUT), dtype=jnp.float32) * (1.0 / np.sqrt(DIM_OUT))
    a_dst2 = jax.random.normal(ks[7], (1, DIM_OUT), dtype=jnp.float32) * (1.0 / np.sqrt(DIM_OUT))
    return {"x": x, "edge_index": edge_index, "W1": W1, "a_src1": a_src1, "a_dst1": a_dst1, "W2": W2, "a_src2": a_src2, "a_dst2": a_dst2}


def gat_conv(x, src, dst, W, a_src, a_dst):
    # PyG-style GATConv: e_ij = LeakyReLU(a_src . W x_j + a_dst . W x_i), softmax over incoming edges of i
    n = x.shape[0]
    heads, dh = a_src.shape
    h = (x @ W).reshape(n, heads, dh)
    alpha_src = jnp.sum(h * a_src[None, :, :], axis=-1)  # [N, heads]
    alpha_dst = jnp.sum(h * a_dst[None, :, :], axis=-1)  # [N, heads]
    e = jax.nn.leaky_relu(alpha_src[src] + alpha_dst[dst], negative_slope=0.2)  # [E, heads]
    m = jax.ops.segment_max(e, dst, num_segments=n)
    m = jnp.where(jnp.isfinite(m), m, 0.0)
    p = jnp.exp(e - m[dst])
    s = jax.ops.segment_sum(p, dst, num_segments=n)
    alpha = p / (s[dst] + 1e-16)  # [E, heads]
    out = jax.ops.segment_sum(alpha[:, :, None] * h[src], dst, num_segments=n)  # [N, heads, dh]
    return out


def reference(x, edge_index, W1, a_src1, a_dst1, W2, a_src2, a_dst2):
    # eval mode: dropout(p=0.6) is identity
    src = edge_index[0]
    dst = edge_index[1]
    h = gat_conv(x, src, dst, W1, a_src1, a_dst1).reshape(x.shape[0], HEADS * DIM_H)
    h = jax.nn.elu(h)
    h = gat_conv(h, src, dst, W2, a_src2, a_dst2).reshape(x.shape[0], DIM_OUT)
    return (h, jax.nn.log_softmax(h, axis=1))

if __name__ == "__main__":
    import jax
    _d = setup_inputs()
    print(jax.jit(kernel)(*tuple(_d.values())))

</pallas_src>

<mosaic_0001>
#map = affine_map<(d0, d1) -> (0, 0)>
#map1 = affine_map<(d0, d1) -> (0, 0, 0)>
module attributes {stable_mosaic.version = 14 : i64} {
  func.func @k(%arg0: i32, %arg1: i32, %arg2: memref<10000x32xf32, #tpu.memory_space<hbm>>, %arg3: memref<10000x16xf32, #tpu.memory_space<hbm>>, %arg4: memref<2x2500x128xi32, #tpu.memory_space<hbm>>, %arg5: memref<624x32xf32, #tpu.memory_space<hbm>>, %arg6: memref<2x10000x32xf32, #tpu.memory_space<hbm>>, %arg7: memref<79x128xi32, #tpu.memory_space<vmem>>, %arg8: memref<79x128xi32, #tpu.memory_space<vmem>>, %arg9: memref<2x128x32xf32, #tpu.memory_space<vmem>>, %arg10: memref<2x128x16xf32, #tpu.memory_space<vmem>>, %arg11: memref<2x128x32xf32, #tpu.memory_space<vmem>>, %arg12: memref<10000x32xf32, #tpu.memory_space<vmem_shared>>, %arg13: memref<!tpu.dma_semaphore, #tpu.memory_space<semaphore_mem>>, %arg14: memref<!tpu.dma_semaphore, #tpu.memory_space<semaphore_mem>>, %arg15: memref<!tpu.dma_semaphore, #tpu.memory_space<semaphore_mem>>, %arg16: memref<!tpu.dma_semaphore, #tpu.memory_space<semaphore_mem>>) attributes {dimension_semantics = [#tpu.dimension_semantics<core_parallel>, #tpu.dimension_semantics<subcore_parallel>], iteration_bounds = array<i64: 2, 16>, scalar_prefetch = 0 : i64, scratch_operands = 10 : i64, tpu.core_type = #tpu.core_type<sc_vector_subcore>, window_params = [{transform_indices = #map}, {transform_indices = #map}, {transform_indices = #map1}, {transform_indices = #map}, {transform_indices = #map1}]} {
    %mul3A = arith.constant 2 : i32
    %mul3A_0 = arith.muli %arg1, %mul3A : i32
    %add3A = arith.addi %mul3A_0, %arg0 : i32
    %mul3A_1 = arith.constant 624 : i32
    %mul3A_2 = arith.muli %arg1, %mul3A_1 : i32
    "tpu.region"() ({
      %run_scoped3A_81 = tpu.sem_alloc : memref<!tpu.dma_semaphore, #tpu.memory_space<semaphore_mem>>
      %dma_start3A_82 = arith.constant 0 : i32
      %dma_start3A_83 = tpu.memref_slice %arg12[%mul3A_2, %dma_start3A_82] : memref<10000x32xf32, #tpu.memory_space<vmem_shared>> -> memref<624x32xf32, #tpu.memory_space<vmem_shared>>
      tpu.enqueue_dma source(%arg5 : memref<624x32xf32, #tpu.memory_space<hbm>>) target(%dma_start3A_83 : memref<624x32xf32, #tpu.memory_space<vmem_shared>>) target_semaphore(%run_scoped3A_81 : memref<!tpu.dma_semaphore, #tpu.memory_space<semaphore_mem>>)
      %dma_wait3A_84 = arith.constant 0 : i32
      %dma_wait3A_85 = tpu.memref_slice %arg12[%mul3A_2, %dma_wait3A_84] : memref<10000x32xf32, #tpu.memory_space<vmem_shared>> -> memref<624x32xf32, #tpu.memory_space<vmem_shared>>
      tpu.wait_dma2 semaphore(%run_scoped3A_81 : memref<!tpu.dma_semaphore, #tpu.memory_space<semaphore_mem>>) src(%arg5 : memref<624x32xf32, #tpu.memory_space<hbm>>) dst(%dma_wait3A_85 : memref<624x32xf32, #tpu.memory_space<vmem_shared>>)
      tpu.yield
    }) : () -> ()
    %eq3A = arith.constant 15 : i32
    %eq3A_3 = arith.cmpi eq, %arg1, %eq3A : i32
    %convert_element_type3A = arith.extui %eq3A_3 : i1 to i32
    %cond3A = arith.constant 0 : i32
    %cond3A_4 = arith.cmpi ne, %convert_element_type3A, %cond3A : i32
    scf.if %cond3A_4 {
      "tpu.region"() ({
        %run_scoped3A_81 = tpu.sem_alloc : memref<!tpu.dma_semaphore, #tpu.memory_space<semaphore_mem>>
        %dma_start3A_82 = arith.constant 9984 : i32
        %dma_start3A_83 = arith.constant 0 : i32
        %dma_start3A_84 = tpu.memref_slice %arg12[%dma_start3A_82, %dma_start3A_83] : memref<10000x32xf32, #tpu.memory_space<vmem_shared>> -> memref<16x32xf32, #tpu.memory_space<vmem_shared>>
        %dma_start3A_85 = arith.constant 0 : i32
        %dma_start3A_86 = arith.constant 0 : i32
        %dma_start3A_87 = tpu.memref_slice %arg5[%dma_start3A_85, %dma_start3A_86] : memref<624x32xf32, #tpu.memory_space<hbm>> -> memref<16x32xf32, #tpu.memory_space<hbm>>
        tpu.enqueue_dma source(%dma_start3A_87 : memref<16x32xf32, #tpu.memory_space<hbm>>) target(%dma_start3A_84 : memref<16x32xf32, #tpu.memory_space<vmem_shared>>) target_semaphore(%run_scoped3A_81 : memref<!tpu.dma_semaphore, #tpu.memory_space<semaphore_mem>>)
        %dma_wait3A_88 = arith.constant 9984 : i32
        %dma_wait3A_89 = arith.constant 0 : i32
        %dma_wait3A_90 = tpu.memref_slice %arg12[%dma_wait3A_88, %dma_wait3A_89] : memref<10000x32xf32, #tpu.memory_space<vmem_shared>> -> memref<16x32xf32, #tpu.memory_space<vmem_shared>>
        %dma_wait3A_91 = arith.constant 0 : i32
        %dma_wait3A_92 = arith.constant 0 : i32
        %dma_wait3A_93 = tpu.memref_slice %arg5[%dma_wait3A_91, %dma_wait3A_92] : memref<624x32xf32, #tpu.memory_space<hbm>> -> memref<16x32xf32, #tpu.memory_space<hbm>>
        tpu.wait_dma2 semaphore(%run_scoped3A_81 : memref<!tpu.dma_semaphore, #tpu.memory_space<semaphore_mem>>) src(%dma_wait3A_93 : memref<16x32xf32, #tpu.memory_space<hbm>>) dst(%dma_wait3A_90 : memref<16x32xf32, #tpu.memory_space<vmem_shared>>)
        tpu.yield
      }) : () -> ()
    } else {
    }
    %barrier3A = arith.constant 0 : index
    tpu.barrier barrier_id(%barrier3A)
    %iota3A = tpu.iota {dimensions = array<i32: 0>} : vector<16xi32>
    %shift_right_arithmetic3A = arith.constant 4 : i32
    %shift_right_arithmetic3A_5 = vector.broadcast %shift_right_arithmetic3A : i32 to vector<16xi32>
    %shift_right_arithmetic3A_6 = arith.shrsi %iota3A, %shift_right_arithmetic3A_5 : vector<16xi32>
    %add3A_7 = arith.constant 0 : i32
    %add3A_8 = vector.broadcast %add3A_7 : i32 to vector<16xi32>
    %add3A_9 = arith.addi %shift_right_arithmetic3A_6, %add3A_8 : vector<16xi32>
    %mul3A_10 = arith.constant 78 : i32
    %mul3A_11 = arith.muli %add3A, %mul3A_10 : i32
    %min3A = arith.constant 4 : i32
    %min3A_12 = arith.minsi %add3A, %min3A : i32
    %add3A_13 = arith.addi %mul3A_11, %min3A_12 : i32
    %run_scoped3A = arith.constant 0 : i32
    "tpu.region"() ({
      %run_scoped3A_81 = tpu.sem_alloc : memref<!tpu.dma_semaphore, #tpu.memory_space<semaphore_mem>>
      %dma_start3A_82 = arith.constant 0 : i32
      %dma_start3A_83 = arith.constant 0 : i32
      %dma_start3A_84 = tpu.memref_slice %arg7[%dma_start3A_82, %dma_start3A_83] : memref<79x128xi32, #tpu.memory_space<vmem>> -> memref<78x128xi32, #tpu.memory_space<vmem>>
      %dma_start3A_85 = arith.constant 0 : i32
      %dma_start3A_86 = tpu.memref_slice %arg4[%run_scoped3A, %add3A_13, %dma_start3A_85] : memref<2x2500x128xi32, #tpu.memory_space<hbm>> -> memref<1x78x128xi32, #tpu.memory_space<hbm>>
      %dma_start3A_87 = tpu.memref_squeeze %dma_start3A_86 : memref<1x78x128xi32, #tpu.memory_space<hbm>> -> memref<78x128xi32, #tpu.memory_space<hbm>>
      %dma_start3A_88 = arith.constant 0 : i32
      %dma_start3A_89 = arith.constant 0 : i32
      %dma_start3A_90 = tpu.memref_slice %arg7[%dma_start3A_88, %dma_start3A_89] : memref<79x128xi32, #tpu.memory_space<vmem>> -> memref<78x128xi32, #tpu.memory_space<vmem>>
      %dma_start3A_91 = arith.constant 0 : i32
      %dma_start3A_92 = tpu.memref_slice %arg4[%run_scoped3A, %add3A_13, %dma_start3A_91] : memref<2x2500x128xi32, #tpu.memory_space<hbm>> -> memref<1x78x128xi32, #tpu.memory_space<hbm>>
      %dma_start3A_93 = tpu.memref_squeeze %dma_start3A_92 : memref<1x78x128xi32, #tpu.memory_space<hbm>> -> memref<78x128xi32, #tpu.memory_space<hbm>>
      tpu.enqueue_dma source(%dma_start3A_93 : memref<78x128xi32, #tpu.memory_space<hbm>>) target(%dma_start3A_90 : memref<78x128xi32, #tpu.memory_space<vmem>>) target_semaphore(%run_scoped3A_81 : memref<!tpu.dma_semaphore, #tpu.memory_space<semaphore_mem>>)
      %dma_wait3A_94 = arith.constant 0 : i32
      %dma_wait3A_95 = arith.constant 0 : i32
      %dma_wait3A_96 = tpu.memref_slice %arg7[%dma_wait3A_94, %dma_wait3A_95] : memref<79x128xi32, #tpu.memory_space<vmem>> -> memref<78x128xi32, #tpu.memory_space<vmem>>
      %dma_wait3A_97 = arith.constant 0 : i32
      %dma_wait3A_98 = tpu.memref_slice %arg4[%run_scoped3A, %add3A_13, %dma_wait3A_97] : memref<2x2500x128xi32, #tpu.memory_space<hbm>> -> memref<1x78x128xi32, #tpu.memory_space<hbm>>
      %dma_wait3A_99 = tpu.memref_squeeze %dma_wait3A_98 : memref<1x78x128xi32, #tpu.memory_space<hbm>> -> memref<78x128xi32, #tpu.memory_space<hbm>>
      %dma_wait3A_100 = arith.constant 0 : i32
      %dma_wait3A_101 = arith.constant 0 : i32
      %dma_wait3A_102 = tpu.memref_slice %arg7[%dma_wait3A_100, %dma_wait3A_101] : memref<79x128xi32, #tpu.memory_space<vmem>> -> memref<78x128xi32, #tpu.memory_space<vmem>>
      %dma_wait3A_103 = arith.constant 0 : i32
      %dma_wait3A_104 = tpu.memref_slice %arg4[%run_scoped3A, %add3A_13, %dma_wait3A_103] : memref<2x2500x128xi32, #tpu.memory_space<hbm>> -> memref<1x78x128xi32, #tpu.memory_space<hbm>>
      %dma_wait3A_105 = tpu.memref_squeeze %dma_wait3A_104 : memref<1x78x128xi32, #tpu.memory_space<hbm>> -> memref<78x128xi32, #tpu.memory_space<hbm>>
      tpu.wait_dma2 semaphore(%run_scoped3A_81 : memref<!tpu.dma_semaphore, #tpu.memory_space<semaphore_mem>>) src(%dma_wait3A_105 : memref<78x128xi32, #tpu.memory_space<hbm>>) dst(%dma_wait3A_102 : memref<78x128xi32, #tpu.memory_space<vmem>>)
      tpu.yield
    }) : () -> ()
    %run_scoped3A_14 = arith.constant 1 : i32
    "tpu.region"() ({
      %run_scoped3A_81 = tpu.sem_alloc : memref<!tpu.dma_semaphore, #tpu.memory_space<semaphore_mem>>
      %dma_start3A_82 = arith.constant 0 : i32
      %dma_start3A_83 = arith.constant 0 : i32
      %dma_start3A_84 = tpu.memref_slice %arg8[%dma_start3A_82, %dma_start3A_83] : memref<79x128xi32, #tpu.memory_space<vmem>> -> memref<78x128xi32, #tpu.memory_space<vmem>>
      %dma_start3A_85 = arith.constant 0 : i32
      %dma_start3A_86 = tpu.memref_slice %arg4[%run_scoped3A_14, %add3A_13, %dma_start3A_85] : memref<2x2500x128xi32, #tpu.memory_space<hbm>> -> memref<1x78x128xi32, #tpu.memory_space<hbm>>
      %dma_start3A_87 = tpu.memref_squeeze %dma_start3A_86 : memref<1x78x128xi32, #tpu.memory_space<hbm>> -> memref<78x128xi32, #tpu.memory_space<hbm>>
      %dma_start3A_88 = arith.constant 0 : i32
      %dma_start3A_89 = arith.constant 0 : i32
      %dma_start3A_90 = tpu.memref_slice %arg8[%dma_start3A_88, %dma_start3A_89] : memref<79x128xi32, #tpu.memory_space<vmem>> -> memref<78x128xi32, #tpu.memory_space<vmem>>
      %dma_start3A_91 = arith.constant 0 : i32
      %dma_start3A_92 = tpu.memref_slice %arg4[%run_scoped3A_14, %add3A_13, %dma_start3A_91] : memref<2x2500x128xi32, #tpu.memory_space<hbm>> -> memref<1x78x128xi32, #tpu.memory_space<hbm>>
      %dma_start3A_93 = tpu.memref_squeeze %dma_start3A_92 : memref<1x78x128xi32, #tpu.memory_space<hbm>> -> memref<78x128xi32, #tpu.memory_space<hbm>>
      tpu.enqueue_dma source(%dma_start3A_93 : memref<78x128xi32, #tpu.memory_space<hbm>>) target(%dma_start3A_90 : memref<78x128xi32, #tpu.memory_space<vmem>>) target_semaphore(%run_scoped3A_81 : memref<!tpu.dma_semaphore, #tpu.memory_space<semaphore_mem>>)
      %dma_wait3A_94 = arith.constant 0 : i32
      %dma_wait3A_95 = arith.constant 0 : i32
      %dma_wait3A_96 = tpu.memref_slice %arg8[%dma_wait3A_94, %dma_wait3A_95] : memref<79x128xi32, #tpu.memory_space<vmem>> -> memref<78x128xi32, #tpu.memory_space<vmem>>
      %dma_wait3A_97 = arith.constant 0 : i32
      %dma_wait3A_98 = tpu.memref_slice %arg4[%run_scoped3A_14, %add3A_13, %dma_wait3A_97] : memref<2x2500x128xi32, #tpu.memory_space<hbm>> -> memref<1x78x128xi32, #tpu.memory_space<hbm>>
      %dma_wait3A_99 = tpu.memref_squeeze %dma_wait3A_98 : memref<1x78x128xi32, #tpu.memory_space<hbm>> -> memref<78x128xi32, #tpu.memory_space<hbm>>
      %dma_wait3A_100 = arith.constant 0 : i32
      %dma_wait3A_101 = arith.constant 0 : i32
      %dma_wait3A_102 = tpu.memref_slice %arg8[%dma_wait3A_100, %dma_wait3A_101] : memref<79x128xi32, #tpu.memory_space<vmem>> -> memref<78x128xi32, #tpu.memory_space<vmem>>
      %dma_wait3A_103 = arith.constant 0 : i32
      %dma_wait3A_104 = tpu.memref_slice %arg4[%run_scoped3A_14, %add3A_13, %dma_wait3A_103] : memref<2x2500x128xi32, #tpu.memory_space<hbm>> -> memref<1x78x128xi32, #tpu.memory_space<hbm>>
      %dma_wait3A_105 = tpu.memref_squeeze %dma_wait3A_104 : memref<1x78x128xi32, #tpu.memory_space<hbm>> -> memref<78x128xi32, #tpu.memory_space<hbm>>
      tpu.wait_dma2 semaphore(%run_scoped3A_81 : memref<!tpu.dma_semaphore, #tpu.memory_space<semaphore_mem>>) src(%dma_wait3A_105 : memref<78x128xi32, #tpu.memory_space<hbm>>) dst(%dma_wait3A_102 : memref<78x128xi32, #tpu.memory_space<vmem>>)
      tpu.yield
    }) : () -> ()
    %lt3A = arith.constant 4 : i32
    %lt3A_15 = arith.cmpi slt, %add3A, %lt3A : i32
    %convert_element_type3A_16 = arith.extui %lt3A_15 : i1 to i32
    %cond3A_17 = arith.constant 0 : i32
    %cond3A_18 = arith.cmpi ne, %convert_element_type3A_16, %cond3A_17 : i32
    scf.if %cond3A_18 {
      %add3A_81 = arith.constant 78 : i32
      %add3A_82 = arith.addi %add3A_13, %add3A_81 : i32
      %run_scoped3A_83 = arith.constant 0 : i32
      %run_scoped3A_84 = arith.constant 78 : i32
      "tpu.region"() ({
        %run_scoped3A_89 = tpu.sem_alloc : memref<!tpu.dma_semaphore, #tpu.memory_space<semaphore_mem>>
        %dma_start3A_90 = arith.constant 0 : i32
        %dma_start3A_91 = tpu.memref_slice %arg7[%run_scoped3A_84, %dma_start3A_90] : memref<79x128xi32, #tpu.memory_space<vmem>> -> memref<1x128xi32, #tpu.memory_space<vmem>>
        %dma_start3A_92 = tpu.memref_squeeze %dma_start3A_91 : memref<1x128xi32, #tpu.memory_space<vmem>> -> memref<128xi32, #tpu.memory_space<vmem>>
        %dma_start3A_93 = arith.constant 0 : i32
        %dma_start3A_94 = tpu.memref_slice %arg4[%run_scoped3A_83, %add3A_82, %dma_start3A_93] : memref<2x2500x128xi32, #tpu.memory_space<hbm>> -> memref<1x1x128xi32, #tpu.memory_space<hbm>>
        %dma_start3A_95 = tpu.memref_squeeze %dma_start3A_94 : memref<1x1x128xi32, #tpu.memory_space<hbm>> -> memref<128xi32, #tpu.memory_space<hbm>>
        %dma_start3A_96 = arith.constant 0 : i32
        %dma_start3A_97 = tpu.memref_slice %arg7[%run_scoped3A_84, %dma_start3A_96] : memref<79x128xi32, #tpu.memory_space<vmem>> -> memref<1x128xi32, #tpu.memory_space<vmem>>
        %dma_start3A_98 = tpu.memref_squeeze %dma_start3A_97 : memref<1x128xi32, #tpu.memory_space<vmem>> -> memref<128xi32, #tpu.memory_space<vmem>>
        %dma_start3A_99 = arith.constant 0 : i32
        %dma_start3A_100 = tpu.memref_slice %arg4[%run_scoped3A_83, %add3A_82, %dma_start3A_99] : memref<2x2500x128xi32, #tpu.memory_space<hbm>> -> memref<1x1x128xi32, #tpu.memory_space<hbm>>
        %dma_start3A_101 = tpu.memref_squeeze %dma_start3A_100 : memref<1x1x128xi32, #tpu.memory_space<hbm>> -> memref<128xi32, #tpu.memory_space<hbm>>
        tpu.enqueue_dma source(%dma_start3A_101 : memref<128xi32, #tpu.memory_space<hbm>>) target(%dma_start3A_98 : memref<128xi32, #tpu.memory_space<vmem>>) target_semaphore(%run_scoped3A_89 : memref<!tpu.dma_semaphore, #tpu.memory_space<semaphore_mem>>)
        %dma_wait3A_102 = arith.constant 0 : i32
        %dma_wait3A_103 = tpu.memref_slice %arg7[%run_scoped3A_84, %dma_wait3A_102] : memref<79x128xi32, #tpu.memory_space<vmem>> -> memref<1x128xi32, #tpu.memory_space<vmem>>
        %dma_wait3A_104 = tpu.memref_squeeze %dma_wait3A_103 : memref<1x128xi32, #tpu.memory_space<vmem>> -> memref<128xi32, #tpu.memory_space<vmem>>
        %dma_wait3A_105 = arith.constant 0 : i32
        %dma_wait3A_106 = tpu.memref_slice %arg4[%run_scoped3A_83, %add3A_82, %dma_wait3A_105] : memref<2x2500x128xi32, #tpu.memory_space<hbm>> -> memref<1x1x128xi32, #tpu.memory_space<hbm>>
        %dma_wait3A_107 = tpu.memref_squeeze %dma_wait3A_106 : memref<1x1x128xi32, #tpu.memory_space<hbm>> -> memref<128xi32, #tpu.memory_space<hbm>>
        %dma_wait3A_108 = arith.constant 0 : i32
        %dma_wait3A_109 = tpu.memref_slice %arg7[%run_scoped3A_84, %dma_wait3A_108] : memref<79x128xi32, #tpu.memory_space<vmem>> -> memref<1x128xi32, #tpu.memory_space<vmem>>
        %dma_wait3A_110 = tpu.memref_squeeze %dma_wait3A_109 : memref<1x128xi32, #tpu.memory_space<vmem>> -> memref<128xi32, #tpu.memory_space<vmem>>
        %dma_wait3A_111 = arith.constant 0 : i32
        %dma_wait3A_112 = tpu.memref_slice %arg4[%run_scoped3A_83, %add3A_82, %dma_wait3A_111] : memref<2x2500x128xi32, #tpu.memory_space<hbm>> -> memref<1x1x128xi32, #tpu.memory_space<hbm>>
        %dma_wait3A_113 = tpu.memref_squeeze %dma_wait3A_112 : memref<1x1x128xi32, #tpu.memory_space<hbm>> -> memref<128xi32, #tpu.memory_space<hbm>>
        tpu.wait_dma2 semaphore(%run_scoped3A_89 : memref<!tpu.dma_semaphore, #tpu.memory_space<semaphore_mem>>) src(%dma_wait3A_113 : memref<128xi32, #tpu.memory_space<hbm>>) dst(%dma_wait3A_110 : memref<128xi32, #tpu.memory_space<vmem>>)
        tpu.yield
      }) : () -> ()
      %add3A_85 = arith.constant 78 : i32
      %add3A_86 = arith.addi %add3A_13, %add3A_85 : i32
      %run_scoped3A_87 = arith.constant 1 : i32
      %run_scoped3A_88 = arith.constant 78 : i32
      "tpu.region"() ({
        %run_scoped3A_89 = tpu.sem_alloc : memref<!tpu.dma_semaphore, #tpu.memory_space<semaphore_mem>>
        %dma_start3A_90 = arith.constant 0 : i32
        %dma_start3A_91 = tpu.memref_slice %arg8[%run_scoped3A_88, %dma_start3A_90] : memref<79x128xi32, #tpu.memory_space<vmem>> -> memref<1x128xi32, #tpu.memory_space<vmem>>
        %dma_start3A_92 = tpu.memref_squeeze %dma_start3A_91 : memref<1x128xi32, #tpu.memory_space<vmem>> -> memref<128xi32, #tpu.memory_space<vmem>>
        %dma_start3A_93 = arith.constant 0 : i32
        %dma_start3A_94 = tpu.memref_slice %arg4[%run_scoped3A_87, %add3A_86, %dma_start3A_93] : memref<2x2500x128xi32, #tpu.memory_space<hbm>> -> memref<1x1x128xi32, #tpu.memory_space<hbm>>
        %dma_start3A_95 = tpu.memref_squeeze %dma_start3A_94 : memref<1x1x128xi32, #tpu.memory_space<hbm>> -> memref<128xi32, #tpu.memory_space<hbm>>
        %dma_start3A_96 = arith.constant 0 : i32
        %dma_start3A_97 = tpu.memref_slice %arg8[%run_scoped3A_88, %dma_start3A_96] : memref<79x128xi32, #tpu.memory_space<vmem>> -> memref<1x128xi32, #tpu.memory_space<vmem>>
        %dma_start3A_98 = tpu.memref_squeeze %dma_start3A_97 : memref<1x128xi32, #tpu.memory_space<vmem>> -> memref<128xi32, #tpu.memory_space<vmem>>
        %dma_start3A_99 = arith.constant 0 : i32
        %dma_start3A_100 = tpu.memref_slice %arg4[%run_scoped3A_87, %add3A_86, %dma_start3A_99] : memref<2x2500x128xi32, #tpu.memory_space<hbm>> -> memref<1x1x128xi32, #tpu.memory_space<hbm>>
        %dma_start3A_101 = tpu.memref_squeeze %dma_start3A_100 : memref<1x1x128xi32, #tpu.memory_space<hbm>> -> memref<128xi32, #tpu.memory_space<hbm>>
        tpu.enqueue_dma source(%dma_start3A_101 : memref<128xi32, #tpu.memory_space<hbm>>) target(%dma_start3A_98 : memref<128xi32, #tpu.memory_space<vmem>>) target_semaphore(%run_scoped3A_89 : memref<!tpu.dma_semaphore, #tpu.memory_space<semaphore_mem>>)
        %dma_wait3A_102 = arith.constant 0 : i32
        %dma_wait3A_103 = tpu.memref_slice %arg8[%run_scoped3A_88, %dma_wait3A_102] : memref<79x128xi32, #tpu.memory_space<vmem>> -> memref<1x128xi32, #tpu.memory_space<vmem>>
        %dma_wait3A_104 = tpu.memref_squeeze %dma_wait3A_103 : memref<1x128xi32, #tpu.memory_space<vmem>> -> memref<128xi32, #tpu.memory_space<vmem>>
        %dma_wait3A_105 = arith.constant 0 : i32
        %dma_wait3A_106 = tpu.memref_slice %arg4[%run_scoped3A_87, %add3A_86, %dma_wait3A_105] : memref<2x2500x128xi32, #tpu.memory_space<hbm>> -> memref<1x1x128xi32, #tpu.memory_space<hbm>>
        %dma_wait3A_107 = tpu.memref_squeeze %dma_wait3A_106 : memref<1x1x128xi32, #tpu.memory_space<hbm>> -> memref<128xi32, #tpu.memory_space<hbm>>
        %dma_wait3A_108 = arith.constant 0 : i32
        %dma_wait3A_109 = tpu.memref_slice %arg8[%run_scoped3A_88, %dma_wait3A_108] : memref<79x128xi32, #tpu.memory_space<vmem>> -> memref<1x128xi32, #tpu.memory_space<vmem>>
        %dma_wait3A_110 = tpu.memref_squeeze %dma_wait3A_109 : memref<1x128xi32, #tpu.memory_space<vmem>> -> memref<128xi32, #tpu.memory_space<vmem>>
        %dma_wait3A_111 = arith.constant 0 : i32
        %dma_wait3A_112 = tpu.memref_slice %arg4[%run_scoped3A_87, %add3A_86, %dma_wait3A_111] : memref<2x2500x128xi32, #tpu.memory_space<hbm>> -> memref<1x1x128xi32, #tpu.memory_space<hbm>>
        %dma_wait3A_113 = tpu.memref_squeeze %dma_wait3A_112 : memref<1x1x128xi32, #tpu.memory_space<hbm>> -> memref<128xi32, #tpu.memory_space<hbm>>
        tpu.wait_dma2 semaphore(%run_scoped3A_89 : memref<!tpu.dma_semaphore, #tpu.memory_space<semaphore_mem>>) src(%dma_wait3A_113 : memref<128xi32, #tpu.memory_space<hbm>>) dst(%dma_wait3A_110 : memref<128xi32, #tpu.memory_space<vmem>>)
        tpu.yield
      }) : () -> ()
    } else {
    }
    %lt3A_19 = arith.constant 4 : i32
    %lt3A_20 = arith.cmpi slt, %add3A, %lt3A_19 : i32
    %jit3A = arith.constant 1 : i32
    %jit3A_21 = arith.constant 0 : i32
    %select_n3A = arith.select %lt3A_20, %jit3A, %jit3A_21 : i32
    %add3A_22 = arith.constant 78 : i32
    %add3A_23 = arith.addi %add3A_22, %select_n3A : i32
    %dma_start3A = arith.constant 0 : i32
    %dma_start3A_24 = arith.constant 0 : i32
    %dma_start3A_25 = arith.constant 0 : i32
    %dma_start3A_26 = arith.constant 0 : i32
    %dma_start3A_27 = tpu.memref_slice %arg9[%dma_start3A_24, %dma_start3A_25, %dma_start3A_26] : memref<2x128x32xf32, #tpu.memory_space<vmem>> -> memref<1x128x32xf32, #tpu.memory_space<vmem>>
    %dma_start3A_28 = tpu.memref_squeeze %dma_start3A_27 : memref<1x128x32xf32, #tpu.memory_space<vmem>> -> memref<128x32xf32, #tpu.memory_space<vmem>>
    %dma_start3A_29 = arith.constant 0 : i32
    %dma_start3A_30 = tpu.memref_slice %arg7[%dma_start3A, %dma_start3A_29] : memref<79x128xi32, #tpu.memory_space<vmem>> -> memref<1x128xi32, #tpu.memory_space<vmem>>
    %dma_start3A_31 = tpu.memref_squeeze %dma_start3A_30 : memref<1x128xi32, #tpu.memory_space<vmem>> -> memref<128xi32, #tpu.memory_space<vmem>>
    %dma_start3A_32 = arith.constant 0 : i32
    %dma_start3A_33 = arith.constant 0 : i32
    %dma_start3A_34 = tpu.memref_slice %arg2[%dma_start3A_32, %dma_start3A_33] : memref<10000x32xf32, #tpu.memory_space<hbm>> -> memref<10000x32xf32, #tpu.memory_space<hbm>>
    tpu.enqueue_indirect_dma source(%dma_start3A_34 : memref<10000x32xf32, #tpu.memory_space<hbm>>) target(%dma_start3A_28 : memref<128x32xf32, #tpu.memory_space<vmem>>) offsets(%dma_start3A_31 : memref<128xi32, #tpu.memory_space<vmem>>) semaphore(%arg13 : memref<!tpu.dma_semaphore, #tpu.memory_space<semaphore_mem>>)
    %dma_start3A_35 = arith.constant 0 : i32
    %dma_start3A_36 = arith.constant 0 : i32
    %dma_start3A_37 = arith.constant 0 : i32
    %dma_start3A_38 = arith.constant 0 : i32
    %dma_start3A_39 = tpu.memref_slice %arg10[%dma_start3A_36, %dma_start3A_37, %dma_start3A_38] : memref<2x128x16xf32, #tpu.memory_space<vmem>> -> memref<1x128x16xf32, #tpu.memory_space<vmem>>
    %dma_start3A_40 = tpu.memref_squeeze %dma_start3A_39 : memref<1x128x16xf32, #tpu.memory_space<vmem>> -> memref<128x16xf32, #tpu.memory_space<vmem>>
    %dma_start3A_41 = arith.constant 0 : i32
    %dma_start3A_42 = tpu.memref_slice %arg8[%dma_start3A_35, %dma_start3A_41] : memref<79x128xi32, #tpu.memory_space<vmem>> -> memref<1x128xi32, #tpu.memory_space<vmem>>
    %dma_start3A_43 = tpu.memref_squeeze %dma_start3A_42 : memref<1x128xi32, #tpu.memory_space<vmem>> -> memref<128xi32, #tpu.memory_space<vmem>>
    %dma_start3A_44 = arith.constant 0 : i32
    %dma_start3A_45 = arith.constant 0 : i32
    %dma_start3A_46 = tpu.memref_slice %arg3[%dma_start3A_44, %dma_start3A_45] : memref<10000x16xf32, #tpu.memory_space<hbm>> -> memref<10000x16xf32, #tpu.memory_space<hbm>>
    tpu.enqueue_indirect_dma source(%dma_start3A_46 : memref<10000x16xf32, #tpu.memory_space<hbm>>) target(%dma_start3A_40 : memref<128x16xf32, #tpu.memory_space<vmem>>) offsets(%dma_start3A_43 : memref<128xi32, #tpu.memory_space<vmem>>) semaphore(%arg13 : memref<!tpu.dma_semaphore, #tpu.memory_space<semaphore_mem>>)
    %scan3A = arith.constant 0 : i32
    %scan3A_47 = arith.constant 0 : i32
    %scan3A_48 = arith.constant 40 : i32
    %scan3A_49 = arith.addi %scan3A_47, %scan3A_48 : i32
    %scan3A_50 = arith.constant 1 : i32
    scf.for %scan3A_81 = %scan3A_47 to %scan3A_49 step %scan3A_50  : i32 {
      %mul3A_82 = arith.constant 2 : i32
      %mul3A_83 = arith.muli %mul3A_82, %scan3A_81 : i32
      %add3A_84 = arith.constant 1 : i32
      %add3A_85 = arith.addi %mul3A_83, %add3A_84 : i32
      %lt3A_86 = arith.cmpi slt, %add3A_85, %add3A_23 : i32
      %convert_element_type3A_87 = arith.extui %lt3A_86 : i1 to i32
      %cond3A_88 = arith.constant 0 : i32
      %cond3A_89 = arith.cmpi ne, %convert_element_type3A_87, %cond3A_88 : i32
      scf.if %cond3A_89 {
        %add3A_108 = arith.constant 1 : i32
        %add3A_109 = arith.addi %mul3A_83, %add3A_108 : i32
        %dma_start3A_110 = arith.constant 1 : i32
        %dma_start3A_111 = arith.constant 0 : i32
        %dma_start3A_112 = arith.constant 0 : i32
        %dma_start3A_113 = tpu.memref_slice %arg9[%dma_start3A_110, %dma_start3A_111, %dma_start3A_112] : memref<2x128x32xf32, #tpu.memory_space<vmem>> -> memref<1x128x32xf32, #tpu.memory_space<vmem>>
        %dma_start3A_114 = tpu.memref_squeeze %dma_start3A_113 : memref<1x128x32xf32, #tpu.memory_space<vmem>> -> memref<128x32xf32, #tpu.memory_space<vmem>>
        %dma_start3A_115 = arith.constant 0 : i32
        %dma_start3A_116 = tpu.memref_slice %arg7[%add3A_109, %dma_start3A_115] : memref<79x128xi32, #tpu.memory_space<vmem>> -> memref<1x128xi32, #tpu.memory_space<vmem>>
        %dma_start3A_117 = tpu.memref_squeeze %dma_start3A_116 : memref<1x128xi32, #tpu.memory_space<vmem>> -> memref<128xi32, #tpu.memory_space<vmem>>
        %dma_start3A_118 = arith.constant 0 : i32
        %dma_start3A_119 = arith.constant 0 : i32
        %dma_start3A_120 = tpu.memref_slice %arg2[%dma_start3A_118, %dma_start3A_119] : memref<10000x32xf32, #tpu.memory_space<hbm>> -> memref<10000x32xf32, #tpu.memory_space<hbm>>
        tpu.enqueue_indirect_dma source(%dma_start3A_120 : memref<10000x32xf32, #tpu.memory_space<hbm>>) target(%dma_start3A_114 : memref<128x32xf32, #tpu.memory_space<vmem>>) offsets(%dma_start3A_117 : memref<128xi32, #tpu.memory_space<vmem>>) semaphore(%arg14 : memref<!tpu.dma_semaphore, #tpu.memory_space<semaphore_mem>>)
        %dma_start3A_121 = arith.constant 1 : i32
        %dma_start3A_122 = arith.constant 0 : i32
        %dma_start3A_123 = arith.constant 0 : i32
        %dma_start3A_124 = tpu.memref_slice %arg10[%dma_start3A_121, %dma_start3A_122, %dma_start3A_123] : memref<2x128x16xf32, #tpu.memory_space<vmem>> -> memref<1x128x16xf32, #tpu.memory_space<vmem>>
        %dma_start3A_125 = tpu.memref_squeeze %dma_start3A_124 : memref<1x128x16xf32, #tpu.memory_space<vmem>> -> memref<128x16xf32, #tpu.memory_space<vmem>>
        %dma_start3A_126 = arith.constant 0 : i32
        %dma_start3A_127 = tpu.memref_slice %arg8[%add3A_109, %dma_start3A_126] : memref<79x128xi32, #tpu.memory_space<vmem>> -> memref<1x128xi32, #tpu.memory_space<vmem>>
        %dma_start3A_128 = tpu.memref_squeeze %dma_start3A_127 : memref<1x128xi32, #tpu.memory_space<vmem>> -> memref<128xi32, #tpu.memory_space<vmem>>
        %dma_start3A_129 = arith.constant 0 : i32
        %dma_start3A_130 = arith.constant 0 : i32
        %dma_start3A_131 = tpu.memref_slice %arg3[%dma_start3A_129, %dma_start3A_130] : memref<10000x16xf32, #tpu.memory_space<hbm>> -> memref<10000x16xf32, #tpu.memory_space<hbm>>
        tpu.enqueue_indirect_dma source(%dma_start3A_131 : memref<10000x16xf32, #tpu.memory_space<hbm>>) target(%dma_start3A_125 : memref<128x16xf32, #tpu.memory_space<vmem>>) offsets(%dma_start3A_128 : memref<128xi32, #tpu.memory_space<vmem>>) semaphore(%arg14 : memref<!tpu.dma_semaphore, #tpu.memory_space<semaphore_mem>>)
      } else {
      }
      %lt3A_90 = arith.cmpi slt, %mul3A_83, %add3A_23 : i32
      %convert_element_type3A_91 = arith.extui %lt3A_90 : i1 to i32
      %cond3A_92 = arith.constant 0 : i32
      %cond3A_93 = arith.cmpi ne, %convert_element_type3A_91, %cond3A_92 : i32
      scf.if %cond3A_93 {
        %dma_wait3A_108 = arith.constant 0 : i32
        %dma_wait3A_109 = arith.constant 0 : i32
        %dma_wait3A_110 = arith.constant 0 : i32
        %dma_wait3A_111 = tpu.memref_slice %arg9[%dma_wait3A_108, %dma_wait3A_109, %dma_wait3A_110] : memref<2x128x32xf32, #tpu.memory_space<vmem>> -> memref<1x128x32xf32, #tpu.memory_space<vmem>>
        %dma_wait3A_112 = tpu.memref_squeeze %dma_wait3A_111 : memref<1x128x32xf32, #tpu.memory_space<vmem>> -> memref<128x32xf32, #tpu.memory_space<vmem>>
        %dma_wait3A_113 = arith.constant 0 : i32
        %dma_wait3A_114 = tpu.memref_slice %arg7[%mul3A_83, %dma_wait3A_113] : memref<79x128xi32, #tpu.memory_space<vmem>> -> memref<1x128xi32, #tpu.memory_space<vmem>>
        %dma_wait3A_115 = tpu.memref_squeeze %dma_wait3A_114 : memref<1x128xi32, #tpu.memory_space<vmem>> -> memref<128xi32, #tpu.memory_space<vmem>>
        %dma_wait3A_116 = arith.constant 0 : i32
        %dma_wait3A_117 = arith.constant 0 : i32
        %dma_wait3A_118 = tpu.memref_slice %arg2[%dma_wait3A_116, %dma_wait3A_117] : memref<10000x32xf32, #tpu.memory_space<hbm>> -> memref<10000x32xf32, #tpu.memory_space<hbm>>
        tpu.wait_indirect_dma semaphore(%arg13 : memref<!tpu.dma_semaphore, #tpu.memory_space<semaphore_mem>>) src(%dma_wait3A_118 : memref<10000x32xf32, #tpu.memory_space<hbm>>) dst(%dma_wait3A_112 : memref<128x32xf32, #tpu.memory_space<vmem>>)
        %dma_wait3A_119 = arith.constant 0 : i32
        %dma_wait3A_120 = arith.constant 0 : i32
        %dma_wait3A_121 = arith.constant 0 : i32
        %dma_wait3A_122 = tpu.memref_slice %arg10[%dma_wait3A_119, %dma_wait3A_120, %dma_wait3A_121] : memref<2x128x16xf32, #tpu.memory_space<vmem>> -> memref<1x128x16xf32, #tpu.memory_space<vmem>>
        %dma_wait3A_123 = tpu.memref_squeeze %dma_wait3A_122 : memref<1x128x16xf32, #tpu.memory_space<vmem>> -> memref<128x16xf32, #tpu.memory_space<vmem>>
        %dma_wait3A_124 = arith.constant 0 : i32
        %dma_wait3A_125 = tpu.memref_slice %arg8[%mul3A_83, %dma_wait3A_124] : memref<79x128xi32, #tpu.memory_space<vmem>> -> memref<1x128xi32, #tpu.memory_space<vmem>>
        %dma_wait3A_126 = tpu.memref_squeeze %dma_wait3A_125 : memref<1x128xi32, #tpu.memory_space<vmem>> -> memref<128xi32, #tpu.memory_space<vmem>>
        %dma_wait3A_127 = arith.constant 0 : i32
        %dma_wait3A_128 = arith.constant 0 : i32
        %dma_wait3A_129 = tpu.memref_slice %arg3[%dma_wait3A_127, %dma_wait3A_128] : memref<10000x16xf32, #tpu.memory_space<hbm>> -> memref<10000x16xf32, #tpu.memory_space<hbm>>
        tpu.wait_indirect_dma semaphore(%arg13 : memref<!tpu.dma_semaphore, #tpu.memory_space<semaphore_mem>>) src(%dma_wait3A_129 : memref<10000x16xf32, #tpu.memory_space<hbm>>) dst(%dma_wait3A_123 : memref<128x16xf32, #tpu.memory_space<vmem>>)
        %ge3A = arith.constant 2 : i32
        %ge3A_130 = arith.cmpi sge, %mul3A_83, %ge3A : i32
        %convert_element_type3A_131 = arith.extui %ge3A_130 : i1 to i32
        %cond3A_132 = arith.constant 0 : i32
        %cond3A_133 = arith.cmpi ne, %convert_element_type3A_131, %cond3A_132 : i32
        scf.if %cond3A_133 {
          %sub3A = arith.constant 2 : i32
          %sub3A_151 = arith.subi %mul3A_83, %sub3A : i32
          %dma_wait3A_152 = arith.constant 0 : i32
          %dma_wait3A_153 = arith.constant 0 : i32
          %dma_wait3A_154 = arith.constant 0 : i32
          %dma_wait3A_155 = tpu.memref_slice %arg11[%dma_wait3A_152, %dma_wait3A_153, %dma_wait3A_154] : memref<2x128x32xf32, #tpu.memory_space<vmem>> -> memref<1x128x32xf32, #tpu.memory_space<vmem>>
          %dma_wait3A_156 = tpu.memref_squeeze %dma_wait3A_155 : memref<1x128x32xf32, #tpu.memory_space<vmem>> -> memref<128x32xf32, #tpu.memory_space<vmem>>
          %dma_wait3A_157 = arith.constant 0 : i32
          %dma_wait3A_158 = tpu.memref_slice %arg8[%sub3A_151, %dma_wait3A_157] : memref<79x128xi32, #tpu.memory_space<vmem>> -> memref<1x128xi32, #tpu.memory_space<vmem>>
          %dma_wait3A_159 = tpu.memref_squeeze %dma_wait3A_158 : memref<1x128xi32, #tpu.memory_space<vmem>> -> memref<128xi32, #tpu.memory_space<vmem>>
          %dma_wait3A_160 = arith.constant 0 : i32
          %dma_wait3A_161 = arith.constant 0 : i32
          %dma_wait3A_162 = tpu.memref_slice %arg12[%dma_wait3A_160, %dma_wait3A_161] : memref<10000x32xf32, #tpu.memory_space<vmem_shared>> -> memref<10000x32xf32, #tpu.memory_space<vmem_shared>>
          tpu.wait_indirect_dma semaphore(%arg15 : memref<!tpu.dma_semaphore, #tpu.memory_space<semaphore_mem>>) src(%dma_wait3A_156 : memref<128x32xf32, #tpu.memory_space<vmem>>) dst(%dma_wait3A_162 : memref<10000x32xf32, #tpu.memory_space<vmem_shared>>)
        } else {
        }
        %broadcast_in_dim3A = arith.constant 0 : i32
        %broadcast_in_dim3A_134 = vector.broadcast %broadcast_in_dim3A : i32 to vector<16xi32>
        %parallel_loop3A = arith.constant 0 : i32
        %parallel_loop3A_135 = arith.constant 128 : i32
        %parallel_loop3A_136 = arith.constant 1 : i32
        scf.for %parallel_loop3A_151 = %parallel_loop3A to %parallel_loop3A_135 step %parallel_loop3A_136  : i32 {
          %parallel_loop3A_152 = arith.constant 0 : i32
          %parallel_loop3A_153 = arith.index_cast %parallel_loop3A_152 : i32 to index
          %parallel_loop3A_154 = arith.index_cast %parallel_loop3A_151 : i32 to index
          %parallel_loop3A_155 = arith.constant 16 : index
          %parallel_loop3A_156 = tpu.vector_load %arg9[%parallel_loop3A_153, %parallel_loop3A_154, %parallel_loop3A_155] {strides = array<i32>} : memref<2x128x32xf32, #tpu.memory_space<vmem>>, vector<16xf32>,
          %parallel_loop3A_157 = arith.constant 0 : i32
          %parallel_loop3A_158 = arith.index_cast %parallel_loop3A_157 : i32 to index
          %parallel_loop3A_159 = arith.index_cast %parallel_loop3A_151 : i32 to index
          %parallel_loop3A_160 = arith.constant 0 : index
          %parallel_loop3A_161 = tpu.vector_load %arg10[%parallel_loop3A_158, %parallel_loop3A_159, %parallel_loop3A_160] {strides = array<i32>} : memref<2x128x16xf32, #tpu.memory_space<vmem>>, vector<16xf32>,
          %parallel_loop3A_162 = arith.addf %parallel_loop3A_156, %parallel_loop3A_161 : vector<16xf32>
          %parallel_loop3A_163 = arith.constant 2.000000e-01 : f32
          %parallel_loop3A_164 = vector.broadcast %parallel_loop3A_163 : f32 to vector<16xf32>
          %parallel_loop3A_165 = arith.mulf %parallel_loop3A_164, %parallel_loop3A_162 : vector<16xf32>
          %parallel_loop3A_166 = arith.maximumf %parallel_loop3A_162, %parallel_loop3A_165 : vector<16xf32>
          %parallel_loop3A_167 = math.exp %parallel_loop3A_166 : vector<16xf32>
          %parallel_loop3A_168 = arith.constant 0 : i32
          %parallel_loop3A_169 = arith.index_cast %parallel_loop3A_168 : i32 to index
          %parallel_loop3A_170 = arith.index_cast %parallel_loop3A_151 : i32 to index
          %parallel_loop3A_171 = arith.constant 16 : index
          %parallel_loop3A_172 = tpu.vector_load %arg11[%parallel_loop3A_169, %parallel_loop3A_170, %parallel_loop3A_171] {strides = array<i32>} : memref<2x128x32xf32, #tpu.memory_space<vmem>>, vector<16xf32>,
          tpu.vector_store %arg11[%parallel_loop3A_169, %parallel_loop3A_170, %parallel_loop3A_171], %parallel_loop3A_167 {strides = array<i32>} : memref<2x128x32xf32, #tpu.memory_space<vmem>>, vector<16xf32>,
        } {sc.loop_unroll_factor = 4 : i64, sc.parallel_access}
        %parallel_loop3A_137 = arith.constant 0 : i32
        %parallel_loop3A_138 = arith.constant 128 : i32
        %parallel_loop3A_139 = arith.constant 1 : i32
        scf.for %parallel_loop3A_151 = %parallel_loop3A_137 to %parallel_loop3A_138 step %parallel_loop3A_139  : i32 {
          %parallel_loop3A_152 = arith.constant 0 : i32
          %parallel_loop3A_153 = arith.index_cast %parallel_loop3A_152 : i32 to index
          %parallel_loop3A_154 = arith.index_cast %parallel_loop3A_151 : i32 to index
          %parallel_loop3A_155 = arith.constant 16 : index
          %parallel_loop3A_156 = tpu.vector_load %arg11[%parallel_loop3A_153, %parallel_loop3A_154, %parallel_loop3A_155] {strides = array<i32>} : memref<2x128x32xf32, #tpu.memory_space<vmem>>, vector<16xf32>,
          %parallel_loop3A_157 = arith.constant 0 : i32
          %parallel_loop3A_158 = arith.index_cast %parallel_loop3A_157 : i32 to index
          %parallel_loop3A_159 = arith.index_cast %parallel_loop3A_151 : i32 to index
          %parallel_loop3A_160 = arith.constant 0 : index
          %parallel_loop3A_161 = tpu.vector_load %arg9[%parallel_loop3A_158, %parallel_loop3A_159, %parallel_loop3A_160] {strides = array<i32>} : memref<2x128x32xf32, #tpu.memory_space<vmem>>, vector<16xf32>,
          %parallel_loop3A_162 = arith.mulf %parallel_loop3A_161, %parallel_loop3A_156 : vector<16xf32>
          %parallel_loop3A_163 = arith.constant 0 : i32
          %parallel_loop3A_164 = arith.index_cast %parallel_loop3A_163 : i32 to index
          %parallel_loop3A_165 = arith.index_cast %parallel_loop3A_151 : i32 to index
          %parallel_loop3A_166 = arith.constant 0 : index
          %parallel_loop3A_167 = tpu.vector_load %arg11[%parallel_loop3A_164, %parallel_loop3A_165, %parallel_loop3A_166] {strides = array<i32>} : memref<2x128x32xf32, #tpu.memory_space<vmem>>, vector<16xf32>,
          tpu.vector_store %arg11[%parallel_loop3A_164, %parallel_loop3A_165, %parallel_loop3A_166], %parallel_loop3A_162 {strides = array<i32>} : memref<2x128x32xf32, #tpu.memory_space<vmem>>, vector<16xf32>,
        } {sc.loop_unroll_factor = 8 : i64, sc.parallel_access}
        %dma_start3A_140 = arith.constant 0 : i32
        %dma_start3A_141 = arith.constant 0 : i32
        %dma_start3A_142 = arith.constant 0 : i32
        %dma_start3A_143 = tpu.memref_slice %arg11[%dma_start3A_140, %dma_start3A_141, %dma_start3A_142] : memref<2x128x32xf32, #tpu.memory_space<vmem>> -> memref<1x128x32xf32, #tpu.memory_space<vmem>>
        %dma_start3A_144 = tpu.memref_squeeze %dma_start3A_143 : memref<1x128x32xf32, #tpu.memory_space<vmem>> -> memref<128x32xf32, #tpu.memory_space<vmem>>
        %dma_start3A_145 = arith.constant 0 : i32
        %dma_start3A_146 = tpu.memref_slice %arg8[%mul3A_83, %dma_start3A_145] : memref<79x128xi32, #tpu.memory_space<vmem>> -> memref<1x128xi32, #tpu.memory_space<vmem>>
        %dma_start3A_147 = tpu.memref_squeeze %dma_start3A_146 : memref<1x128xi32, #tpu.memory_space<vmem>> -> memref<128xi32, #tpu.memory_space<vmem>>
        %dma_start3A_148 = arith.constant 0 : i32
        %dma_start3A_149 = arith.constant 0 : i32
        %dma_start3A_150 = tpu.memref_slice %arg12[%dma_start3A_148, %dma_start3A_149] : memref<10000x32xf32, #tpu.memory_space<vmem_shared>> -> memref<10000x32xf32, #tpu.memory_space<vmem_shared>>
        tpu.enqueue_indirect_dma source(%dma_start3A_144 : memref<128x32xf32, #tpu.memory_space<vmem>>) target(%dma_start3A_150 : memref<10000x32xf32, #tpu.memory_space<vmem_shared>>) offsets(%dma_start3A_147 : memref<128xi32, #tpu.memory_space<vmem>>) semaphore(%arg15 : memref<!tpu.dma_semaphore, #tpu.memory_space<semaphore_mem>>) {add = true}
      } else {
      }
      %mul3A_94 = arith.constant 2 : i32
      %mul3A_95 = arith.muli %mul3A_94, %scan3A_81 : i32
      %add3A_96 = arith.constant 1 : i32
      %add3A_97 = arith.addi %mul3A_95, %add3A_96 : i32
      %add3A_98 = arith.constant 1 : i32
      %add3A_99 = arith.addi %add3A_97, %add3A_98 : i32
      %lt3A_100 = arith.cmpi slt, %add3A_99, %add3A_23 : i32
      %convert_element_type3A_101 = arith.extui %lt3A_100 : i1 to i32
      %cond3A_102 = arith.constant 0 : i32
      %cond3A_103 = arith.cmpi ne, %convert_element_type3A_101, %cond3A_102 : i32
      scf.if %cond3A_103 {
        %add3A_108 = arith.constant 1 : i32
        %add3A_109 = arith.addi %add3A_97, %add3A_108 : i32
        %dma_start3A_110 = arith.constant 0 : i32
        %dma_start3A_111 = arith.constant 0 : i32
        %dma_start3A_112 = arith.constant 0 : i32
        %dma_start3A_113 = tpu.memref_slice %arg9[%dma_start3A_110, %dma_start3A_111, %dma_start3A_112] : memref<2x128x32xf32, #tpu.memory_space<vmem>> -> memref<1x128x32xf32, #tpu.memory_space<vmem>>
        %dma_start3A_114 = tpu.memref_squeeze %dma_start3A_113 : memref<1x128x32xf32, #tpu.memory_space<vmem>> -> memref<128x32xf32, #tpu.memory_space<vmem>>
        %dma_start3A_115 = arith.constant 0 : i32
        %dma_start3A_116 = tpu.memref_slice %arg7[%add3A_109, %dma_start3A_115] : memref<79x128xi32, #tpu.memory_space<vmem>> -> memref<1x128xi32, #tpu.memory_space<vmem>>
        %dma_start3A_117 = tpu.memref_squeeze %dma_start3A_116 : memref<1x128xi32, #tpu.memory_space<vmem>> -> memref<128xi32, #tpu.memory_space<vmem>>
        %dma_start3A_118 = arith.constant 0 : i32
        %dma_start3A_119 = arith.constant 0 : i32
        %dma_start3A_120 = tpu.memref_slice %arg2[%dma_start3A_118, %dma_start3A_119] : memref<10000x32xf32, #tpu.memory_space<hbm>> -> memref<10000x32xf32, #tpu.memory_space<hbm>>
        tpu.enqueue_indirect_dma source(%dma_start3A_120 : memref<10000x32xf32, #tpu.memory_space<hbm>>) target(%dma_start3A_114 : memref<128x32xf32, #tpu.memory_space<vmem>>) offsets(%dma_start3A_117 : memref<128xi32, #tpu.memory_space<vmem>>) semaphore(%arg13 : memref<!tpu.dma_semaphore, #tpu.memory_space<semaphore_mem>>)
        %dma_start3A_121 = arith.constant 0 : i32
        %dma_start3A_122 = arith.constant 0 : i32
        %dma_start3A_123 = arith.constant 0 : i32
        %dma_start3A_124 = tpu.memref_slice %arg10[%dma_start3A_121, %dma_start3A_122, %dma_start3A_123] : memref<2x128x16xf32, #tpu.memory_space<vmem>> -> memref<1x128x16xf32, #tpu.memory_space<vmem>>
        %dma_start3A_125 = tpu.memref_squeeze %dma_start3A_124 : memref<1x128x16xf32, #tpu.memory_space<vmem>> -> memref<128x16xf32, #tpu.memory_space<vmem>>
        %dma_start3A_126 = arith.constant 0 : i32
        %dma_start3A_127 = tpu.memref_slice %arg8[%add3A_109, %dma_start3A_126] : memref<79x128xi32, #tpu.memory_space<vmem>> -> memref<1x128xi32, #tpu.memory_space<vmem>>
        %dma_start3A_128 = tpu.memref_squeeze %dma_start3A_127 : memref<1x128xi32, #tpu.memory_space<vmem>> -> memref<128xi32, #tpu.memory_space<vmem>>
        %dma_start3A_129 = arith.constant 0 : i32
        %dma_start3A_130 = arith.constant 0 : i32
        %dma_start3A_131 = tpu.memref_slice %arg3[%dma_start3A_129, %dma_start3A_130] : memref<10000x16xf32, #tpu.memory_space<hbm>> -> memref<10000x16xf32, #tpu.memory_space<hbm>>
        tpu.enqueue_indirect_dma source(%dma_start3A_131 : memref<10000x16xf32, #tpu.memory_space<hbm>>) target(%dma_start3A_125 : memref<128x16xf32, #tpu.memory_space<vmem>>) offsets(%dma_start3A_128 : memref<128xi32, #tpu.memory_space<vmem>>) semaphore(%arg13 : memref<!tpu.dma_semaphore, #tpu.memory_space<semaphore_mem>>)
      } else {
      }
      %lt3A_104 = arith.cmpi slt, %add3A_97, %add3A_23 : i32
      %convert_element_type3A_105 = arith.extui %lt3A_104 : i1 to i32
      %cond3A_106 = arith.constant 0 : i32
      %cond3A_107 = arith.cmpi ne, %convert_element_type3A_105, %cond3A_106 : i32
      scf.if %cond3A_107 {
        %dma_wait3A_108 = arith.constant 1 : i32
        %dma_wait3A_109 = arith.constant 0 : i32
        %dma_wait3A_110 = arith.constant 0 : i32
        %dma_wait3A_111 = tpu.memref_slice %arg9[%dma_wait3A_108, %dma_wait3A_109, %dma_wait3A_110] : memref<2x128x32xf32, #tpu.memory_space<vmem>> -> memref<1x128x32xf32, #tpu.memory_space<vmem>>
        %dma_wait3A_112 = tpu.memref_squeeze %dma_wait3A_111 : memref<1x128x32xf32, #tpu.memory_space<vmem>> -> memref<128x32xf32, #tpu.memory_space<vmem>>
        %dma_wait3A_113 = arith.constant 0 : i32
        %dma_wait3A_114 = tpu.memref_slice %arg7[%add3A_97, %dma_wait3A_113] : memref<79x128xi32, #tpu.memory_space<vmem>> -> memref<1x128xi32, #tpu.memory_space<vmem>>
        %dma_wait3A_115 = tpu.memref_squeeze %dma_wait3A_114 : memref<1x128xi32, #tpu.memory_space<vmem>> -> memref<128xi32, #tpu.memory_space<vmem>>
        %dma_wait3A_116 = arith.constant 0 : i32
        %dma_wait3A_117 = arith.constant 0 : i32
        %dma_wait3A_118 = tpu.memref_slice %arg2[%dma_wait3A_116, %dma_wait3A_117] : memref<10000x32xf32, #tpu.memory_space<hbm>> -> memref<10000x32xf32, #tpu.memory_space<hbm>>
        tpu.wait_indirect_dma semaphore(%arg14 : memref<!tpu.dma_semaphore, #tpu.memory_space<semaphore_mem>>) src(%dma_wait3A_118 : memref<10000x32xf32, #tpu.memory_space<hbm>>) dst(%dma_wait3A_112 : memref<128x32xf32, #tpu.memory_space<vmem>>)
        %dma_wait3A_119 = arith.constant 1 : i32
        %dma_wait3A_120 = arith.constant 0 : i32
        %dma_wait3A_121 = arith.constant 0 : i32
        %dma_wait3A_122 = tpu.memref_slice %arg10[%dma_wait3A_119, %dma_wait3A_120, %dma_wait3A_121] : memref<2x128x16xf32, #tpu.memory_space<vmem>> -> memref<1x128x16xf32, #tpu.memory_space<vmem>>
        %dma_wait3A_123 = tpu.memref_squeeze %dma_wait3A_122 : memref<1x128x16xf32, #tpu.memory_space<vmem>> -> memref<128x16xf32, #tpu.memory_space<vmem>>
        %dma_wait3A_124 = arith.constant 0 : i32
        %dma_wait3A_125 = tpu.memref_slice %arg8[%add3A_97, %dma_wait3A_124] : memref<79x128xi32, #tpu.memory_space<vmem>> -> memref<1x128xi32, #tpu.memory_space<vmem>>
        %dma_wait3A_126 = tpu.memref_squeeze %dma_wait3A_125 : memref<1x128xi32, #tpu.memory_space<vmem>> -> memref<128xi32, #tpu.memory_space<vmem>>
        %dma_wait3A_127 = arith.constant 0 : i32
        %dma_wait3A_128 = arith.constant 0 : i32
        %dma_wait3A_129 = tpu.memref_slice %arg3[%dma_wait3A_127, %dma_wait3A_128] : memref<10000x16xf32, #tpu.memory_space<hbm>> -> memref<10000x16xf32, #tpu.memory_space<hbm>>
        tpu.wait_indirect_dma semaphore(%arg14 : memref<!tpu.dma_semaphore, #tpu.memory_space<semaphore_mem>>) src(%dma_wait3A_129 : memref<10000x16xf32, #tpu.memory_space<hbm>>) dst(%dma_wait3A_123 : memref<128x16xf32, #tpu.memory_space<vmem>>)
        %ge3A = arith.constant 2 : i32
        %ge3A_130 = arith.cmpi sge, %add3A_97, %ge3A : i32
        %convert_element_type3A_131 = arith.extui %ge3A_130 : i1 to i32
        %cond3A_132 = arith.constant 0 : i32
        %cond3A_133 = arith.cmpi ne, %convert_element_type3A_131, %cond3A_132 : i32
        scf.if %cond3A_133 {
          %sub3A = arith.constant 2 : i32
          %sub3A_151 = arith.subi %add3A_97, %sub3A : i32
          %dma_wait3A_152 = arith.constant 1 : i32
          %dma_wait3A_153 = arith.constant 0 : i32
          %dma_wait3A_154 = arith.constant 0 : i32
          %dma_wait3A_155 = tpu.memref_slice %arg11[%dma_wait3A_152, %dma_wait3A_153, %dma_wait3A_154] : memref<2x128x32xf32, #tpu.memory_space<vmem>> -> memref<1x128x32xf32, #tpu.memory_space<vmem>>
          %dma_wait3A_156 = tpu.memref_squeeze %dma_wait3A_155 : memref<1x128x32xf32, #tpu.memory_space<vmem>> -> memref<128x32xf32, #tpu.memory_space<vmem>>
          %dma_wait3A_157 = arith.constant 0 : i32
          %dma_wait3A_158 = tpu.memref_slice %arg8[%sub3A_151, %dma_wait3A_157] : memref<79x128xi32, #tpu.memory_space<vmem>> -> memref<1x128xi32, #tpu.memory_space<vmem>>
          %dma_wait3A_159 = tpu.memref_squeeze %dma_wait3A_158 : memref<1x128xi32, #tpu.memory_space<vmem>> -> memref<128xi32, #tpu.memory_space<vmem>>
          %dma_wait3A_160 = arith.constant 0 : i32
          %dma_wait3A_161 = arith.constant 0 : i32
          %dma_wait3A_162 = tpu.memref_slice %arg12[%dma_wait3A_160, %dma_wait3A_161] : memref<10000x32xf32, #tpu.memory_space<vmem_shared>> -> memref<10000x32xf32, #tpu.memory_space<vmem_shared>>
          tpu.wait_indirect_dma semaphore(%arg16 : memref<!tpu.dma_semaphore, #tpu.memory_space<semaphore_mem>>) src(%dma_wait3A_156 : memref<128x32xf32, #tpu.memory_space<vmem>>) dst(%dma_wait3A_162 : memref<10000x32xf32, #tpu.memory_space<vmem_shared>>)
        } else {
        }
        %broadcast_in_dim3A = arith.constant 1 : i32
        %broadcast_in_dim3A_134 = vector.broadcast %broadcast_in_dim3A : i32 to vector<16xi32>
        %parallel_loop3A = arith.constant 0 : i32
        %parallel_loop3A_135 = arith.constant 128 : i32
        %parallel_loop3A_136 = arith.constant 1 : i32
        scf.for %parallel_loop3A_151 = %parallel_loop3A to %parallel_loop3A_135 step %parallel_loop3A_136  : i32 {
          %parallel_loop3A_152 = arith.constant 1 : i32
          %parallel_loop3A_153 = arith.index_cast %parallel_loop3A_152 : i32 to index
          %parallel_loop3A_154 = arith.index_cast %parallel_loop3A_151 : i32 to index
          %parallel_loop3A_155 = arith.constant 16 : index
          %parallel_loop3A_156 = tpu.vector_load %arg9[%parallel_loop3A_153, %parallel_loop3A_154, %parallel_loop3A_155] {strides = array<i32>} : memref<2x128x32xf32, #tpu.memory_space<vmem>>, vector<16xf32>,
          %parallel_loop3A_157 = arith.constant 1 : i32
          %parallel_loop3A_158 = arith.index_cast %parallel_loop3A_157 : i32 to index
          %parallel_loop3A_159 = arith.index_cast %parallel_loop3A_151 : i32 to index
          %parallel_loop3A_160 = arith.constant 0 : index
          %parallel_loop3A_161 = tpu.vector_load %arg10[%parallel_loop3A_158, %parallel_loop3A_159, %parallel_loop3A_160] {strides = array<i32>} : memref<2x128x16xf32, #tpu.memory_space<vmem>>, vector<16xf32>,
          %parallel_loop3A_162 = arith.addf %parallel_loop3A_156, %parallel_loop3A_161 : vector<16xf32>
          %parallel_loop3A_163 = arith.constant 2.000000e-01 : f32
          %parallel_loop3A_164 = vector.broadcast %parallel_loop3A_163 : f32 to vector<16xf32>
          %parallel_loop3A_165 = arith.mulf %parallel_loop3A_164, %parallel_loop3A_162 : vector<16xf32>
          %parallel_loop3A_166 = arith.maximumf %parallel_loop3A_162, %parallel_loop3A_165 : vector<16xf32>
          %parallel_loop3A_167 = math.exp %parallel_loop3A_166 : vector<16xf32>
          %parallel_loop3A_168 = arith.constant 1 : i32
          %parallel_loop3A_169 = arith.index_cast %parallel_loop3A_168 : i32 to index
          %parallel_loop3A_170 = arith.index_cast %parallel_loop3A_151 : i32 to index
          %parallel_loop3A_171 = arith.constant 16 : index
          %parallel_loop3A_172 = tpu.vector_load %arg11[%parallel_loop3A_169, %parallel_loop3A_170, %parallel_loop3A_171] {strides = array<i32>} : memref<2x128x32xf32, #tpu.memory_space<vmem>>, vector<16xf32>,
          tpu.vector_store %arg11[%parallel_loop3A_169, %parallel_loop3A_170, %parallel_loop3A_171], %parallel_loop3A_167 {strides = array<i32>} : memref<2x128x32xf32, #tpu.memory_space<vmem>>, vector<16xf32>,
        } {sc.loop_unroll_factor = 4 : i64, sc.parallel_access}
        %parallel_loop3A_137 = arith.constant 0 : i32
        %parallel_loop3A_138 = arith.constant 128 : i32
        %parallel_loop3A_139 = arith.constant 1 : i32
        scf.for %parallel_loop3A_151 = %parallel_loop3A_137 to %parallel_loop3A_138 step %parallel_loop3A_139  : i32 {
          %parallel_loop3A_152 = arith.constant 1 : i32
          %parallel_loop3A_153 = arith.index_cast %parallel_loop3A_152 : i32 to index
          %parallel_loop3A_154 = arith.index_cast %parallel_loop3A_151 : i32 to index
          %parallel_loop3A_155 = arith.constant 16 : index
          %parallel_loop3A_156 = tpu.vector_load %arg11[%parallel_loop3A_153, %parallel_loop3A_154, %parallel_loop3A_155] {strides = array<i32>} : memref<2x128x32xf32, #tpu.memory_space<vmem>>, vector<16xf32>,
          %parallel_loop3A_157 = arith.constant 1 : i32
          %parallel_loop3A_158 = arith.index_cast %parallel_loop3A_157 : i32 to index
          %parallel_loop3A_159 = arith.index_cast %parallel_loop3A_151 : i32 to index
          %parallel_loop3A_160 = arith.constant 0 : index
          %parallel_loop3A_161 = tpu.vector_load %arg9[%parallel_loop3A_158, %parallel_loop3A_159, %parallel_loop3A_160] {strides = array<i32>} : memref<2x128x32xf32, #tpu.memory_space<vmem>>, vector<16xf32>,
          %parallel_loop3A_162 = arith.mulf %parallel_loop3A_161, %parallel_loop3A_156 : vector<16xf32>
          %parallel_loop3A_163 = arith.constant 1 : i32
          %parallel_loop3A_164 = arith.index_cast %parallel_loop3A_163 : i32 to index
          %parallel_loop3A_165 = arith.index_cast %parallel_loop3A_151 : i32 to index
          %parallel_loop3A_166 = arith.constant 0 : index
          %parallel_loop3A_167 = tpu.vector_load %arg11[%parallel_loop3A_164, %parallel_loop3A_165, %parallel_loop3A_166] {strides = array<i32>} : memref<2x128x32xf32, #tpu.memory_space<vmem>>, vector<16xf32>,
          tpu.vector_store %arg11[%parallel_loop3A_164, %parallel_loop3A_165, %parallel_loop3A_166], %parallel_loop3A_162 {strides = array<i32>} : memref<2x128x32xf32, #tpu.memory_space<vmem>>, vector<16xf32>,
        } {sc.loop_unroll_factor = 8 : i64, sc.parallel_access}
        %dma_start3A_140 = arith.constant 1 : i32
        %dma_start3A_141 = arith.constant 0 : i32
        %dma_start3A_142 = arith.constant 0 : i32
        %dma_start3A_143 = tpu.memref_slice %arg11[%dma_start3A_140, %dma_start3A_141, %dma_start3A_142] : memref<2x128x32xf32, #tpu.memory_space<vmem>> -> memref<1x128x32xf32, #tpu.memory_space<vmem>>
        %dma_start3A_144 = tpu.memref_squeeze %dma_start3A_143 : memref<1x128x32xf32, #tpu.memory_space<vmem>> -> memref<128x32xf32, #tpu.memory_space<vmem>>
        %dma_start3A_145 = arith.constant 0 : i32
        %dma_start3A_146 = tpu.memref_slice %arg8[%add3A_97, %dma_start3A_145] : memref<79x128xi32, #tpu.memory_space<vmem>> -> memref<1x128xi32, #tpu.memory_space<vmem>>
        %dma_start3A_147 = tpu.memref_squeeze %dma_start3A_146 : memref<1x128xi32, #tpu.memory_space<vmem>> -> memref<128xi32, #tpu.memory_space<vmem>>
        %dma_start3A_148 = arith.constant 0 : i32
        %dma_start3A_149 = arith.constant 0 : i32
        %dma_start3A_150 = tpu.memref_slice %arg12[%dma_start3A_148, %dma_start3A_149] : memref<10000x32xf32, #tpu.memory_space<vmem_shared>> -> memref<10000x32xf32, #tpu.memory_space<vmem_shared>>
        tpu.enqueue_indirect_dma source(%dma_start3A_144 : memref<128x32xf32, #tpu.memory_space<vmem>>) target(%dma_start3A_150 : memref<10000x32xf32, #tpu.memory_space<vmem_shared>>) offsets(%dma_start3A_147 : memref<128xi32, #tpu.memory_space<vmem>>) semaphore(%arg16 : memref<!tpu.dma_semaphore, #tpu.memory_space<semaphore_mem>>) {add = true}
      } else {
      }
    }
    %scan3A_51 = arith.constant 40 : i32
    %dma_wait3A = arith.constant 1 : i32
    %dma_wait3A_52 = arith.constant 0 : i32
    %dma_wait3A_53 = arith.constant 0 : i32
    %dma_wait3A_54 = arith.constant 0 : i32
    %dma_wait3A_55 = tpu.memref_slice %arg11[%dma_wait3A, %dma_wait3A_53, %dma_wait3A_54] : memref<2x128x32xf32, #tpu.memory_space<vmem>> -> memref<1x128x32xf32, #tpu.memory_space<vmem>>
    %dma_wait3A_56 = tpu.memref_squeeze %dma_wait3A_55 : memref<1x128x32xf32, #tpu.memory_space<vmem>> -> memref<128x32xf32, #tpu.memory_space<vmem>>
    %dma_wait3A_57 = arith.constant 0 : i32
    %dma_wait3A_58 = tpu.memref_slice %arg8[%dma_wait3A_52, %dma_wait3A_57] : memref<79x128xi32, #tpu.memory_space<vmem>> -> memref<1x128xi32, #tpu.memory_space<vmem>>
    %dma_wait3A_59 = tpu.memref_squeeze %dma_wait3A_58 : memref<1x128xi32, #tpu.memory_space<vmem>> -> memref<128xi32, #tpu.memory_space<vmem>>
    %dma_wait3A_60 = arith.constant 0 : i32
    %dma_wait3A_61 = arith.constant 0 : i32
    %dma_wait3A_62 = tpu.memref_slice %arg12[%dma_wait3A_60, %dma_wait3A_61] : memref<10000x32xf32, #tpu.memory_space<vmem_shared>> -> memref<10000x32xf32, #tpu.memory_space<vmem_shared>>
    tpu.wait_indirect_dma semaphore(%arg16 : memref<!tpu.dma_semaphore, #tpu.memory_space<semaphore_mem>>) src(%dma_wait3A_56 : memref<128x32xf32, #tpu.memory_space<vmem>>) dst(%dma_wait3A_62 : memref<10000x32xf32, #tpu.memory_space<vmem_shared>>)
    %dma_wait3A_63 = arith.constant 0 : i32
    %dma_wait3A_64 = arith.constant 0 : i32
    %dma_wait3A_65 = arith.constant 0 : i32
    %dma_wait3A_66 = arith.constant 0 : i32
    %dma_wait3A_67 = tpu.memref_slice %arg11[%dma_wait3A_63, %dma_wait3A_65, %dma_wait3A_66] : memref<2x128x32xf32, #tpu.memory_space<vmem>> -> memref<1x128x32xf32, #tpu.memory_space<vmem>>
    %dma_wait3A_68 = tpu.memref_squeeze %dma_wait3A_67 : memref<1x128x32xf32, #tpu.memory_space<vmem>> -> memref<128x32xf32, #tpu.memory_space<vmem>>
    %dma_wait3A_69 = arith.constant 0 : i32
    %dma_wait3A_70 = tpu.memref_slice %arg8[%dma_wait3A_64, %dma_wait3A_69] : memref<79x128xi32, #tpu.memory_space<vmem>> -> memref<1x128xi32, #tpu.memory_space<vmem>>
    %dma_wait3A_71 = tpu.memref_squeeze %dma_wait3A_70 : memref<1x128xi32, #tpu.memory_space<vmem>> -> memref<128xi32, #tpu.memory_space<vmem>>
    %dma_wait3A_72 = arith.constant 0 : i32
    %dma_wait3A_73 = arith.constant 0 : i32
    %dma_wait3A_74 = tpu.memref_slice %arg12[%dma_wait3A_72, %dma_wait3A_73] : memref<10000x32xf32, #tpu.memory_space<vmem_shared>> -> memref<10000x32xf32, #tpu.memory_space<vmem_shared>>
    tpu.wait_indirect_dma semaphore(%arg15 : memref<!tpu.dma_semaphore, #tpu.memory_space<semaphore_mem>>) src(%dma_wait3A_68 : memref<128x32xf32, #tpu.memory_space<vmem>>) dst(%dma_wait3A_74 : memref<10000x32xf32, #tpu.memory_space<vmem_shared>>)
    %barrier3A_75 = arith.constant 0 : index
    tpu.barrier barrier_id(%barrier3A_75)
    "tpu.region"() ({
      %run_scoped3A_81 = tpu.sem_alloc : memref<!tpu.dma_semaphore, #tpu.memory_space<semaphore_mem>>
      %dma_start3A_82 = arith.constant 0 : i32
      %dma_start3A_83 = tpu.memref_slice %arg6[%arg0, %mul3A_2, %dma_start3A_82] : memref<2x10000x32xf32, #tpu.memory_space<hbm>> -> memref<1x624x32xf32, #tpu.memory_space<hbm>>
      %dma_start3A_84 = tpu.memref_squeeze %dma_start3A_83 : memref<1x624x32xf32, #tpu.memory_space<hbm>> -> memref<624x32xf32, #tpu.memory_space<hbm>>
      %dma_start3A_85 = arith.constant 0 : i32
      %dma_start3A_86 = tpu.memref_slice %arg12[%mul3A_2, %dma_start3A_85] : memref<10000x32xf32, #tpu.memory_space<vmem_shared>> -> memref<624x32xf32, #tpu.memory_space<vmem_shared>>
      tpu.enqueue_dma source(%dma_start3A_86 : memref<624x32xf32, #tpu.memory_space<vmem_shared>>) target(%dma_start3A_84 : memref<624x32xf32, #tpu.memory_space<hbm>>) target_semaphore(%run_scoped3A_81 : memref<!tpu.dma_semaphore, #tpu.memory_space<semaphore_mem>>)
      %dma_wait3A_87 = arith.constant 0 : i32
      %dma_wait3A_88 = tpu.memref_slice %arg6[%arg0, %mul3A_2, %dma_wait3A_87] : memref<2x10000x32xf32, #tpu.memory_space<hbm>> -> memref<1x624x32xf32, #tpu.memory_space<hbm>>
      %dma_wait3A_89 = tpu.memref_squeeze %dma_wait3A_88 : memref<1x624x32xf32, #tpu.memory_space<hbm>> -> memref<624x32xf32, #tpu.memory_space<hbm>>
      %dma_wait3A_90 = arith.constant 0 : i32
      %dma_wait3A_91 = tpu.memref_slice %arg12[%mul3A_2, %dma_wait3A_90] : memref<10000x32xf32, #tpu.memory_space<vmem_shared>> -> memref<624x32xf32, #tpu.memory_space<vmem_shared>>
      tpu.wait_dma2 semaphore(%run_scoped3A_81 : memref<!tpu.dma_semaphore, #tpu.memory_space<semaphore_mem>>) src(%dma_wait3A_91 : memref<624x32xf32, #tpu.memory_space<vmem_shared>>) dst(%dma_wait3A_89 : memref<624x32xf32, #tpu.memory_space<hbm>>)
      tpu.yield
    }) : () -> ()
    %eq3A_76 = arith.constant 15 : i32
    %eq3A_77 = arith.cmpi eq, %arg1, %eq3A_76 : i32
    %convert_element_type3A_78 = arith.extui %eq3A_77 : i1 to i32
    %cond3A_79 = arith.constant 0 : i32
    %cond3A_80 = arith.cmpi ne, %convert_element_type3A_78, %cond3A_79 : i32
    scf.if %cond3A_80 {
      "tpu.region"() ({
        %run_scoped3A_81 = tpu.sem_alloc : memref<!tpu.dma_semaphore, #tpu.memory_space<semaphore_mem>>
        %dma_start3A_82 = arith.constant 9984 : i32
        %dma_start3A_83 = arith.constant 0 : i32
        %dma_start3A_84 = tpu.memref_slice %arg6[%arg0, %dma_start3A_82, %dma_start3A_83] : memref<2x10000x32xf32, #tpu.memory_space<hbm>> -> memref<1x16x32xf32, #tpu.memory_space<hbm>>
        %dma_start3A_85 = tpu.memref_squeeze %dma_start3A_84 : memref<1x16x32xf32, #tpu.memory_space<hbm>> -> memref<16x32xf32, #tpu.memory_space<hbm>>
        %dma_start3A_86 = arith.constant 9984 : i32
        %dma_start3A_87 = arith.constant 0 : i32
        %dma_start3A_88 = tpu.memref_slice %arg12[%dma_start3A_86, %dma_start3A_87] : memref<10000x32xf32, #tpu.memory_space<vmem_shared>> -> memref<16x32xf32, #tpu.memory_space<vmem_shared>>
        tpu.enqueue_dma source(%dma_start3A_88 : memref<16x32xf32, #tpu.memory_space<vmem_shared>>) target(%dma_start3A_85 : memref<16x32xf32, #tpu.memory_space<hbm>>) target_semaphore(%run_scoped3A_81 : memref<!tpu.dma_semaphore, #tpu.memory_space<semaphore_mem>>)
        %dma_wait3A_89 = arith.constant 9984 : i32
        %dma_wait3A_90 = arith.constant 0 : i32
        %dma_wait3A_91 = tpu.memref_slice %arg6[%arg0, %dma_wait3A_89, %dma_wait3A_90] : memref<2x10000x32xf32, #tpu.memory_space<hbm>> -> memref<1x16x32xf32, #tpu.memory_space<hbm>>
        %dma_wait3A_92 = tpu.memref_squeeze %dma_wait3A_91 : memref<1x16x32xf32, #tpu.memory_space<hbm>> -> memref<16x32xf32, #tpu.memory_space<hbm>>
        %dma_wait3A_93 = arith.constant 9984 : i32
        %dma_wait3A_94 = arith.constant 0 : i32
        %dma_wait3A_95 = tpu.memref_slice %arg12[%dma_wait3A_93, %dma_wait3A_94] : memref<10000x32xf32, #tpu.memory_space<vmem_shared>> -> memref<16x32xf32, #tpu.memory_space<vmem_shared>>
        tpu.wait_dma2 semaphore(%run_scoped3A_81 : memref<!tpu.dma_semaphore, #tpu.memory_space<semaphore_mem>>) src(%dma_wait3A_95 : memref<16x32xf32, #tpu.memory_space<vmem_shared>>) dst(%dma_wait3A_92 : memref<16x32xf32, #tpu.memory_space<hbm>>)
        tpu.yield
      }) : () -> ()
    } else {
    }
    return
  }
}

#map = affine_map<(d0, d1) -> (0, 0)>
#map1 = affine_map<(d0, d1) -> (0, 0, 0)>
module attributes {stable_mosaic.version = 14 : i64} {
  func.func @k(%arg0: i32, %arg1: i32, %arg2: memref<10000x80xf32, #tpu.memory_space<hbm>>, %arg3: memref<10000x16xf32, #tpu.memory_space<hbm>>, %arg4: memref<2x2500x128xi32, #tpu.memory_space<hbm>>, %arg5: memref<624x80xf32, #tpu.memory_space<hbm>>, %arg6: memref<2x10000x80xf32, #tpu.memory_space<hbm>>, %arg7: memref<79x128xi32, #tpu.memory_space<vmem>>, %arg8: memref<79x128xi32, #tpu.memory_space<vmem>>, %arg9: memref<2x128x80xf32, #tpu.memory_space<vmem>>, %arg10: memref<2x128x16xf32, #tpu.memory_space<vmem>>, %arg11: memref<2x128x80xf32, #tpu.memory_space<vmem>>, %arg12: memref<10000x80xf32, #tpu.memory_space<vmem_shared>>, %arg13: memref<!tpu.dma_semaphore, #tpu.memory_space<semaphore_mem>>, %arg14: memref<!tpu.dma_semaphore, #tpu.memory_space<semaphore_mem>>, %arg15: memref<!tpu.dma_semaphore, #tpu.memory_space<semaphore_mem>>, %arg16: memref<!tpu.dma_semaphore, #tpu.memory_space<semaphore_mem>>) attributes {dimension_semantics = [#tpu.dimension_semantics<core_parallel>, #tpu.dimension_semantics<subcore_parallel>], iteration_bounds = array<i64: 2, 16>, scalar_prefetch = 0 : i64, scratch_operands = 10 : i64, tpu.core_type = #tpu.core_type<sc_vector_subcore>, window_params = [{transform_indices = #map}, {transform_indices = #map}, {transform_indices = #map1}, {transform_indices = #map}, {transform_indices = #map1}]} {
    %mul3A = arith.constant 2 : i32
    %mul3A_0 = arith.muli %arg1, %mul3A : i32
    %add3A = arith.addi %mul3A_0, %arg0 : i32
    %mul3A_1 = arith.constant 624 : i32
    %mul3A_2 = arith.muli %arg1, %mul3A_1 : i32
    "tpu.region"() ({
      %run_scoped3A_99 = tpu.sem_alloc : memref<!tpu.dma_semaphore, #tpu.memory_space<semaphore_mem>>
      %dma_start3A_100 = arith.constant 0 : i32
      %dma_start3A_101 = tpu.memref_slice %arg12[%mul3A_2, %dma_start3A_100] : memref<10000x80xf32, #tpu.memory_space<vmem_shared>> -> memref<624x80xf32, #tpu.memory_space<vmem_shared>>
      tpu.enqueue_dma source(%arg5 : memref<624x80xf32, #tpu.memory_space<hbm>>) target(%dma_start3A_101 : memref<624x80xf32, #tpu.memory_space<vmem_shared>>) target_semaphore(%run_scoped3A_99 : memref<!tpu.dma_semaphore, #tpu.memory_space<semaphore_mem>>)
      %dma_wait3A_102 = arith.constant 0 : i32
      %dma_wait3A_103 = tpu.memref_slice %arg12[%mul3A_2, %dma_wait3A_102] : memref<10000x80xf32, #tpu.memory_space<vmem_shared>> -> memref<624x80xf32, #tpu.memory_space<vmem_shared>>
      tpu.wait_dma2 semaphore(%run_scoped3A_99 : memref<!tpu.dma_semaphore, #tpu.memory_space<semaphore_mem>>) src(%arg5 : memref<624x80xf32, #tpu.memory_space<hbm>>) dst(%dma_wait3A_103 : memref<624x80xf32, #tpu.memory_space<vmem_shared>>)
      tpu.yield
    }) : () -> ()
    %eq3A = arith.constant 15 : i32
    %eq3A_3 = arith.cmpi eq, %arg1, %eq3A : i32
    %convert_element_type3A = arith.extui %eq3A_3 : i1 to i32
    %cond3A = arith.constant 0 : i32
    %cond3A_4 = arith.cmpi ne, %convert_element_type3A, %cond3A : i32
    scf.if %cond3A_4 {
      "tpu.region"() ({
        %run_scoped3A_99 = tpu.sem_alloc : memref<!tpu.dma_semaphore, #tpu.memory_space<semaphore_mem>>
        %dma_start3A_100 = arith.constant 9984 : i32
        %dma_start3A_101 = arith.constant 0 : i32
        %dma_start3A_102 = tpu.memref_slice %arg12[%dma_start3A_100, %dma_start3A_101] : memref<10000x80xf32, #tpu.memory_space<vmem_shared>> -> memref<16x80xf32, #tpu.memory_space<vmem_shared>>
        %dma_start3A_103 = arith.constant 0 : i32
        %dma_start3A_104 = arith.constant 0 : i32
        %dma_start3A_105 = tpu.memref_slice %arg5[%dma_start3A_103, %dma_start3A_104] : memref<624x80xf32, #tpu.memory_space<hbm>> -> memref<16x80xf32, #tpu.memory_space<hbm>>
        tpu.enqueue_dma source(%dma_start3A_105 : memref<16x80xf32, #tpu.memory_space<hbm>>) target(%dma_start3A_102 : memref<16x80xf32, #tpu.memory_space<vmem_shared>>) target_semaphore(%run_scoped3A_99 : memref<!tpu.dma_semaphore, #tpu.memory_space<semaphore_mem>>)
        %dma_wait3A_106 = arith.constant 9984 : i32
        %dma_wait3A_107 = arith.constant 0 : i32
        %dma_wait3A_108 = tpu.memref_slice %arg12[%dma_wait3A_106, %dma_wait3A_107] : memref<10000x80xf32, #tpu.memory_space<vmem_shared>> -> memref<16x80xf32, #tpu.memory_space<vmem_shared>>
        %dma_wait3A_109 = arith.constant 0 : i32
        %dma_wait3A_110 = arith.constant 0 : i32
        %dma_wait3A_111 = tpu.memref_slice %arg5[%dma_wait3A_109, %dma_wait3A_110] : memref<624x80xf32, #tpu.memory_space<hbm>> -> memref<16x80xf32, #tpu.memory_space<hbm>>
        tpu.wait_dma2 semaphore(%run_scoped3A_99 : memref<!tpu.dma_semaphore, #tpu.memory_space<semaphore_mem>>) src(%dma_wait3A_111 : memref<16x80xf32, #tpu.memory_space<hbm>>) dst(%dma_wait3A_108 : memref<16x80xf32, #tpu.memory_space<vmem_shared>>)
        tpu.yield
      }) : () -> ()
    } else {
    }
    %barrier3A = arith.constant 0 : index
    tpu.barrier barrier_id(%barrier3A)
    %iota3A = tpu.iota {dimensions = array<i32: 0>} : vector<16xi32>
    %shift_right_arithmetic3A = arith.constant 3 : i32
    %shift_right_arithmetic3A_5 = vector.broadcast %shift_right_arithmetic3A : i32 to vector<16xi32>
    %shift_right_arithmetic3A_6 = arith.shrsi %iota3A, %shift_right_arithmetic3A_5 : vector<16xi32>
    %add3A_7 = arith.constant 0 : i32
    %add3A_8 = vector.broadcast %add3A_7 : i32 to vector<16xi32>
    %add3A_9 = arith.addi %shift_right_arithmetic3A_6, %add3A_8 : vector<16xi32>
    %shift_right_arithmetic3A_10 = arith.constant 3 : i32
    %shift_right_arithmetic3A_11 = vector.broadcast %shift_right_arithmetic3A_10 : i32 to vector<16xi32>
    %shift_right_arithmetic3A_12 = arith.shrsi %iota3A, %shift_right_arithmetic3A_11 : vector<16xi32>
    %add3A_13 = arith.constant 2 : i32
    %add3A_14 = vector.broadcast %add3A_13 : i32 to vector<16xi32>
    %add3A_15 = arith.addi %shift_right_arithmetic3A_12, %add3A_14 : vector<16xi32>
    %shift_right_arithmetic3A_16 = arith.constant 3 : i32
    %shift_right_arithmetic3A_17 = vector.broadcast %shift_right_arithmetic3A_16 : i32 to vector<16xi32>
    %shift_right_arithmetic3A_18 = arith.shrsi %iota3A, %shift_right_arithmetic3A_17 : vector<16xi32>
    %add3A_19 = arith.constant 4 : i32
    %add3A_20 = vector.broadcast %add3A_19 : i32 to vector<16xi32>
    %add3A_21 = arith.addi %shift_right_arithmetic3A_18, %add3A_20 : vector<16xi32>
    %shift_right_arithmetic3A_22 = arith.constant 3 : i32
    %shift_right_arithmetic3A_23 = vector.broadcast %shift_right_arithmetic3A_22 : i32 to vector<16xi32>
    %shift_right_arithmetic3A_24 = arith.shrsi %iota3A, %shift_right_arithmetic3A_23 : vector<16xi32>
    %add3A_25 = arith.constant 6 : i32
    %add3A_26 = vector.broadcast %add3A_25 : i32 to vector<16xi32>
    %add3A_27 = arith.addi %shift_right_arithmetic3A_24, %add3A_26 : vector<16xi32>
    %mul3A_28 = arith.constant 78 : i32
    %mul3A_29 = arith.muli %add3A, %mul3A_28 : i32
    %min3A = arith.constant 4 : i32
    %min3A_30 = arith.minsi %add3A, %min3A : i32
    %add3A_31 = arith.addi %mul3A_29, %min3A_30 : i32
    %run_scoped3A = arith.constant 0 : i32
    "tpu.region"() ({
      %run_scoped3A_99 = tpu.sem_alloc : memref<!tpu.dma_semaphore, #tpu.memory_space<semaphore_mem>>
      %dma_start3A_100 = arith.constant 0 : i32
      %dma_start3A_101 = arith.constant 0 : i32
      %dma_start3A_102 = tpu.memref_slice %arg7[%dma_start3A_100, %dma_start3A_101] : memref<79x128xi32, #tpu.memory_space<vmem>> -> memref<78x128xi32, #tpu.memory_space<vmem>>
      %dma_start3A_103 = arith.constant 0 : i32
      %dma_start3A_104 = tpu.memref_slice %arg4[%run_scoped3A, %add3A_31, %dma_start3A_103] : memref<2x2500x128xi32, #tpu.memory_space<hbm>> -> memref<1x78x128xi32, #tpu.memory_space<hbm>>
      %dma_start3A_105 = tpu.memref_squeeze %dma_start3A_104 : memref<1x78x128xi32, #tpu.memory_space<hbm>> -> memref<78x128xi32, #tpu.memory_space<hbm>>
      %dma_start3A_106 = arith.constant 0 : i32
      %dma_start3A_107 = arith.constant 0 : i32
      %dma_start3A_108 = tpu.memref_slice %arg7[%dma_start3A_106, %dma_start3A_107] : memref<79x128xi32, #tpu.memory_space<vmem>> -> memref<78x128xi32, #tpu.memory_space<vmem>>
      %dma_start3A_109 = arith.constant 0 : i32
      %dma_start3A_110 = tpu.memref_slice %arg4[%run_scoped3A, %add3A_31, %dma_start3A_109] : memref<2x2500x128xi32, #tpu.memory_space<hbm>> -> memref<1x78x128xi32, #tpu.memory_space<hbm>>
      %dma_start3A_111 = tpu.memref_squeeze %dma_start3A_110 : memref<1x78x128xi32, #tpu.memory_space<hbm>> -> memref<78x128xi32, #tpu.memory_space<hbm>>
      tpu.enqueue_dma source(%dma_start3A_111 : memref<78x128xi32, #tpu.memory_space<hbm>>) target(%dma_start3A_108 : memref<78x128xi32, #tpu.memory_space<vmem>>) target_semaphore(%run_scoped3A_99 : memref<!tpu.dma_semaphore, #tpu.memory_space<semaphore_mem>>)
      %dma_wait3A_112 = arith.constant 0 : i32
      %dma_wait3A_113 = arith.constant 0 : i32
      %dma_wait3A_114 = tpu.memref_slice %arg7[%dma_wait3A_112, %dma_wait3A_113] : memref<79x128xi32, #tpu.memory_space<vmem>> -> memref<78x128xi32, #tpu.memory_space<vmem>>
      %dma_wait3A_115 = arith.constant 0 : i32
      %dma_wait3A_116 = tpu.memref_slice %arg4[%run_scoped3A, %add3A_31, %dma_wait3A_115] : memref<2x2500x128xi32, #tpu.memory_space<hbm>> -> memref<1x78x128xi32, #tpu.memory_space<hbm>>
      %dma_wait3A_117 = tpu.memref_squeeze %dma_wait3A_116 : memref<1x78x128xi32, #tpu.memory_space<hbm>> -> memref<78x128xi32, #tpu.memory_space<hbm>>
      %dma_wait3A_118 = arith.constant 0 : i32
      %dma_wait3A_119 = arith.constant 0 : i32
      %dma_wait3A_120 = tpu.memref_slice %arg7[%dma_wait3A_118, %dma_wait3A_119] : memref<79x128xi32, #tpu.memory_space<vmem>> -> memref<78x128xi32, #tpu.memory_space<vmem>>
      %dma_wait3A_121 = arith.constant 0 : i32
      %dma_wait3A_122 = tpu.memref_slice %arg4[%run_scoped3A, %add3A_31, %dma_wait3A_121] : memref<2x2500x128xi32, #tpu.memory_space<hbm>> -> memref<1x78x128xi32, #tpu.memory_space<hbm>>
      %dma_wait3A_123 = tpu.memref_squeeze %dma_wait3A_122 : memref<1x78x128xi32, #tpu.memory_space<hbm>> -> memref<78x128xi32, #tpu.memory_space<hbm>>
      tpu.wait_dma2 semaphore(%run_scoped3A_99 : memref<!tpu.dma_semaphore, #tpu.memory_space<semaphore_mem>>) src(%dma_wait3A_123 : memref<78x128xi32, #tpu.memory_space<hbm>>) dst(%dma_wait3A_120 : memref<78x128xi32, #tpu.memory_space<vmem>>)
      tpu.yield
    }) : () -> ()
    %run_scoped3A_32 = arith.constant 1 : i32
    "tpu.region"() ({
      %run_scoped3A_99 = tpu.sem_alloc : memref<!tpu.dma_semaphore, #tpu.memory_space<semaphore_mem>>
      %dma_start3A_100 = arith.constant 0 : i32
      %dma_start3A_101 = arith.constant 0 : i32
      %dma_start3A_102 = tpu.memref_slice %arg8[%dma_start3A_100, %dma_start3A_101] : memref<79x128xi32, #tpu.memory_space<vmem>> -> memref<78x128xi32, #tpu.memory_space<vmem>>
      %dma_start3A_103 = arith.constant 0 : i32
      %dma_start3A_104 = tpu.memref_slice %arg4[%run_scoped3A_32, %add3A_31, %dma_start3A_103] : memref<2x2500x128xi32, #tpu.memory_space<hbm>> -> memref<1x78x128xi32, #tpu.memory_space<hbm>>
      %dma_start3A_105 = tpu.memref_squeeze %dma_start3A_104 : memref<1x78x128xi32, #tpu.memory_space<hbm>> -> memref<78x128xi32, #tpu.memory_space<hbm>>
      %dma_start3A_106 = arith.constant 0 : i32
      %dma_start3A_107 = arith.constant 0 : i32
      %dma_start3A_108 = tpu.memref_slice %arg8[%dma_start3A_106, %dma_start3A_107] : memref<79x128xi32, #tpu.memory_space<vmem>> -> memref<78x128xi32, #tpu.memory_space<vmem>>
      %dma_start3A_109 = arith.constant 0 : i32
      %dma_start3A_110 = tpu.memref_slice %arg4[%run_scoped3A_32, %add3A_31, %dma_start3A_109] : memref<2x2500x128xi32, #tpu.memory_space<hbm>> -> memref<1x78x128xi32, #tpu.memory_space<hbm>>
      %dma_start3A_111 = tpu.memref_squeeze %dma_start3A_110 : memref<1x78x128xi32, #tpu.memory_space<hbm>> -> memref<78x128xi32, #tpu.memory_space<hbm>>
      tpu.enqueue_dma source(%dma_start3A_111 : memref<78x128xi32, #tpu.memory_space<hbm>>) target(%dma_start3A_108 : memref<78x128xi32, #tpu.memory_space<vmem>>) target_semaphore(%run_scoped3A_99 : memref<!tpu.dma_semaphore, #tpu.memory_space<semaphore_mem>>)
      %dma_wait3A_112 = arith.constant 0 : i32
      %dma_wait3A_113 = arith.constant 0 : i32
      %dma_wait3A_114 = tpu.memref_slice %arg8[%dma_wait3A_112, %dma_wait3A_113] : memref<79x128xi32, #tpu.memory_space<vmem>> -> memref<78x128xi32, #tpu.memory_space<vmem>>
      %dma_wait3A_115 = arith.constant 0 : i32
      %dma_wait3A_116 = tpu.memref_slice %arg4[%run_scoped3A_32, %add3A_31, %dma_wait3A_115] : memref<2x2500x128xi32, #tpu.memory_space<hbm>> -> memref<1x78x128xi32, #tpu.memory_space<hbm>>
      %dma_wait3A_117 = tpu.memref_squeeze %dma_wait3A_116 : memref<1x78x128xi32, #tpu.memory_space<hbm>> -> memref<78x128xi32, #tpu.memory_space<hbm>>
      %dma_wait3A_118 = arith.constant 0 : i32
      %dma_wait3A_119 = arith.constant 0 : i32
      %dma_wait3A_120 = tpu.memref_slice %arg8[%dma_wait3A_118, %dma_wait3A_119] : memref<79x128xi32, #tpu.memory_space<vmem>> -> memref<78x128xi32, #tpu.memory_space<vmem>>
      %dma_wait3A_121 = arith.constant 0 : i32
      %dma_wait3A_122 = tpu.memref_slice %arg4[%run_scoped3A_32, %add3A_31, %dma_wait3A_121] : memref<2x2500x128xi32, #tpu.memory_space<hbm>> -> memref<1x78x128xi32, #tpu.memory_space<hbm>>
      %dma_wait3A_123 = tpu.memref_squeeze %dma_wait3A_122 : memref<1x78x128xi32, #tpu.memory_space<hbm>> -> memref<78x128xi32, #tpu.memory_space<hbm>>
      tpu.wait_dma2 semaphore(%run_scoped3A_99 : memref<!tpu.dma_semaphore, #tpu.memory_space<semaphore_mem>>) src(%dma_wait3A_123 : memref<78x128xi32, #tpu.memory_space<hbm>>) dst(%dma_wait3A_120 : memref<78x128xi32, #tpu.memory_space<vmem>>)
      tpu.yield
    }) : () -> ()
    %lt3A = arith.constant 4 : i32
    %lt3A_33 = arith.cmpi slt, %add3A, %lt3A : i32
    %convert_element_type3A_34 = arith.extui %lt3A_33 : i1 to i32
    %cond3A_35 = arith.constant 0 : i32
    %cond3A_36 = arith.cmpi ne, %convert_element_type3A_34, %cond3A_35 : i32
    scf.if %cond3A_36 {
      %add3A_99 = arith.constant 78 : i32
      %add3A_100 = arith.addi %add3A_31, %add3A_99 : i32
      %run_scoped3A_101 = arith.constant 0 : i32
      %run_scoped3A_102 = arith.constant 78 : i32
      "tpu.region"() ({
        %run_scoped3A_107 = tpu.sem_alloc : memref<!tpu.dma_semaphore, #tpu.memory_space<semaphore_mem>>
        %dma_start3A_108 = arith.constant 0 : i32
        %dma_start3A_109 = tpu.memref_slice %arg7[%run_scoped3A_102, %dma_start3A_108] : memref<79x128xi32, #tpu.memory_space<vmem>> -> memref<1x128xi32, #tpu.memory_space<vmem>>
        %dma_start3A_110 = tpu.memref_squeeze %dma_start3A_109 : memref<1x128xi32, #tpu.memory_space<vmem>> -> memref<128xi32, #tpu.memory_space<vmem>>
        %dma_start3A_111 = arith.constant 0 : i32
        %dma_start3A_112 = tpu.memref_slice %arg4[%run_scoped3A_101, %add3A_100, %dma_start3A_111] : memref<2x2500x128xi32, #tpu.memory_space<hbm>> -> memref<1x1x128xi32, #tpu.memory_space<hbm>>
        %dma_start3A_113 = tpu.memref_squeeze %dma_start3A_112 : memref<1x1x128xi32, #tpu.memory_space<hbm>> -> memref<128xi32, #tpu.memory_space<hbm>>
        %dma_start3A_114 = arith.constant 0 : i32
        %dma_start3A_115 = tpu.memref_slice %arg7[%run_scoped3A_102, %dma_start3A_114] : memref<79x128xi32, #tpu.memory_space<vmem>> -> memref<1x128xi32, #tpu.memory_space<vmem>>
        %dma_start3A_116 = tpu.memref_squeeze %dma_start3A_115 : memref<1x128xi32, #tpu.memory_space<vmem>> -> memref<128xi32, #tpu.memory_space<vmem>>
        %dma_start3A_117 = arith.constant 0 : i32
        %dma_start3A_118 = tpu.memref_slice %arg4[%run_scoped3A_101, %add3A_100, %dma_start3A_117] : memref<2x2500x128xi32, #tpu.memory_space<hbm>> -> memref<1x1x128xi32, #tpu.memory_space<hbm>>
        %dma_start3A_119 = tpu.memref_squeeze %dma_start3A_118 : memref<1x1x128xi32, #tpu.memory_space<hbm>> -> memref<128xi32, #tpu.memory_space<hbm>>
        tpu.enqueue_dma source(%dma_start3A_119 : memref<128xi32, #tpu.memory_space<hbm>>) target(%dma_start3A_116 : memref<128xi32, #tpu.memory_space<vmem>>) target_semaphore(%run_scoped3A_107 : memref<!tpu.dma_semaphore, #tpu.memory_space<semaphore_mem>>)
        %dma_wait3A_120 = arith.constant 0 : i32
        %dma_wait3A_121 = tpu.memref_slice %arg7[%run_scoped3A_102, %dma_wait3A_120] : memref<79x128xi32, #tpu.memory_space<vmem>> -> memref<1x128xi32, #tpu.memory_space<vmem>>
        %dma_wait3A_122 = tpu.memref_squeeze %dma_wait3A_121 : memref<1x128xi32, #tpu.memory_space<vmem>> -> memref<128xi32, #tpu.memory_space<vmem>>
        %dma_wait3A_123 = arith.constant 0 : i32
        %dma_wait3A_124 = tpu.memref_slice %arg4[%run_scoped3A_101, %add3A_100, %dma_wait3A_123] : memref<2x2500x128xi32, #tpu.memory_space<hbm>> -> memref<1x1x128xi32, #tpu.memory_space<hbm>>
        %dma_wait3A_125 = tpu.memref_squeeze %dma_wait3A_124 : memref<1x1x128xi32, #tpu.memory_space<hbm>> -> memref<128xi32, #tpu.memory_space<hbm>>
        %dma_wait3A_126 = arith.constant 0 : i32
        %dma_wait3A_127 = tpu.memref_slice %arg7[%run_scoped3A_102, %dma_wait3A_126] : memref<79x128xi32, #tpu.memory_space<vmem>> -> memref<1x128xi32, #tpu.memory_space<vmem>>
        %dma_wait3A_128 = tpu.memref_squeeze %dma_wait3A_127 : memref<1x128xi32, #tpu.memory_space<vmem>> -> memref<128xi32, #tpu.memory_space<vmem>>
        %dma_wait3A_129 = arith.constant 0 : i32
        %dma_wait3A_130 = tpu.memref_slice %arg4[%run_scoped3A_101, %add3A_100, %dma_wait3A_129] : memref<2x2500x128xi32, #tpu.memory_space<hbm>> -> memref<1x1x128xi32, #tpu.memory_space<hbm>>
        %dma_wait3A_131 = tpu.memref_squeeze %dma_wait3A_130 : memref<1x1x128xi32, #tpu.memory_space<hbm>> -> memref<128xi32, #tpu.memory_space<hbm>>
        tpu.wait_dma2 semaphore(%run_scoped3A_107 : memref<!tpu.dma_semaphore, #tpu.memory_space<semaphore_mem>>) src(%dma_wait3A_131 : memref<128xi32, #tpu.memory_space<hbm>>) dst(%dma_wait3A_128 : memref<128xi32, #tpu.memory_space<vmem>>)
        tpu.yield
      }) : () -> ()
      %add3A_103 = arith.constant 78 : i32
      %add3A_104 = arith.addi %add3A_31, %add3A_103 : i32
      %run_scoped3A_105 = arith.constant 1 : i32
      %run_scoped3A_106 = arith.constant 78 : i32
      "tpu.region"() ({
        %run_scoped3A_107 = tpu.sem_alloc : memref<!tpu.dma_semaphore, #tpu.memory_space<semaphore_mem>>
        %dma_start3A_108 = arith.constant 0 : i32
        %dma_start3A_109 = tpu.memref_slice %arg8[%run_scoped3A_106, %dma_start3A_108] : memref<79x128xi32, #tpu.memory_space<vmem>> -> memref<1x128xi32, #tpu.memory_space<vmem>>
        %dma_start3A_110 = tpu.memref_squeeze %dma_start3A_109 : memref<1x128xi32, #tpu.memory_space<vmem>> -> memref<128xi32, #tpu.memory_space<vmem>>
        %dma_start3A_111 = arith.constant 0 : i32
        %dma_start3A_112 = tpu.memref_slice %arg4[%run_scoped3A_105, %add3A_104, %dma_start3A_111] : memref<2x2500x128xi32, #tpu.memory_space<hbm>> -> memref<1x1x128xi32, #tpu.memory_space<hbm>>
        %dma_start3A_113 = tpu.memref_squeeze %dma_start3A_112 : memref<1x1x128xi32, #tpu.memory_space<hbm>> -> memref<128xi32, #tpu.memory_space<hbm>>
        %dma_start3A_114 = arith.constant 0 : i32
        %dma_start3A_115 = tpu.memref_slice %arg8[%run_scoped3A_106, %dma_start3A_114] : memref<79x128xi32, #tpu.memory_space<vmem>> -> memref<1x128xi32, #tpu.memory_space<vmem>>
        %dma_start3A_116 = tpu.memref_squeeze %dma_start3A_115 : memref<1x128xi32, #tpu.memory_space<vmem>> -> memref<128xi32, #tpu.memory_space<vmem>>
        %dma_start3A_117 = arith.constant 0 : i32
        %dma_start3A_118 = tpu.memref_slice %arg4[%run_scoped3A_105, %add3A_104, %dma_start3A_117] : memref<2x2500x128xi32, #tpu.memory_space<hbm>> -> memref<1x1x128xi32, #tpu.memory_space<hbm>>
        %dma_start3A_119 = tpu.memref_squeeze %dma_start3A_118 : memref<1x1x128xi32, #tpu.memory_space<hbm>> -> memref<128xi32, #tpu.memory_space<hbm>>
        tpu.enqueue_dma source(%dma_start3A_119 : memref<128xi32, #tpu.memory_space<hbm>>) target(%dma_start3A_116 : memref<128xi32, #tpu.memory_space<vmem>>) target_semaphore(%run_scoped3A_107 : memref<!tpu.dma_semaphore, #tpu.memory_space<semaphore_mem>>)
        %dma_wait3A_120 = arith.constant 0 : i32
        %dma_wait3A_121 = tpu.memref_slice %arg8[%run_scoped3A_106, %dma_wait3A_120] : memref<79x128xi32, #tpu.memory_space<vmem>> -> memref<1x128xi32, #tpu.memory_space<vmem>>
        %dma_wait3A_122 = tpu.memref_squeeze %dma_wait3A_121 : memref<1x128xi32, #tpu.memory_space<vmem>> -> memref<128xi32, #tpu.memory_space<vmem>>
        %dma_wait3A_123 = arith.constant 0 : i32
        %dma_wait3A_124 = tpu.memref_slice %arg4[%run_scoped3A_105, %add3A_104, %dma_wait3A_123] : memref<2x2500x128xi32, #tpu.memory_space<hbm>> -> memref<1x1x128xi32, #tpu.memory_space<hbm>>
        %dma_wait3A_125 = tpu.memref_squeeze %dma_wait3A_124 : memref<1x1x128xi32, #tpu.memory_space<hbm>> -> memref<128xi32, #tpu.memory_space<hbm>>
        %dma_wait3A_126 = arith.constant 0 : i32
        %dma_wait3A_127 = tpu.memref_slice %arg8[%run_scoped3A_106, %dma_wait3A_126] : memref<79x128xi32, #tpu.memory_space<vmem>> -> memref<1x128xi32, #tpu.memory_space<vmem>>
        %dma_wait3A_128 = tpu.memref_squeeze %dma_wait3A_127 : memref<1x128xi32, #tpu.memory_space<vmem>> -> memref<128xi32, #tpu.memory_space<vmem>>
        %dma_wait3A_129 = arith.constant 0 : i32
        %dma_wait3A_130 = tpu.memref_slice %arg4[%run_scoped3A_105, %add3A_104, %dma_wait3A_129] : memref<2x2500x128xi32, #tpu.memory_space<hbm>> -> memref<1x1x128xi32, #tpu.memory_space<hbm>>
        %dma_wait3A_131 = tpu.memref_squeeze %dma_wait3A_130 : memref<1x1x128xi32, #tpu.memory_space<hbm>> -> memref<128xi32, #tpu.memory_space<hbm>>
        tpu.wait_dma2 semaphore(%run_scoped3A_107 : memref<!tpu.dma_semaphore, #tpu.memory_space<semaphore_mem>>) src(%dma_wait3A_131 : memref<128xi32, #tpu.memory_space<hbm>>) dst(%dma_wait3A_128 : memref<128xi32, #tpu.memory_space<vmem>>)
        tpu.yield
      }) : () -> ()
    } else {
    }
    %lt3A_37 = arith.constant 4 : i32
    %lt3A_38 = arith.cmpi slt, %add3A, %lt3A_37 : i32
    %jit3A = arith.constant 1 : i32
    %jit3A_39 = arith.constant 0 : i32
    %select_n3A = arith.select %lt3A_38, %jit3A, %jit3A_39 : i32
    %add3A_40 = arith.constant 78 : i32
    %add3A_41 = arith.addi %add3A_40, %select_n3A : i32
    %dma_start3A = arith.constant 0 : i32
    %dma_start3A_42 = arith.constant 0 : i32
    %dma_start3A_43 = arith.constant 0 : i32
    %dma_start3A_44 = arith.constant 0 : i32
    %dma_start3A_45 = tpu.memref_slice %arg9[%dma_start3A_42, %dma_start3A_43, %dma_start3A_44] : memref<2x128x80xf32, #tpu.memory_space<vmem>> -> memref<1x128x80xf32, #tpu.memory_space<vmem>>
    %dma_start3A_46 = tpu.memref_squeeze %dma_start3A_45 : memref<1x128x80xf32, #tpu.memory_space<vmem>> -> memref<128x80xf32, #tpu.memory_space<vmem>>
    %dma_start3A_47 = arith.constant 0 : i32
    %dma_start3A_48 = tpu.memref_slice %arg7[%dma_start3A, %dma_start3A_47] : memref<79x128xi32, #tpu.memory_space<vmem>> -> memref<1x128xi32, #tpu.memory_space<vmem>>
    %dma_start3A_49 = tpu.memref_squeeze %dma_start3A_48 : memref<1x128xi32, #tpu.memory_space<vmem>> -> memref<128xi32, #tpu.memory_space<vmem>>
    %dma_start3A_50 = arith.constant 0 : i32
    %dma_start3A_51 = arith.constant 0 : i32
    %dma_start3A_52 = tpu.memref_slice %arg2[%dma_start3A_50, %dma_start3A_51] : memref<10000x80xf32, #tpu.memory_space<hbm>> -> memref<10000x80xf32, #tpu.memory_space<hbm>>
    tpu.enqueue_indirect_dma source(%dma_start3A_52 : memref<10000x80xf32, #tpu.memory_space<hbm>>) target(%dma_start3A_46 : memref<128x80xf32, #tpu.memory_space<vmem>>) offsets(%dma_start3A_49 : memref<128xi32, #tpu.memory_space<vmem>>) semaphore(%arg13 : memref<!tpu.dma_semaphore, #tpu.memory_space<semaphore_mem>>)
    %dma_start3A_53 = arith.constant 0 : i32
    %dma_start3A_54 = arith.constant 0 : i32
    %dma_start3A_55 = arith.constant 0 : i32
    %dma_start3A_56 = arith.constant 0 : i32
    %dma_start3A_57 = tpu.memref_slice %arg10[%dma_start3A_54, %dma_start3A_55, %dma_start3A_56] : memref<2x128x16xf32, #tpu.memory_space<vmem>> -> memref<1x128x16xf32, #tpu.memory_space<vmem>>
    %dma_start3A_58 = tpu.memref_squeeze %dma_start3A_57 : memref<1x128x16xf32, #tpu.memory_space<vmem>> -> memref<128x16xf32, #tpu.memory_space<vmem>>
    %dma_start3A_59 = arith.constant 0 : i32
    %dma_start3A_60 = tpu.memref_slice %arg8[%dma_start3A_53, %dma_start3A_59] : memref<79x128xi32, #tpu.memory_space<vmem>> -> memref<1x128xi32, #tpu.memory_space<vmem>>
    %dma_start3A_61 = tpu.memref_squeeze %dma_start3A_60 : memref<1x128xi32, #tpu.memory_space<vmem>> -> memref<128xi32, #tpu.memory_space<vmem>>
    %dma_start3A_62 = arith.constant 0 : i32
    %dma_start3A_63 = arith.constant 0 : i32
    %dma_start3A_64 = tpu.memref_slice %arg3[%dma_start3A_62, %dma_start3A_63] : memref<10000x16xf32, #tpu.memory_space<hbm>> -> memref<10000x16xf32, #tpu.memory_space<hbm>>
    tpu.enqueue_indirect_dma source(%dma_start3A_64 : memref<10000x16xf32, #tpu.memory_space<hbm>>) target(%dma_start3A_58 : memref<128x16xf32, #tpu.memory_space<vmem>>) offsets(%dma_start3A_61 : memref<128xi32, #tpu.memory_space<vmem>>) semaphore(%arg13 : memref<!tpu.dma_semaphore, #tpu.memory_space<semaphore_mem>>)
    %scan3A = arith.constant 0 : i32
    %scan3A_65 = arith.constant 0 : i32
    %scan3A_66 = arith.constant 40 : i32
    %scan3A_67 = arith.addi %scan3A_65, %scan3A_66 : i32
    %scan3A_68 = arith.constant 1 : i32
    scf.for %scan3A_99 = %scan3A_65 to %scan3A_67 step %scan3A_68  : i32 {
      %mul3A_100 = arith.constant 2 : i32
      %mul3A_101 = arith.muli %mul3A_100, %scan3A_99 : i32
      %add3A_102 = arith.constant 1 : i32
      %add3A_103 = arith.addi %mul3A_101, %add3A_102 : i32
      %lt3A_104 = arith.cmpi slt, %add3A_103, %add3A_41 : i32
      %convert_element_type3A_105 = arith.extui %lt3A_104 : i1 to i32
      %cond3A_106 = arith.constant 0 : i32
      %cond3A_107 = arith.cmpi ne, %convert_element_type3A_105, %cond3A_106 : i32
      scf.if %cond3A_107 {
        %add3A_126 = arith.constant 1 : i32
        %add3A_127 = arith.addi %mul3A_101, %add3A_126 : i32
        %dma_start3A_128 = arith.constant 1 : i32
        %dma_start3A_129 = arith.constant 0 : i32
        %dma_start3A_130 = arith.constant 0 : i32
        %dma_start3A_131 = tpu.memref_slice %arg9[%dma_start3A_128, %dma_start3A_129, %dma_start3A_130] : memref<2x128x80xf32, #tpu.memory_space<vmem>> -> memref<1x128x80xf32, #tpu.memory_space<vmem>>
        %dma_start3A_132 = tpu.memref_squeeze %dma_start3A_131 : memref<1x128x80xf32, #tpu.memory_space<vmem>> -> memref<128x80xf32, #tpu.memory_space<vmem>>
        %dma_start3A_133 = arith.constant 0 : i32
        %dma_start3A_134 = tpu.memref_slice %arg7[%add3A_127, %dma_start3A_133] : memref<79x128xi32, #tpu.memory_space<vmem>> -> memref<1x128xi32, #tpu.memory_space<vmem>>
        %dma_start3A_135 = tpu.memref_squeeze %dma_start3A_134 : memref<1x128xi32, #tpu.memory_space<vmem>> -> memref<128xi32, #tpu.memory_space<vmem>>
        %dma_start3A_136 = arith.constant 0 : i32
        %dma_start3A_137 = arith.constant 0 : i32
        %dma_start3A_138 = tpu.memref_slice %arg2[%dma_start3A_136, %dma_start3A_137] : memref<10000x80xf32, #tpu.memory_space<hbm>> -> memref<10000x80xf32, #tpu.memory_space<hbm>>
        tpu.enqueue_indirect_dma source(%dma_start3A_138 : memref<10000x80xf32, #tpu.memory_space<hbm>>) target(%dma_start3A_132 : memref<128x80xf32, #tpu.memory_space<vmem>>) offsets(%dma_start3A_135 : memref<128xi32, #tpu.memory_space<vmem>>) semaphore(%arg14 : memref<!tpu.dma_semaphore, #tpu.memory_space<semaphore_mem>>)
        %dma_start3A_139 = arith.constant 1 : i32
        %dma_start3A_140 = arith.constant 0 : i32
        %dma_start3A_141 = arith.constant 0 : i32
        %dma_start3A_142 = tpu.memref_slice %arg10[%dma_start3A_139, %dma_start3A_140, %dma_start3A_141] : memref<2x128x16xf32, #tpu.memory_space<vmem>> -> memref<1x128x16xf32, #tpu.memory_space<vmem>>
        %dma_start3A_143 = tpu.memref_squeeze %dma_start3A_142 : memref<1x128x16xf32, #tpu.memory_space<vmem>> -> memref<128x16xf32, #tpu.memory_space<vmem>>
        %dma_start3A_144 = arith.constant 0 : i32
        %dma_start3A_145 = tpu.memref_slice %arg8[%add3A_127, %dma_start3A_144] : memref<79x128xi32, #tpu.memory_space<vmem>> -> memref<1x128xi32, #tpu.memory_space<vmem>>
        %dma_start3A_146 = tpu.memref_squeeze %dma_start3A_145 : memref<1x128xi32, #tpu.memory_space<vmem>> -> memref<128xi32, #tpu.memory_space<vmem>>
        %dma_start3A_147 = arith.constant 0 : i32
        %dma_start3A_148 = arith.constant 0 : i32
        %dma_start3A_149 = tpu.memref_slice %arg3[%dma_start3A_147, %dma_start3A_148] : memref<10000x16xf32, #tpu.memory_space<hbm>> -> memref<10000x16xf32, #tpu.memory_space<hbm>>
        tpu.enqueue_indirect_dma source(%dma_start3A_149 : memref<10000x16xf32, #tpu.memory_space<hbm>>) target(%dma_start3A_143 : memref<128x16xf32, #tpu.memory_space<vmem>>) offsets(%dma_start3A_146 : memref<128xi32, #tpu.memory_space<vmem>>) semaphore(%arg14 : memref<!tpu.dma_semaphore, #tpu.memory_space<semaphore_mem>>)
      } else {
      }
      %lt3A_108 = arith.cmpi slt, %mul3A_101, %add3A_41 : i32
      %convert_element_type3A_109 = arith.extui %lt3A_108 : i1 to i32
      %cond3A_110 = arith.constant 0 : i32
      %cond3A_111 = arith.cmpi ne, %convert_element_type3A_109, %cond3A_110 : i32
      scf.if %cond3A_111 {
        %dma_wait3A_126 = arith.constant 0 : i32
        %dma_wait3A_127 = arith.constant 0 : i32
        %dma_wait3A_128 = arith.constant 0 : i32
        %dma_wait3A_129 = tpu.memref_slice %arg9[%dma_wait3A_126, %dma_wait3A_127, %dma_wait3A_128] : memref<2x128x80xf32, #tpu.memory_space<vmem>> -> memref<1x128x80xf32, #tpu.memory_space<vmem>>
        %dma_wait3A_130 = tpu.memref_squeeze %dma_wait3A_129 : memref<1x128x80xf32, #tpu.memory_space<vmem>> -> memref<128x80xf32, #tpu.memory_space<vmem>>
        %dma_wait3A_131 = arith.constant 0 : i32
        %dma_wait3A_132 = tpu.memref_slice %arg7[%mul3A_101, %dma_wait3A_131] : memref<79x128xi32, #tpu.memory_space<vmem>> -> memref<1x128xi32, #tpu.memory_space<vmem>>
        %dma_wait3A_133 = tpu.memref_squeeze %dma_wait3A_132 : memref<1x128xi32, #tpu.memory_space<vmem>> -> memref<128xi32, #tpu.memory_space<vmem>>
        %dma_wait3A_134 = arith.constant 0 : i32
        %dma_wait3A_135 = arith.constant 0 : i32
        %dma_wait3A_136 = tpu.memref_slice %arg2[%dma_wait3A_134, %dma_wait3A_135] : memref<10000x80xf32, #tpu.memory_space<hbm>> -> memref<10000x80xf32, #tpu.memory_space<hbm>>
        tpu.wait_indirect_dma semaphore(%arg13 : memref<!tpu.dma_semaphore, #tpu.memory_space<semaphore_mem>>) src(%dma_wait3A_136 : memref<10000x80xf32, #tpu.memory_space<hbm>>) dst(%dma_wait3A_130 : memref<128x80xf32, #tpu.memory_space<vmem>>)
        %dma_wait3A_137 = arith.constant 0 : i32
        %dma_wait3A_138 = arith.constant 0 : i32
        %dma_wait3A_139 = arith.constant 0 : i32
        %dma_wait3A_140 = tpu.memref_slice %arg10[%dma_wait3A_137, %dma_wait3A_138, %dma_wait3A_139] : memref<2x128x16xf32, #tpu.memory_space<vmem>> -> memref<1x128x16xf32, #tpu.memory_space<vmem>>
        %dma_wait3A_141 = tpu.memref_squeeze %dma_wait3A_140 : memref<1x128x16xf32, #tpu.memory_space<vmem>> -> memref<128x16xf32, #tpu.memory_space<vmem>>
        %dma_wait3A_142 = arith.constant 0 : i32
        %dma_wait3A_143 = tpu.memref_slice %arg8[%mul3A_101, %dma_wait3A_142] : memref<79x128xi32, #tpu.memory_space<vmem>> -> memref<1x128xi32, #tpu.memory_space<vmem>>
        %dma_wait3A_144 = tpu.memref_squeeze %dma_wait3A_143 : memref<1x128xi32, #tpu.memory_space<vmem>> -> memref<128xi32, #tpu.memory_space<vmem>>
        %dma_wait3A_145 = arith.constant 0 : i32
        %dma_wait3A_146 = arith.constant 0 : i32
        %dma_wait3A_147 = tpu.memref_slice %arg3[%dma_wait3A_145, %dma_wait3A_146] : memref<10000x16xf32, #tpu.memory_space<hbm>> -> memref<10000x16xf32, #tpu.memory_space<hbm>>
        tpu.wait_indirect_dma semaphore(%arg13 : memref<!tpu.dma_semaphore, #tpu.memory_space<semaphore_mem>>) src(%dma_wait3A_147 : memref<10000x16xf32, #tpu.memory_space<hbm>>) dst(%dma_wait3A_141 : memref<128x16xf32, #tpu.memory_space<vmem>>)
        %ge3A = arith.constant 2 : i32
        %ge3A_148 = arith.cmpi sge, %mul3A_101, %ge3A : i32
        %convert_element_type3A_149 = arith.extui %ge3A_148 : i1 to i32
        %cond3A_150 = arith.constant 0 : i32
        %cond3A_151 = arith.cmpi ne, %convert_element_type3A_149, %cond3A_150 : i32
        scf.if %cond3A_151 {
          %sub3A = arith.constant 2 : i32
          %sub3A_169 = arith.subi %mul3A_101, %sub3A : i32
          %dma_wait3A_170 = arith.constant 0 : i32
          %dma_wait3A_171 = arith.constant 0 : i32
          %dma_wait3A_172 = arith.constant 0 : i32
          %dma_wait3A_173 = tpu.memref_slice %arg11[%dma_wait3A_170, %dma_wait3A_171, %dma_wait3A_172] : memref<2x128x80xf32, #tpu.memory_space<vmem>> -> memref<1x128x80xf32, #tpu.memory_space<vmem>>
          %dma_wait3A_174 = tpu.memref_squeeze %dma_wait3A_173 : memref<1x128x80xf32, #tpu.memory_space<vmem>> -> memref<128x80xf32, #tpu.memory_space<vmem>>
          %dma_wait3A_175 = arith.constant 0 : i32
          %dma_wait3A_176 = tpu.memref_slice %arg8[%sub3A_169, %dma_wait3A_175] : memref<79x128xi32, #tpu.memory_space<vmem>> -> memref<1x128xi32, #tpu.memory_space<vmem>>
          %dma_wait3A_177 = tpu.memref_squeeze %dma_wait3A_176 : memref<1x128xi32, #tpu.memory_space<vmem>> -> memref<128xi32, #tpu.memory_space<vmem>>
          %dma_wait3A_178 = arith.constant 0 : i32
          %dma_wait3A_179 = arith.constant 0 : i32
          %dma_wait3A_180 = tpu.memref_slice %arg12[%dma_wait3A_178, %dma_wait3A_179] : memref<10000x80xf32, #tpu.memory_space<vmem_shared>> -> memref<10000x80xf32, #tpu.memory_space<vmem_shared>>
          tpu.wait_indirect_dma semaphore(%arg15 : memref<!tpu.dma_semaphore, #tpu.memory_space<semaphore_mem>>) src(%dma_wait3A_174 : memref<128x80xf32, #tpu.memory_space<vmem>>) dst(%dma_wait3A_180 : memref<10000x80xf32, #tpu.memory_space<vmem_shared>>)
        } else {
        }
        %broadcast_in_dim3A = arith.constant 0 : i32
        %broadcast_in_dim3A_152 = vector.broadcast %broadcast_in_dim3A : i32 to vector<16xi32>
        %parallel_loop3A = arith.constant 0 : i32
        %parallel_loop3A_153 = arith.constant 128 : i32
        %parallel_loop3A_154 = arith.constant 1 : i32
        scf.for %parallel_loop3A_169 = %parallel_loop3A to %parallel_loop3A_153 step %parallel_loop3A_154  : i32 {
          %parallel_loop3A_170 = arith.constant 0 : i32
          %parallel_loop3A_171 = arith.index_cast %parallel_loop3A_170 : i32 to index
          %parallel_loop3A_172 = arith.index_cast %parallel_loop3A_169 : i32 to index
          %parallel_loop3A_173 = arith.constant 64 : index
          %parallel_loop3A_174 = tpu.vector_load %arg9[%parallel_loop3A_171, %parallel_loop3A_172, %parallel_loop3A_173] {strides = array<i32>} : memref<2x128x80xf32, #tpu.memory_space<vmem>>, vector<16xf32>,
          %parallel_loop3A_175 = arith.constant 0 : i32
          %parallel_loop3A_176 = arith.index_cast %parallel_loop3A_175 : i32 to index
          %parallel_loop3A_177 = arith.index_cast %parallel_loop3A_169 : i32 to index
          %parallel_loop3A_178 = arith.constant 0 : index
          %parallel_loop3A_179 = tpu.vector_load %arg10[%parallel_loop3A_176, %parallel_loop3A_177, %parallel_loop3A_178] {strides = array<i32>} : memref<2x128x16xf32, #tpu.memory_space<vmem>>, vector<16xf32>,
          %parallel_loop3A_180 = arith.addf %parallel_loop3A_174, %parallel_loop3A_179 : vector<16xf32>
          %parallel_loop3A_181 = arith.constant 2.000000e-01 : f32
          %parallel_loop3A_182 = vector.broadcast %parallel_loop3A_181 : f32 to vector<16xf32>
          %parallel_loop3A_183 = arith.mulf %parallel_loop3A_182, %parallel_loop3A_180 : vector<16xf32>
          %parallel_loop3A_184 = arith.maximumf %parallel_loop3A_180, %parallel_loop3A_183 : vector<16xf32>
          %parallel_loop3A_185 = math.exp %parallel_loop3A_184 : vector<16xf32>
          %parallel_loop3A_186 = arith.constant 0 : i32
          %parallel_loop3A_187 = arith.index_cast %parallel_loop3A_186 : i32 to index
          %parallel_loop3A_188 = arith.index_cast %parallel_loop3A_169 : i32 to index
          %parallel_loop3A_189 = arith.constant 64 : index
          %parallel_loop3A_190 = tpu.vector_load %arg11[%parallel_loop3A_187, %parallel_loop3A_188, %parallel_loop3A_189] {strides = array<i32>} : memref<2x128x80xf32, #tpu.memory_space<vmem>>, vector<16xf32>,
          tpu.vector_store %arg11[%parallel_loop3A_187, %parallel_loop3A_188, %parallel_loop3A_189], %parallel_loop3A_185 {strides = array<i32>} : memref<2x128x80xf32, #tpu.memory_space<vmem>>, vector<16xf32>,
        } {sc.loop_unroll_factor = 4 : i64, sc.parallel_access}
        %parallel_loop3A_155 = arith.constant 0 : i32
        %parallel_loop3A_156 = arith.constant 128 : i32
        %parallel_loop3A_157 = arith.constant 1 : i32
        scf.for %parallel_loop3A_169 = %parallel_loop3A_155 to %parallel_loop3A_156 step %parallel_loop3A_157  : i32 {
          %parallel_loop3A_170 = vector.broadcast %parallel_loop3A_169 : i32 to vector<16xi32>
          %parallel_loop3A_171 = arith.constant 64 : i32
          %parallel_loop3A_172 = vector.broadcast %parallel_loop3A_171 : i32 to vector<16xi32>
          %parallel_loop3A_173 = arith.addi %add3A_9, %parallel_loop3A_172 : vector<16xi32>
          %parallel_loop3A_174 = tpu.vector_load_idx %arg11[%broadcast_in_dim3A_152, %parallel_loop3A_170, %parallel_loop3A_173] : memref<2x128x80xf32, #tpu.memory_space<vmem>>[vector<16xi32>, vector<16xi32>, vector<16xi32>], vector<16xf32>,
          %parallel_loop3A_175 = arith.constant 0 : i32
          %parallel_loop3A_176 = arith.index_cast %parallel_loop3A_175 : i32 to index
          %parallel_loop3A_177 = arith.index_cast %parallel_loop3A_169 : i32 to index
          %parallel_loop3A_178 = arith.constant 0 : index
          %parallel_loop3A_179 = tpu.vector_load %arg9[%parallel_loop3A_176, %parallel_loop3A_177, %parallel_loop3A_178] {strides = array<i32>} : memref<2x128x80xf32, #tpu.memory_space<vmem>>, vector<16xf32>,
          %parallel_loop3A_180 = arith.mulf %parallel_loop3A_179, %parallel_loop3A_174 : vector<16xf32>
          %parallel_loop3A_181 = arith.constant 0 : i32
          %parallel_loop3A_182 = arith.index_cast %parallel_loop3A_181 : i32 to index
          %parallel_loop3A_183 = arith.index_cast %parallel_loop3A_169 : i32 to index
          %parallel_loop3A_184 = arith.constant 0 : index
          %parallel_loop3A_185 = tpu.vector_load %arg11[%parallel_loop3A_182, %parallel_loop3A_183, %parallel_loop3A_184] {strides = array<i32>} : memref<2x128x80xf32, #tpu.memory_space<vmem>>, vector<16xf32>,
          tpu.vector_store %arg11[%parallel_loop3A_182, %parallel_loop3A_183, %parallel_loop3A_184], %parallel_loop3A_180 {strides = array<i32>} : memref<2x128x80xf32, #tpu.memory_space<vmem>>, vector<16xf32>,
          %parallel_loop3A_186 = arith.constant 64 : i32
          %parallel_loop3A_187 = vector.broadcast %parallel_loop3A_186 : i32 to vector<16xi32>
          %parallel_loop3A_188 = arith.addi %add3A_15, %parallel_loop3A_187 : vector<16xi32>
          %parallel_loop3A_189 = tpu.vector_load_idx %arg11[%broadcast_in_dim3A_152, %parallel_loop3A_170, %parallel_loop3A_188] : memref<2x128x80xf32, #tpu.memory_space<vmem>>[vector<16xi32>, vector<16xi32>, vector<16xi32>], vector<16xf32>,
          %parallel_loop3A_190 = arith.constant 0 : i32
          %parallel_loop3A_191 = arith.index_cast %parallel_loop3A_190 : i32 to index
          %parallel_loop3A_192 = arith.index_cast %parallel_loop3A_169 : i32 to index
          %parallel_loop3A_193 = arith.constant 16 : index
          %parallel_loop3A_194 = tpu.vector_load %arg9[%parallel_loop3A_191, %parallel_loop3A_192, %parallel_loop3A_193] {strides = array<i32>} : memref<2x128x80xf32, #tpu.memory_space<vmem>>, vector<16xf32>,
          %parallel_loop3A_195 = arith.mulf %parallel_loop3A_194, %parallel_loop3A_189 : vector<16xf32>
          %parallel_loop3A_196 = arith.constant 0 : i32
          %parallel_loop3A_197 = arith.index_cast %parallel_loop3A_196 : i32 to index
          %parallel_loop3A_198 = arith.index_cast %parallel_loop3A_169 : i32 to index
          %parallel_loop3A_199 = arith.constant 16 : index
          %parallel_loop3A_200 = tpu.vector_load %arg11[%parallel_loop3A_197, %parallel_loop3A_198, %parallel_loop3A_199] {strides = array<i32>} : memref<2x128x80xf32, #tpu.memory_space<vmem>>, vector<16xf32>,
          tpu.vector_store %arg11[%parallel_loop3A_197, %parallel_loop3A_198, %parallel_loop3A_199], %parallel_loop3A_195 {strides = array<i32>} : memref<2x128x80xf32, #tpu.memory_space<vmem>>, vector<16xf32>,
          %parallel_loop3A_201 = arith.constant 64 : i32
          %parallel_loop3A_202 = vector.broadcast %parallel_loop3A_201 : i32 to vector<16xi32>
          %parallel_loop3A_203 = arith.addi %add3A_21, %parallel_loop3A_202 : vector<16xi32>
          %parallel_loop3A_204 = tpu.vector_load_idx %arg11[%broadcast_in_dim3A_152, %parallel_loop3A_170, %parallel_loop3A_203] : memref<2x128x80xf32, #tpu.memory_space<vmem>>[vector<16xi32>, vector<16xi32>, vector<16xi32>], vector<16xf32>,
          %parallel_loop3A_205 = arith.constant 0 : i32
          %parallel_loop3A_206 = arith.index_cast %parallel_loop3A_205 : i32 to index
          %parallel_loop3A_207 = arith.index_cast %parallel_loop3A_169 : i32 to index
          %parallel_loop3A_208 = arith.constant 32 : index
          %parallel_loop3A_209 = tpu.vector_load %arg9[%parallel_loop3A_206, %parallel_loop3A_207, %parallel_loop3A_208] {strides = array<i32>} : memref<2x128x80xf32, #tpu.memory_space<vmem>>, vector<16xf32>,
          %parallel_loop3A_210 = arith.mulf %parallel_loop3A_209, %parallel_loop3A_204 : vector<16xf32>
          %parallel_loop3A_211 = arith.constant 0 : i32
          %parallel_loop3A_212 = arith.index_cast %parallel_loop3A_211 : i32 to index
          %parallel_loop3A_213 = arith.index_cast %parallel_loop3A_169 : i32 to index
          %parallel_loop3A_214 = arith.constant 32 : index
          %parallel_loop3A_215 = tpu.vector_load %arg11[%parallel_loop3A_212, %parallel_loop3A_213, %parallel_loop3A_214] {strides = array<i32>} : memref<2x128x80xf32, #tpu.memory_space<vmem>>, vector<16xf32>,
          tpu.vector_store %arg11[%parallel_loop3A_212, %parallel_loop3A_213, %parallel_loop3A_214], %parallel_loop3A_210 {strides = array<i32>} : memref<2x128x80xf32, #tpu.memory_space<vmem>>, vector<16xf32>,
          %parallel_loop3A_216 = arith.constant 64 : i32
          %parallel_loop3A_217 = vector.broadcast %parallel_loop3A_216 : i32 to vector<16xi32>
          %parallel_loop3A_218 = arith.addi %add3A_27, %parallel_loop3A_217 : vector<16xi32>
          %parallel_loop3A_219 = tpu.vector_load_idx %arg11[%broadcast_in_dim3A_152, %parallel_loop3A_170, %parallel_loop3A_218] : memref<2x128x80xf32, #tpu.memory_space<vmem>>[vector<16xi32>, vector<16xi32>, vector<16xi32>], vector<16xf32>,
          %parallel_loop3A_220 = arith.constant 0 : i32
          %parallel_loop3A_221 = arith.index_cast %parallel_loop3A_220 : i32 to index
          %parallel_loop3A_222 = arith.index_cast %parallel_loop3A_169 : i32 to index
          %parallel_loop3A_223 = arith.constant 48 : index
          %parallel_loop3A_224 = tpu.vector_load %arg9[%parallel_loop3A_221, %parallel_loop3A_222, %parallel_loop3A_223] {strides = array<i32>} : memref<2x128x80xf32, #tpu.memory_space<vmem>>, vector<16xf32>,
          %parallel_loop3A_225 = arith.mulf %parallel_loop3A_224, %parallel_loop3A_219 : vector<16xf32>
          %parallel_loop3A_226 = arith.constant 0 : i32
          %parallel_loop3A_227 = arith.index_cast %parallel_loop3A_226 : i32 to index
          %parallel_loop3A_228 = arith.index_cast %parallel_loop3A_169 : i32 to index
          %parallel_loop3A_229 = arith.constant 48 : index
          %parallel_loop3A_230 = tpu.vector_load %arg11[%parallel_loop3A_227, %parallel_loop3A_228, %parallel_loop3A_229] {strides = array<i32>} : memref<2x128x80xf32, #tpu.memory_space<vmem>>, vector<16xf32>,
          tpu.vector_store %arg11[%parallel_loop3A_227, %parallel_loop3A_228, %parallel_loop3A_229], %parallel_loop3A_225 {strides = array<i32>} : memref<2x128x80xf32, #tpu.memory_space<vmem>>, vector<16xf32>,
        } {sc.loop_unroll_factor = 8 : i64, sc.parallel_access}
        %dma_start3A_158 = arith.constant 0 : i32
        %dma_start3A_159 = arith.constant 0 : i32
        %dma_start3A_160 = arith.constant 0 : i32
        %dma_start3A_161 = tpu.memref_slice %arg11[%dma_start3A_158, %dma_start3A_159, %dma_start3A_160] : memref<2x128x80xf32, #tpu.memory_space<vmem>> -> memref<1x128x80xf32, #tpu.memory_space<vmem>>
        %dma_start3A_162 = tpu.memref_squeeze %dma_start3A_161 : memref<1x128x80xf32, #tpu.memory_space<vmem>> -> memref<128x80xf32, #tpu.memory_space<vmem>>
        %dma_start3A_163 = arith.constant 0 : i32
        %dma_start3A_164 = tpu.memref_slice %arg8[%mul3A_101, %dma_start3A_163] : memref<79x128xi32, #tpu.memory_space<vmem>> -> memref<1x128xi32, #tpu.memory_space<vmem>>
        %dma_start3A_165 = tpu.memref_squeeze %dma_start3A_164 : memref<1x128xi32, #tpu.memory_space<vmem>> -> memref<128xi32, #tpu.memory_space<vmem>>
        %dma_start3A_166 = arith.constant 0 : i32
        %dma_start3A_167 = arith.constant 0 : i32
        %dma_start3A_168 = tpu.memref_slice %arg12[%dma_start3A_166, %dma_start3A_167] : memref<10000x80xf32, #tpu.memory_space<vmem_shared>> -> memref<10000x80xf32, #tpu.memory_space<vmem_shared>>
        tpu.enqueue_indirect_dma source(%dma_start3A_162 : memref<128x80xf32, #tpu.memory_space<vmem>>) target(%dma_start3A_168 : memref<10000x80xf32, #tpu.memory_space<vmem_shared>>) offsets(%dma_start3A_165 : memref<128xi32, #tpu.memory_space<vmem>>) semaphore(%arg15 : memref<!tpu.dma_semaphore, #tpu.memory_space<semaphore_mem>>) {add = true}
      } else {
      }
      %mul3A_112 = arith.constant 2 : i32
      %mul3A_113 = arith.muli %mul3A_112, %scan3A_99 : i32
      %add3A_114 = arith.constant 1 : i32
      %add3A_115 = arith.addi %mul3A_113, %add3A_114 : i32
      %add3A_116 = arith.constant 1 : i32
      %add3A_117 = arith.addi %add3A_115, %add3A_116 : i32
      %lt3A_118 = arith.cmpi slt, %add3A_117, %add3A_41 : i32
      %convert_element_type3A_119 = arith.extui %lt3A_118 : i1 to i32
      %cond3A_120 = arith.constant 0 : i32
      %cond3A_121 = arith.cmpi ne, %convert_element_type3A_119, %cond3A_120 : i32
      scf.if %cond3A_121 {
        %add3A_126 = arith.constant 1 : i32
        %add3A_127 = arith.addi %add3A_115, %add3A_126 : i32
        %dma_start3A_128 = arith.constant 0 : i32
        %dma_start3A_129 = arith.constant 0 : i32
        %dma_start3A_130 = arith.constant 0 : i32
        %dma_start3A_131 = tpu.memref_slice %arg9[%dma_start3A_128, %dma_start3A_129, %dma_start3A_130] : memref<2x128x80xf32, #tpu.memory_space<vmem>> -> memref<1x128x80xf32, #tpu.memory_space<vmem>>
        %dma_start3A_132 = tpu.memref_squeeze %dma_start3A_131 : memref<1x128x80xf32, #tpu.memory_space<vmem>> -> memref<128x80xf32, #tpu.memory_space<vmem>>
        %dma_start3A_133 = arith.constant 0 : i32
        %dma_start3A_134 = tpu.memref_slice %arg7[%add3A_127, %dma_start3A_133] : memref<79x128xi32, #tpu.memory_space<vmem>> -> memref<1x128xi32, #tpu.memory_space<vmem>>
        %dma_start3A_135 = tpu.memref_squeeze %dma_start3A_134 : memref<1x128xi32, #tpu.memory_space<vmem>> -> memref<128xi32, #tpu.memory_space<vmem>>
        %dma_start3A_136 = arith.constant 0 : i32
        %dma_start3A_137 = arith.constant 0 : i32
        %dma_start3A_138 = tpu.memref_slice %arg2[%dma_start3A_136, %dma_start3A_137] : memref<10000x80xf32, #tpu.memory_space<hbm>> -> memref<10000x80xf32, #tpu.memory_space<hbm>>
        tpu.enqueue_indirect_dma source(%dma_start3A_138 : memref<10000x80xf32, #tpu.memory_space<hbm>>) target(%dma_start3A_132 : memref<128x80xf32, #tpu.memory_space<vmem>>) offsets(%dma_start3A_135 : memref<128xi32, #tpu.memory_space<vmem>>) semaphore(%arg13 : memref<!tpu.dma_semaphore, #tpu.memory_space<semaphore_mem>>)
        %dma_start3A_139 = arith.constant 0 : i32
        %dma_start3A_140 = arith.constant 0 : i32
        %dma_start3A_141 = arith.constant 0 : i32
        %dma_start3A_142 = tpu.memref_slice %arg10[%dma_start3A_139, %dma_start3A_140, %dma_start3A_141] : memref<2x128x16xf32, #tpu.memory_space<vmem>> -> memref<1x128x16xf32, #tpu.memory_space<vmem>>
        %dma_start3A_143 = tpu.memref_squeeze %dma_start3A_142 : memref<1x128x16xf32, #tpu.memory_space<vmem>> -> memref<128x16xf32, #tpu.memory_space<vmem>>
        %dma_start3A_144 = arith.constant 0 : i32
        %dma_start3A_145 = tpu.memref_slice %arg8[%add3A_127, %dma_start3A_144] : memref<79x128xi32, #tpu.memory_space<vmem>> -> memref<1x128xi32, #tpu.memory_space<vmem>>
        %dma_start3A_146 = tpu.memref_squeeze %dma_start3A_145 : memref<1x128xi32, #tpu.memory_space<vmem>> -> memref<128xi32, #tpu.memory_space<vmem>>
        %dma_start3A_147 = arith.constant 0 : i32
        %dma_start3A_148 = arith.constant 0 : i32
        %dma_start3A_149 = tpu.memref_slice %arg3[%dma_start3A_147, %dma_start3A_148] : memref<10000x16xf32, #tpu.memory_space<hbm>> -> memref<10000x16xf32, #tpu.memory_space<hbm>>
        tpu.enqueue_indirect_dma source(%dma_start3A_149 : memref<10000x16xf32, #tpu.memory_space<hbm>>) target(%dma_start3A_143 : memref<128x16xf32, #tpu.memory_space<vmem>>) offsets(%dma_start3A_146 : memref<128xi32, #tpu.memory_space<vmem>>) semaphore(%arg13 : memref<!tpu.dma_semaphore, #tpu.memory_space<semaphore_mem>>)
      } else {
      }
      %lt3A_122 = arith.cmpi slt, %add3A_115, %add3A_41 : i32
      %convert_element_type3A_123 = arith.extui %lt3A_122 : i1 to i32
      %cond3A_124 = arith.constant 0 : i32
      %cond3A_125 = arith.cmpi ne, %convert_element_type3A_123, %cond3A_124 : i32
      scf.if %cond3A_125 {
        %dma_wait3A_126 = arith.constant 1 : i32
        %dma_wait3A_127 = arith.constant 0 : i32
        %dma_wait3A_128 = arith.constant 0 : i32
        %dma_wait3A_129 = tpu.memref_slice %arg9[%dma_wait3A_126, %dma_wait3A_127, %dma_wait3A_128] : memref<2x128x80xf32, #tpu.memory_space<vmem>> -> memref<1x128x80xf32, #tpu.memory_space<vmem>>
        %dma_wait3A_130 = tpu.memref_squeeze %dma_wait3A_129 : memref<1x128x80xf32, #tpu.memory_space<vmem>> -> memref<128x80xf32, #tpu.memory_space<vmem>>
        %dma_wait3A_131 = arith.constant 0 : i32
        %dma_wait3A_132 = tpu.memref_slice %arg7[%add3A_115, %dma_wait3A_131] : memref<79x128xi32, #tpu.memory_space<vmem>> -> memref<1x128xi32, #tpu.memory_space<vmem>>
        %dma_wait3A_133 = tpu.memref_squeeze %dma_wait3A_132 : memref<1x128xi32, #tpu.memory_space<vmem>> -> memref<128xi32, #tpu.memory_space<vmem>>
        %dma_wait3A_134 = arith.constant 0 : i32
        %dma_wait3A_135 = arith.constant 0 : i32
        %dma_wait3A_136 = tpu.memref_slice %arg2[%dma_wait3A_134, %dma_wait3A_135] : memref<10000x80xf32, #tpu.memory_space<hbm>> -> memref<10000x80xf32, #tpu.memory_space<hbm>>
        tpu.wait_indirect_dma semaphore(%arg14 : memref<!tpu.dma_semaphore, #tpu.memory_space<semaphore_mem>>) src(%dma_wait3A_136 : memref<10000x80xf32, #tpu.memory_space<hbm>>) dst(%dma_wait3A_130 : memref<128x80xf32, #tpu.memory_space<vmem>>)
        %dma_wait3A_137 = arith.constant 1 : i32
        %dma_wait3A_138 = arith.constant 0 : i32
        %dma_wait3A_139 = arith.constant 0 : i32
        %dma_wait3A_140 = tpu.memref_slice %arg10[%dma_wait3A_137, %dma_wait3A_138, %dma_wait3A_139] : memref<2x128x16xf32, #tpu.memory_space<vmem>> -> memref<1x128x16xf32, #tpu.memory_space<vmem>>
        %dma_wait3A_141 = tpu.memref_squeeze %dma_wait3A_140 : memref<1x128x16xf32, #tpu.memory_space<vmem>> -> memref<128x16xf32, #tpu.memory_space<vmem>>
        %dma_wait3A_142 = arith.constant 0 : i32
        %dma_wait3A_143 = tpu.memref_slice %arg8[%add3A_115, %dma_wait3A_142] : memref<79x128xi32, #tpu.memory_space<vmem>> -> memref<1x128xi32, #tpu.memory_space<vmem>>
        %dma_wait3A_144 = tpu.memref_squeeze %dma_wait3A_143 : memref<1x128xi32, #tpu.memory_space<vmem>> -> memref<128xi32, #tpu.memory_space<vmem>>
        %dma_wait3A_145 = arith.constant 0 : i32
        %dma_wait3A_146 = arith.constant 0 : i32
        %dma_wait3A_147 = tpu.memref_slice %arg3[%dma_wait3A_145, %dma_wait3A_146] : memref<10000x16xf32, #tpu.memory_space<hbm>> -> memref<10000x16xf32, #tpu.memory_space<hbm>>
        tpu.wait_indirect_dma semaphore(%arg14 : memref<!tpu.dma_semaphore, #tpu.memory_space<semaphore_mem>>) src(%dma_wait3A_147 : memref<10000x16xf32, #tpu.memory_space<hbm>>) dst(%dma_wait3A_141 : memref<128x16xf32, #tpu.memory_space<vmem>>)
        %ge3A = arith.constant 2 : i32
        %ge3A_148 = arith.cmpi sge, %add3A_115, %ge3A : i32
        %convert_element_type3A_149 = arith.extui %ge3A_148 : i1 to i32
        %cond3A_150 = arith.constant 0 : i32
        %cond3A_151 = arith.cmpi ne, %convert_element_type3A_149, %cond3A_150 : i32
        scf.if %cond3A_151 {
          %sub3A = arith.constant 2 : i32
          %sub3A_169 = arith.subi %add3A_115, %sub3A : i32
          %dma_wait3A_170 = arith.constant 1 : i32
          %dma_wait3A_171 = arith.constant 0 : i32
          %dma_wait3A_172 = arith.constant 0 : i32
          %dma_wait3A_173 = tpu.memref_slice %arg11[%dma_wait3A_170, %dma_wait3A_171, %dma_wait3A_172] : memref<2x128x80xf32, #tpu.memory_space<vmem>> -> memref<1x128x80xf32, #tpu.memory_space<vmem>>
          %dma_wait3A_174 = tpu.memref_squeeze %dma_wait3A_173 : memref<1x128x80xf32, #tpu.memory_space<vmem>> -> memref<128x80xf32, #tpu.memory_space<vmem>>
          %dma_wait3A_175 = arith.constant 0 : i32
          %dma_wait3A_176 = tpu.memref_slice %arg8[%sub3A_169, %dma_wait3A_175] : memref<79x128xi32, #tpu.memory_space<vmem>> -> memref<1x128xi32, #tpu.memory_space<vmem>>
          %dma_wait3A_177 = tpu.memref_squeeze %dma_wait3A_176 : memref<1x128xi32, #tpu.memory_space<vmem>> -> memref<128xi32, #tpu.memory_space<vmem>>
          %dma_wait3A_178 = arith.constant 0 : i32
          %dma_wait3A_179 = arith.constant 0 : i32
          %dma_wait3A_180 = tpu.memref_slice %arg12[%dma_wait3A_178, %dma_wait3A_179] : memref<10000x80xf32, #tpu.memory_space<vmem_shared>> -> memref<10000x80xf32, #tpu.memory_space<vmem_shared>>
          tpu.wait_indirect_dma semaphore(%arg16 : memref<!tpu.dma_semaphore, #tpu.memory_space<semaphore_mem>>) src(%dma_wait3A_174 : memref<128x80xf32, #tpu.memory_space<vmem>>) dst(%dma_wait3A_180 : memref<10000x80xf32, #tpu.memory_space<vmem_shared>>)
        } else {
        }
        %broadcast_in_dim3A = arith.constant 1 : i32
        %broadcast_in_dim3A_152 = vector.broadcast %broadcast_in_dim3A : i32 to vector<16xi32>
        %parallel_loop3A = arith.constant 0 : i32
        %parallel_loop3A_153 = arith.constant 128 : i32
        %parallel_loop3A_154 = arith.constant 1 : i32
        scf.for %parallel_loop3A_169 = %parallel_loop3A to %parallel_loop3A_153 step %parallel_loop3A_154  : i32 {
          %parallel_loop3A_170 = arith.constant 1 : i32
          %parallel_loop3A_171 = arith.index_cast %parallel_loop3A_170 : i32 to index
          %parallel_loop3A_172 = arith.index_cast %parallel_loop3A_169 : i32 to index
          %parallel_loop3A_173 = arith.constant 64 : index
          %parallel_loop3A_174 = tpu.vector_load %arg9[%parallel_loop3A_171, %parallel_loop3A_172, %parallel_loop3A_173] {strides = array<i32>} : memref<2x128x80xf32, #tpu.memory_space<vmem>>, vector<16xf32>,
          %parallel_loop3A_175 = arith.constant 1 : i32
          %parallel_loop3A_176 = arith.index_cast %parallel_loop3A_175 : i32 to index
          %parallel_loop3A_177 = arith.index_cast %parallel_loop3A_169 : i32 to index
          %parallel_loop3A_178 = arith.constant 0 : index
          %parallel_loop3A_179 = tpu.vector_load %arg10[%parallel_loop3A_176, %parallel_loop3A_177, %parallel_loop3A_178] {strides = array<i32>} : memref<2x128x16xf32, #tpu.memory_space<vmem>>, vector<16xf32>,
          %parallel_loop3A_180 = arith.addf %parallel_loop3A_174, %parallel_loop3A_179 : vector<16xf32>
          %parallel_loop3A_181 = arith.constant 2.000000e-01 : f32
          %parallel_loop3A_182 = vector.broadcast %parallel_loop3A_181 : f32 to vector<16xf32>
          %parallel_loop3A_183 = arith.mulf %parallel_loop3A_182, %parallel_loop3A_180 : vector<16xf32>
          %parallel_loop3A_184 = arith.maximumf %parallel_loop3A_180, %parallel_loop3A_183 : vector<16xf32>
          %parallel_loop3A_185 = math.exp %parallel_loop3A_184 : vector<16xf32>
          %parallel_loop3A_186 = arith.constant 1 : i32
          %parallel_loop3A_187 = arith.index_cast %parallel_loop3A_186 : i32 to index
          %parallel_loop3A_188 = arith.index_cast %parallel_loop3A_169 : i32 to index
          %parallel_loop3A_189 = arith.constant 64 : index
          %parallel_loop3A_190 = tpu.vector_load %arg11[%parallel_loop3A_187, %parallel_loop3A_188, %parallel_loop3A_189] {strides = array<i32>} : memref<2x128x80xf32, #tpu.memory_space<vmem>>, vector<16xf32>,
          tpu.vector_store %arg11[%parallel_loop3A_187, %parallel_loop3A_188, %parallel_loop3A_189], %parallel_loop3A_185 {strides = array<i32>} : memref<2x128x80xf32, #tpu.memory_space<vmem>>, vector<16xf32>,
        } {sc.loop_unroll_factor = 4 : i64, sc.parallel_access}
        %parallel_loop3A_155 = arith.constant 0 : i32
        %parallel_loop3A_156 = arith.constant 128 : i32
        %parallel_loop3A_157 = arith.constant 1 : i32
        scf.for %parallel_loop3A_169 = %parallel_loop3A_155 to %parallel_loop3A_156 step %parallel_loop3A_157  : i32 {
          %parallel_loop3A_170 = vector.broadcast %parallel_loop3A_169 : i32 to vector<16xi32>
          %parallel_loop3A_171 = arith.constant 64 : i32
          %parallel_loop3A_172 = vector.broadcast %parallel_loop3A_171 : i32 to vector<16xi32>
          %parallel_loop3A_173 = arith.addi %add3A_9, %parallel_loop3A_172 : vector<16xi32>
          %parallel_loop3A_174 = tpu.vector_load_idx %arg11[%broadcast_in_dim3A_152, %parallel_loop3A_170, %parallel_loop3A_173] : memref<2x128x80xf32, #tpu.memory_space<vmem>>[vector<16xi32>, vector<16xi32>, vector<16xi32>], vector<16xf32>,
          %parallel_loop3A_175 = arith.constant 1 : i32
          %parallel_loop3A_176 = arith.index_cast %parallel_loop3A_175 : i32 to index
          %parallel_loop3A_177 = arith.index_cast %parallel_loop3A_169 : i32 to index
          %parallel_loop3A_178 = arith.constant 0 : index
          %parallel_loop3A_179 = tpu.vector_load %arg9[%parallel_loop3A_176, %parallel_loop3A_177, %parallel_loop3A_178] {strides = array<i32>} : memref<2x128x80xf32, #tpu.memory_space<vmem>>, vector<16xf32>,
          %parallel_loop3A_180 = arith.mulf %parallel_loop3A_179, %parallel_loop3A_174 : vector<16xf32>
          %parallel_loop3A_181 = arith.constant 1 : i32
          %parallel_loop3A_182 = arith.index_cast %parallel_loop3A_181 : i32 to index
          %parallel_loop3A_183 = arith.index_cast %parallel_loop3A_169 : i32 to index
          %parallel_loop3A_184 = arith.constant 0 : index
          %parallel_loop3A_185 = tpu.vector_load %arg11[%parallel_loop3A_182, %parallel_loop3A_183, %parallel_loop3A_184] {strides = array<i32>} : memref<2x128x80xf32, #tpu.memory_space<vmem>>, vector<16xf32>,
          tpu.vector_store %arg11[%parallel_loop3A_182, %parallel_loop3A_183, %parallel_loop3A_184], %parallel_loop3A_180 {strides = array<i32>} : memref<2x128x80xf32, #tpu.memory_space<vmem>>, vector<16xf32>,
          %parallel_loop3A_186 = arith.constant 64 : i32
          %parallel_loop3A_187 = vector.broadcast %parallel_loop3A_186 : i32 to vector<16xi32>
          %parallel_loop3A_188 = arith.addi %add3A_15, %parallel_loop3A_187 : vector<16xi32>
          %parallel_loop3A_189 = tpu.vector_load_idx %arg11[%broadcast_in_dim3A_152, %parallel_loop3A_170, %parallel_loop3A_188] : memref<2x128x80xf32, #tpu.memory_space<vmem>>[vector<16xi32>, vector<16xi32>, vector<16xi32>], vector<16xf32>,
          %parallel_loop3A_190 = arith.constant 1 : i32
          %parallel_loop3A_191 = arith.index_cast %parallel_loop3A_190 : i32 to index
          %parallel_loop3A_192 = arith.index_cast %parallel_loop3A_169 : i32 to index
          %parallel_loop3A_193 = arith.constant 16 : index
          %parallel_loop3A_194 = tpu.vector_load %arg9[%parallel_loop3A_191, %parallel_loop3A_192, %parallel_loop3A_193] {strides = array<i32>} : memref<2x128x80xf32, #tpu.memory_space<vmem>>, vector<16xf32>,
          %parallel_loop3A_195 = arith.mulf %parallel_loop3A_194, %parallel_loop3A_189 : vector<16xf32>
          %parallel_loop3A_196 = arith.constant 1 : i32
          %parallel_loop3A_197 = arith.index_cast %parallel_loop3A_196 : i32 to index
          %parallel_loop3A_198 = arith.index_cast %parallel_loop3A_169 : i32 to index
          %parallel_loop3A_199 = arith.constant 16 : index
          %parallel_loop3A_200 = tpu.vector_load %arg11[%parallel_loop3A_197, %parallel_loop3A_198, %parallel_loop3A_199] {strides = array<i32>} : memref<2x128x80xf32, #tpu.memory_space<vmem>>, vector<16xf32>,
          tpu.vector_store %arg11[%parallel_loop3A_197, %parallel_loop3A_198, %parallel_loop3A_199], %parallel_loop3A_195 {strides = array<i32>} : memref<2x128x80xf32, #tpu.memory_space<vmem>>, vector<16xf32>,
          %parallel_loop3A_201 = arith.constant 64 : i32
          %parallel_loop3A_202 = vector.broadcast %parallel_loop3A_201 : i32 to vector<16xi32>
          %parallel_loop3A_203 = arith.addi %add3A_21, %parallel_loop3A_202 : vector<16xi32>
          %parallel_loop3A_204 = tpu.vector_load_idx %arg11[%broadcast_in_dim3A_152, %parallel_loop3A_170, %parallel_loop3A_203] : memref<2x128x80xf32, #tpu.memory_space<vmem>>[vector<16xi32>, vector<16xi32>, vector<16xi32>], vector<16xf32>,
          %parallel_loop3A_205 = arith.constant 1 : i32
          %parallel_loop3A_206 = arith.index_cast %parallel_loop3A_205 : i32 to index
          %parallel_loop3A_207 = arith.index_cast %parallel_loop3A_169 : i32 to index
          %parallel_loop3A_208 = arith.constant 32 : index
          %parallel_loop3A_209 = tpu.vector_load %arg9[%parallel_loop3A_206, %parallel_loop3A_207, %parallel_loop3A_208] {strides = array<i32>} : memref<2x128x80xf32, #tpu.memory_space<vmem>>, vector<16xf32>,
          %parallel_loop3A_210 = arith.mulf %parallel_loop3A_209, %parallel_loop3A_204 : vector<16xf32>
          %parallel_loop3A_211 = arith.constant 1 : i32
          %parallel_loop3A_212 = arith.index_cast %parallel_loop3A_211 : i32 to index
          %parallel_loop3A_213 = arith.index_cast %parallel_loop3A_169 : i32 to index
          %parallel_loop3A_214 = arith.constant 32 : index
          %parallel_loop3A_215 = tpu.vector_load %arg11[%parallel_loop3A_212, %parallel_loop3A_213, %parallel_loop3A_214] {strides = array<i32>} : memref<2x128x80xf32, #tpu.memory_space<vmem>>, vector<16xf32>,
          tpu.vector_store %arg11[%parallel_loop3A_212, %parallel_loop3A_213, %parallel_loop3A_214], %parallel_loop3A_210 {strides = array<i32>} : memref<2x128x80xf32, #tpu.memory_space<vmem>>, vector<16xf32>,
          %parallel_loop3A_216 = arith.constant 64 : i32
          %parallel_loop3A_217 = vector.broadcast %parallel_loop3A_216 : i32 to vector<16xi32>
          %parallel_loop3A_218 = arith.addi %add3A_27, %parallel_loop3A_217 : vector<16xi32>
          %parallel_loop3A_219 = tpu.vector_load_idx %arg11[%broadcast_in_dim3A_152, %parallel_loop3A_170, %parallel_loop3A_218] : memref<2x128x80xf32, #tpu.memory_space<vmem>>[vector<16xi32>, vector<16xi32>, vector<16xi32>], vector<16xf32>,
          %parallel_loop3A_220 = arith.constant 1 : i32
          %parallel_loop3A_221 = arith.index_cast %parallel_loop3A_220 : i32 to index
          %parallel_loop3A_222 = arith.index_cast %parallel_loop3A_169 : i32 to index
          %parallel_loop3A_223 = arith.constant 48 : index
          %parallel_loop3A_224 = tpu.vector_load %arg9[%parallel_loop3A_221, %parallel_loop3A_222, %parallel_loop3A_223] {strides = array<i32>} : memref<2x128x80xf32, #tpu.memory_space<vmem>>, vector<16xf32>,
          %parallel_loop3A_225 = arith.mulf %parallel_loop3A_224, %parallel_loop3A_219 : vector<16xf32>
          %parallel_loop3A_226 = arith.constant 1 : i32
          %parallel_loop3A_227 = arith.index_cast %parallel_loop3A_226 : i32 to index
          %parallel_loop3A_228 = arith.index_cast %parallel_loop3A_169 : i32 to index
          %parallel_loop3A_229 = arith.constant 48 : index
          %parallel_loop3A_230 = tpu.vector_load %arg11[%parallel_loop3A_227, %parallel_loop3A_228, %parallel_loop3A_229] {strides = array<i32>} : memref<2x128x80xf32, #tpu.memory_space<vmem>>, vector<16xf32>,
          tpu.vector_store %arg11[%parallel_loop3A_227, %parallel_loop3A_228, %parallel_loop3A_229], %parallel_loop3A_225 {strides = array<i32>} : memref<2x128x80xf32, #tpu.memory_space<vmem>>, vector<16xf32>,
        } {sc.loop_unroll_factor = 8 : i64, sc.parallel_access}
        %dma_start3A_158 = arith.constant 1 : i32
        %dma_start3A_159 = arith.constant 0 : i32
        %dma_start3A_160 = arith.constant 0 : i32
        %dma_start3A_161 = tpu.memref_slice %arg11[%dma_start3A_158, %dma_start3A_159, %dma_start3A_160] : memref<2x128x80xf32, #tpu.memory_space<vmem>> -> memref<1x128x80xf32, #tpu.memory_space<vmem>>
        %dma_start3A_162 = tpu.memref_squeeze %dma_start3A_161 : memref<1x128x80xf32, #tpu.memory_space<vmem>> -> memref<128x80xf32, #tpu.memory_space<vmem>>
        %dma_start3A_163 = arith.constant 0 : i32
        %dma_start3A_164 = tpu.memref_slice %arg8[%add3A_115, %dma_start3A_163] : memref<79x128xi32, #tpu.memory_space<vmem>> -> memref<1x128xi32, #tpu.memory_space<vmem>>
        %dma_start3A_165 = tpu.memref_squeeze %dma_start3A_164 : memref<1x128xi32, #tpu.memory_space<vmem>> -> memref<128xi32, #tpu.memory_space<vmem>>
        %dma_start3A_166 = arith.constant 0 : i32
        %dma_start3A_167 = arith.constant 0 : i32
        %dma_start3A_168 = tpu.memref_slice %arg12[%dma_start3A_166, %dma_start3A_167] : memref<10000x80xf32, #tpu.memory_space<vmem_shared>> -> memref<10000x80xf32, #tpu.memory_space<vmem_shared>>
        tpu.enqueue_indirect_dma source(%dma_start3A_162 : memref<128x80xf32, #tpu.memory_space<vmem>>) target(%dma_start3A_168 : memref<10000x80xf32, #tpu.memory_space<vmem_shared>>) offsets(%dma_start3A_165 : memref<128xi32, #tpu.memory_space<vmem>>) semaphore(%arg16 : memref<!tpu.dma_semaphore, #tpu.memory_space<semaphore_mem>>) {add = true}
      } else {
      }
    }
    %scan3A_69 = arith.constant 40 : i32
    %dma_wait3A = arith.constant 1 : i32
    %dma_wait3A_70 = arith.constant 0 : i32
    %dma_wait3A_71 = arith.constant 0 : i32
    %dma_wait3A_72 = arith.constant 0 : i32
    %dma_wait3A_73 = tpu.memref_slice %arg11[%dma_wait3A, %dma_wait3A_71, %dma_wait3A_72] : memref<2x128x80xf32, #tpu.memory_space<vmem>> -> memref<1x128x80xf32, #tpu.memory_space<vmem>>
    %dma_wait3A_74 = tpu.memref_squeeze %dma_wait3A_73 : memref<1x128x80xf32, #tpu.memory_space<vmem>> -> memref<128x80xf32, #tpu.memory_space<vmem>>
    %dma_wait3A_75 = arith.constant 0 : i32
    %dma_wait3A_76 = tpu.memref_slice %arg8[%dma_wait3A_70, %dma_wait3A_75] : memref<79x128xi32, #tpu.memory_space<vmem>> -> memref<1x128xi32, #tpu.memory_space<vmem>>
    %dma_wait3A_77 = tpu.memref_squeeze %dma_wait3A_76 : memref<1x128xi32, #tpu.memory_space<vmem>> -> memref<128xi32, #tpu.memory_space<vmem>>
    %dma_wait3A_78 = arith.constant 0 : i32
    %dma_wait3A_79 = arith.constant 0 : i32
    %dma_wait3A_80 = tpu.memref_slice %arg12[%dma_wait3A_78, %dma_wait3A_79] : memref<10000x80xf32, #tpu.memory_space<vmem_shared>> -> memref<10000x80xf32, #tpu.memory_space<vmem_shared>>
    tpu.wait_indirect_dma semaphore(%arg16 : memref<!tpu.dma_semaphore, #tpu.memory_space<semaphore_mem>>) src(%dma_wait3A_74 : memref<128x80xf32, #tpu.memory_space<vmem>>) dst(%dma_wait3A_80 : memref<10000x80xf32, #tpu.memory_space<vmem_shared>>)
    %dma_wait3A_81 = arith.constant 0 : i32
    %dma_wait3A_82 = arith.constant 0 : i32
    %dma_wait3A_83 = arith.constant 0 : i32
    %dma_wait3A_84 = arith.constant 0 : i32
    %dma_wait3A_85 = tpu.memref_slice %arg11[%dma_wait3A_81, %dma_wait3A_83, %dma_wait3A_84] : memref<2x128x80xf32, #tpu.memory_space<vmem>> -> memref<1x128x80xf32, #tpu.memory_space<vmem>>
    %dma_wait3A_86 = tpu.memref_squeeze %dma_wait3A_85 : memref<1x128x80xf32, #tpu.memory_space<vmem>> -> memref<128x80xf32, #tpu.memory_space<vmem>>
    %dma_wait3A_87 = arith.constant 0 : i32
    %dma_wait3A_88 = tpu.memref_slice %arg8[%dma_wait3A_82, %dma_wait3A_87] : memref<79x128xi32, #tpu.memory_space<vmem>> -> memref<1x128xi32, #tpu.memory_space<vmem>>
    %dma_wait3A_89 = tpu.memref_squeeze %dma_wait3A_88 : memref<1x128xi32, #tpu.memory_space<vmem>> -> memref<128xi32, #tpu.memory_space<vmem>>
    %dma_wait3A_90 = arith.constant 0 : i32
    %dma_wait3A_91 = arith.constant 0 : i32
    %dma_wait3A_92 = tpu.memref_slice %arg12[%dma_wait3A_90, %dma_wait3A_91] : memref<10000x80xf32, #tpu.memory_space<vmem_shared>> -> memref<10000x80xf32, #tpu.memory_space<vmem_shared>>
    tpu.wait_indirect_dma semaphore(%arg15 : memref<!tpu.dma_semaphore, #tpu.memory_space<semaphore_mem>>) src(%dma_wait3A_86 : memref<128x80xf32, #tpu.memory_space<vmem>>) dst(%dma_wait3A_92 : memref<10000x80xf32, #tpu.memory_space<vmem_shared>>)
    %barrier3A_93 = arith.constant 0 : index
    tpu.barrier barrier_id(%barrier3A_93)
    "tpu.region"() ({
      %run_scoped3A_99 = tpu.sem_alloc : memref<!tpu.dma_semaphore, #tpu.memory_space<semaphore_mem>>
      %dma_start3A_100 = arith.constant 0 : i32
      %dma_start3A_101 = tpu.memref_slice %arg6[%arg0, %mul3A_2, %dma_start3A_100] : memref<2x10000x80xf32, #tpu.memory_space<hbm>> -> memref<1x624x80xf32, #tpu.memory_space<hbm>>
      %dma_start3A_102 = tpu.memref_squeeze %dma_start3A_101 : memref<1x624x80xf32, #tpu.memory_space<hbm>> -> memref<624x80xf32, #tpu.memory_space<hbm>>
      %dma_start3A_103 = arith.constant 0 : i32
      %dma_start3A_104 = tpu.memref_slice %arg12[%mul3A_2, %dma_start3A_103] : memref<10000x80xf32, #tpu.memory_space<vmem_shared>> -> memref<624x80xf32, #tpu.memory_space<vmem_shared>>
      tpu.enqueue_dma source(%dma_start3A_104 : memref<624x80xf32, #tpu.memory_space<vmem_shared>>) target(%dma_start3A_102 : memref<624x80xf32, #tpu.memory_space<hbm>>) target_semaphore(%run_scoped3A_99 : memref<!tpu.dma_semaphore, #tpu.memory_space<semaphore_mem>>)
      %dma_wait3A_105 = arith.constant 0 : i32
      %dma_wait3A_106 = tpu.memref_slice %arg6[%arg0, %mul3A_2, %dma_wait3A_105] : memref<2x10000x80xf32, #tpu.memory_space<hbm>> -> memref<1x624x80xf32, #tpu.memory_space<hbm>>
      %dma_wait3A_107 = tpu.memref_squeeze %dma_wait3A_106 : memref<1x624x80xf32, #tpu.memory_space<hbm>> -> memref<624x80xf32, #tpu.memory_space<hbm>>
      %dma_wait3A_108 = arith.constant 0 : i32
      %dma_wait3A_109 = tpu.memref_slice %arg12[%mul3A_2, %dma_wait3A_108] : memref<10000x80xf32, #tpu.memory_space<vmem_shared>> -> memref<624x80xf32, #tpu.memory_space<vmem_shared>>
      tpu.wait_dma2 semaphore(%run_scoped3A_99 : memref<!tpu.dma_semaphore, #tpu.memory_space<semaphore_mem>>) src(%dma_wait3A_109 : memref<624x80xf32, #tpu.memory_space<vmem_shared>>) dst(%dma_wait3A_107 : memref<624x80xf32, #tpu.memory_space<hbm>>)
      tpu.yield
    }) : () -> ()
    %eq3A_94 = arith.constant 15 : i32
    %eq3A_95 = arith.cmpi eq, %arg1, %eq3A_94 : i32
    %convert_element_type3A_96 = arith.extui %eq3A_95 : i1 to i32
    %cond3A_97 = arith.constant 0 : i32
    %cond3A_98 = arith.cmpi ne, %convert_element_type3A_96, %cond3A_97 : i32
    scf.if %cond3A_98 {
      "tpu.region"() ({
        %run_scoped3A_99 = tpu.sem_alloc : memref<!tpu.dma_semaphore, #tpu.memory_space<semaphore_mem>>
        %dma_start3A_100 = arith.constant 9984 : i32
        %dma_start3A_101 = arith.constant 0 : i32
        %dma_start3A_102 = tpu.memref_slice %arg6[%arg0, %dma_start3A_100, %dma_start3A_101] : memref<2x10000x80xf32, #tpu.memory_space<hbm>> -> memref<1x16x80xf32, #tpu.memory_space<hbm>>
        %dma_start3A_103 = tpu.memref_squeeze %dma_start3A_102 : memref<1x16x80xf32, #tpu.memory_space<hbm>> -> memref<16x80xf32, #tpu.memory_space<hbm>>
        %dma_start3A_104 = arith.constant 9984 : i32
        %dma_start3A_105 = arith.constant 0 : i32
        %dma_start3A_106 = tpu.memref_slice %arg12[%dma_start3A_104, %dma_start3A_105] : memref<10000x80xf32, #tpu.memory_space<vmem_shared>> -> memref<16x80xf32, #tpu.memory_space<vmem_shared>>
        tpu.enqueue_dma source(%dma_start3A_106 : memref<16x80xf32, #tpu.memory_space<vmem_shared>>) target(%dma_start3A_103 : memref<16x80xf32, #tpu.memory_space<hbm>>) target_semaphore(%run_scoped3A_99 : memref<!tpu.dma_semaphore, #tpu.memory_space<semaphore_mem>>)
        %dma_wait3A_107 = arith.constant 9984 : i32
        %dma_wait3A_108 = arith.constant 0 : i32
        %dma_wait3A_109 = tpu.memref_slice %arg6[%arg0, %dma_wait3A_107, %dma_wait3A_108] : memref<2x10000x80xf32, #tpu.memory_space<hbm>> -> memref<1x16x80xf32, #tpu.memory_space<hbm>>
        %dma_wait3A_110 = tpu.memref_squeeze %dma_wait3A_109 : memref<1x16x80xf32, #tpu.memory_space<hbm>> -> memref<16x80xf32, #tpu.memory_space<hbm>>
        %dma_wait3A_111 = arith.constant 9984 : i32
        %dma_wait3A_112 = arith.constant 0 : i32
        %dma_wait3A_113 = tpu.memref_slice %arg12[%dma_wait3A_111, %dma_wait3A_112] : memref<10000x80xf32, #tpu.memory_space<vmem_shared>> -> memref<16x80xf32, #tpu.memory_space<vmem_shared>>
        tpu.wait_dma2 semaphore(%run_scoped3A_99 : memref<!tpu.dma_semaphore, #tpu.memory_space<semaphore_mem>>) src(%dma_wait3A_113 : memref<16x80xf32, #tpu.memory_space<vmem_shared>>) dst(%dma_wait3A_110 : memref<16x80xf32, #tpu.memory_space<hbm>>)
        tpu.yield
      }) : () -> ()
    } else {
    }
    return
  }
}

module attributes {stable_mosaic.version = 14 : i64} {
  func.func @_tc_pre(%arg0: memref<10000x128xf32, #tpu.memory_space<vmem>>, %arg1: memref<128x64xf32, #tpu.memory_space<vmem>>, %arg2: memref<64x8xf32, #tpu.memory_space<vmem>>, %arg3: memref<64x8xf32, #tpu.memory_space<vmem>>, %arg4: memref<10000x80xf32, #tpu.memory_space<vmem>>, %arg5: memref<10000x16xf32, #tpu.memory_space<vmem>>) attributes {dimension_semantics = [], scalar_prefetch = 0 : i64, scratch_operands = 0 : i64, tpu.core_type = #tpu.core_type<tc>} {
    %get3A = arith.constant 0 : index
    %get3A_0 = arith.constant 0 : index
    %get3A_1 = vector.load %arg0[%get3A, %get3A_0] : memref<10000x128xf32, #tpu.memory_space<vmem>>, vector<10000x128xf32>
    %get3A_2 = arith.constant 0 : index
    %get3A_3 = arith.constant 0 : index
    %get3A_4 = vector.load %arg1[%get3A_2, %get3A_3] : memref<128x64xf32, #tpu.memory_space<vmem>>, vector<128x64xf32>
    %dot_general3A = arith.constant dense<0.000000e+00> : vector<10000x64xf32>
    %dot_general3A_5 = tpu.matmul %get3A_1, %get3A_4, %dot_general3A {dimension_numbers = #tpu.dot_dimension_numbers<[1], [0], [0], [1], [0, 0, 1, 1], [], []>, transpose_lhs_hint = false} : vector<10000x128xf32>, vector<128x64xf32>, vector<10000x64xf32> -> vector<10000x64xf32>
    %get3A_6 = arith.constant 0 : index
    %get3A_7 = arith.constant 0 : index
    %get3A_8 = vector.load %arg2[%get3A_6, %get3A_7] : memref<64x8xf32, #tpu.memory_space<vmem>>, vector<64x8xf32>
    %dot_general3A_9 = arith.constant dense<0.000000e+00> : vector<10000x8xf32>
    %dot_general3A_10 = tpu.matmul %dot_general3A_5, %get3A_8, %dot_general3A_9 {dimension_numbers = #tpu.dot_dimension_numbers<[1], [0], [0], [1], [0, 0, 1, 1], [], []>, transpose_lhs_hint = false} : vector<10000x64xf32>, vector<64x8xf32>, vector<10000x8xf32> -> vector<10000x8xf32>
    %get3A_11 = arith.constant 0 : index
    %get3A_12 = arith.constant 0 : index
    %get3A_13 = vector.load %arg3[%get3A_11, %get3A_12] : memref<64x8xf32, #tpu.memory_space<vmem>>, vector<64x8xf32>
    %dot_general3A_14 = arith.constant dense<0.000000e+00> : vector<10000x8xf32>
    %dot_general3A_15 = tpu.matmul %dot_general3A_5, %get3A_13, %dot_general3A_14 {dimension_numbers = #tpu.dot_dimension_numbers<[1], [0], [0], [1], [0, 0, 1, 1], [], []>, transpose_lhs_hint = false} : vector<10000x64xf32>, vector<64x8xf32>, vector<10000x8xf32> -> vector<10000x8xf32>
    %concatenate3A = tpu.concatenate %dot_general3A_5, %dot_general3A_10, %dot_general3A_10 in 1 : vector<10000x64xf32>, vector<10000x8xf32>, vector<10000x8xf32> -> vector<10000x80xf32>
    %swap3A = arith.constant 0 : index
    %swap3A_16 = arith.constant 0 : index
    %swap3A_17 = vector.load %arg4[%swap3A, %swap3A_16] : memref<10000x80xf32, #tpu.memory_space<vmem>>, vector<10000x80xf32>
    tpu.vector_store %arg4[%swap3A, %swap3A_16], %concatenate3A {strides = array<i32>} : memref<10000x80xf32, #tpu.memory_space<vmem>>, vector<10000x80xf32>,
    %concatenate3A_18 = tpu.concatenate %dot_general3A_15, %dot_general3A_15 in 1 : vector<10000x8xf32>, vector<10000x8xf32> -> vector<10000x16xf32>
    %swap3A_19 = arith.constant 0 : index
    %swap3A_20 = arith.constant 0 : index
    %swap3A_21 = vector.load %arg5[%swap3A_19, %swap3A_20] : memref<10000x16xf32, #tpu.memory_space<vmem>>, vector<10000x16xf32>
    tpu.vector_store %arg5[%swap3A_19, %swap3A_20], %concatenate3A_18 {strides = array<i32>} : memref<10000x16xf32, #tpu.memory_space<vmem>>, vector<10000x16xf32>,
    return
  }
}

module attributes {stable_mosaic.version = 14 : i64} {
  func.func @_tc_mid(%arg0: memref<2x10000x80xf32, #tpu.memory_space<vmem>>, %arg1: memref<64x16xf32, #tpu.memory_space<vmem>>, %arg2: memref<1x16xf32, #tpu.memory_space<vmem>>, %arg3: memref<1x16xf32, #tpu.memory_space<vmem>>, %arg4: memref<10000x32xf32, #tpu.memory_space<vmem>>, %arg5: memref<10000x16xf32, #tpu.memory_space<vmem>>) attributes {dimension_semantics = [], scalar_prefetch = 0 : i64, scratch_operands = 0 : i64, tpu.core_type = #tpu.core_type<tc>} {
    %get3A = arith.constant 0 : index
    %get3A_0 = arith.constant 0 : index
    %get3A_1 = arith.constant 0 : index
    %get3A_2 = vector.load %arg0[%get3A, %get3A_0, %get3A_1] : memref<2x10000x80xf32, #tpu.memory_space<vmem>>, vector<1x10000x80xf32>
    %get3A_3 = vector.shape_cast %get3A_2 : vector<1x10000x80xf32> to vector<10000x80xf32>
    %get3A_4 = arith.constant 1 : index
    %get3A_5 = arith.constant 0 : index
    %get3A_6 = arith.constant 0 : index
    %get3A_7 = vector.load %arg0[%get3A_4, %get3A_5, %get3A_6] : memref<2x10000x80xf32, #tpu.memory_space<vmem>>, vector<1x10000x80xf32>
    %get3A_8 = vector.shape_cast %get3A_7 : vector<1x10000x80xf32> to vector<10000x80xf32>
    %add3A = arith.addf %get3A_3, %get3A_8 : vector<10000x80xf32>
    %slice3A = vector.extract_strided_slice %add3A {offsets = [0, 0], sizes = [10000, 64], strides = [1, 1]} : vector<10000x80xf32> to vector<10000x64xf32>
    %slice3A_9 = vector.extract_strided_slice %add3A {offsets = [0, 64], sizes = [10000, 8], strides = [1, 1]} : vector<10000x80xf32> to vector<10000x8xf32>
    %iota3A = tpu.iota {dimensions = array<i32: 0>} : vector<8x64xi32>
    %iota3A_10 = tpu.iota {dimensions = array<i32: 1>} : vector<8x64xi32>
    %jit3A = arith.constant 8 : i32
    %div3A = vector.broadcast %jit3A : i32 to vector<8x64xi32>
    %div3A_11 = arith.divsi %iota3A_10, %div3A : vector<8x64xi32>
    %sign3A = arith.constant 0 : i32
    %sign3A_12 = vector.broadcast %sign3A : i32 to vector<8x64xi32>
    %sign3A_13 = arith.cmpi sgt, %iota3A_10, %sign3A_12 : vector<8x64xi32>
    %sign3A_14 = arith.extui %sign3A_13 : vector<8x64xi1> to vector<8x64xi32>
    %sign3A_15 = arith.constant 0 : i32
    %sign3A_16 = vector.broadcast %sign3A_15 : i32 to vector<8x64xi32>
    %sign3A_17 = arith.cmpi slt, %iota3A_10, %sign3A_16 : vector<8x64xi32>
    %sign3A_18 = arith.extui %sign3A_17 : vector<8x64xi1> to vector<8x64xi32>
    %sign3A_19 = arith.subi %sign3A_14, %sign3A_18 : vector<8x64xi32>
    %sign3A_20 = arith.constant 0 : i32
    %sign3A_21 = arith.cmpi sgt, %jit3A, %sign3A_20 : i32
    %sign3A_22 = arith.extui %sign3A_21 : i1 to i32
    %sign3A_23 = arith.constant 0 : i32
    %sign3A_24 = arith.cmpi slt, %jit3A, %sign3A_23 : i32
    %sign3A_25 = arith.extui %sign3A_24 : i1 to i32
    %sign3A_26 = arith.subi %sign3A_22, %sign3A_25 : i32
    %ne3A = vector.broadcast %sign3A_26 : i32 to vector<8x64xi32>
    %ne3A_27 = arith.cmpi ne, %sign3A_19, %ne3A : vector<8x64xi32>
    %rem3A = vector.broadcast %jit3A : i32 to vector<8x64xi32>
    %rem3A_28 = arith.remsi %iota3A_10, %rem3A : vector<8x64xi32>
    %ne3A_29 = arith.constant 0 : i32
    %ne3A_30 = vector.broadcast %ne3A_29 : i32 to vector<8x64xi32>
    %ne3A_31 = arith.cmpi ne, %rem3A_28, %ne3A_30 : vector<8x64xi32>
    %and3A = arith.andi %ne3A_27, %ne3A_31 : vector<8x64xi1>
    %sub3A = arith.constant 1 : i32
    %sub3A_32 = vector.broadcast %sub3A : i32 to vector<8x64xi32>
    %sub3A_33 = arith.subi %div3A_11, %sub3A_32 : vector<8x64xi32>
    %select_n3A = arith.select %and3A, %sub3A_33, %div3A_11 : vector<8x64xi1>, vector<8x64xi32>
    %eq3A = arith.cmpi eq, %iota3A, %select_n3A : vector<8x64xi32>
    %convert_element_type3A = arith.extui %eq3A : vector<8x64xi1> to vector<8x64xi32>
    %convert_element_type3A_34 = arith.sitofp %convert_element_type3A : vector<8x64xi32> to vector<8x64xf32>
    %dot_general3A = arith.constant dense<0.000000e+00> : vector<10000x64xf32>
    %dot_general3A_35 = tpu.matmul %slice3A_9, %convert_element_type3A_34, %dot_general3A {dimension_numbers = #tpu.dot_dimension_numbers<[1], [0], [0], [1], [0, 0, 1, 1], [], []>, transpose_lhs_hint = false} : vector<10000x8xf32>, vector<8x64xf32>, vector<10000x64xf32> -> vector<10000x64xf32>
    %add3A_36 = arith.constant 1.000000e-16 : f32
    %add3A_37 = vector.broadcast %add3A_36 : f32 to vector<10000x64xf32>
    %add3A_38 = arith.addf %dot_general3A_35, %add3A_37 : vector<10000x64xf32>
    %div3A_39 = arith.divf %slice3A, %add3A_38 : vector<10000x64xf32>
    %gt3A = arith.constant 0.000000e+00 : f32
    %gt3A_40 = vector.broadcast %gt3A : f32 to vector<10000x64xf32>
    %gt3A_41 = arith.cmpf ogt, %div3A_39, %gt3A_40 : vector<10000x64xf32>
    %min3A = arith.constant 0.000000e+00 : f32
    %min3A_42 = vector.broadcast %min3A : f32 to vector<10000x64xf32>
    %min3A_43 = arith.minimumf %div3A_39, %min3A_42 : vector<10000x64xf32>
    %exp3A = math.exp %min3A_43 : vector<10000x64xf32>
    %sub3A_44 = arith.constant 1.000000e+00 : f32
    %sub3A_45 = vector.broadcast %sub3A_44 : f32 to vector<10000x64xf32>
    %sub3A_46 = arith.subf %exp3A, %sub3A_45 : vector<10000x64xf32>
    %select_n3A_47 = arith.select %gt3A_41, %div3A_39, %sub3A_46 : vector<10000x64xi1>, vector<10000x64xf32>
    %get3A_48 = arith.constant 0 : index
    %get3A_49 = arith.constant 0 : index
    %get3A_50 = vector.load %arg1[%get3A_48, %get3A_49] : memref<64x16xf32, #tpu.memory_space<vmem>>, vector<64x16xf32>
    %dot_general3A_51 = arith.constant dense<0.000000e+00> : vector<10000x16xf32>
    %dot_general3A_52 = tpu.matmul %select_n3A_47, %get3A_50, %dot_general3A_51 {dimension_numbers = #tpu.dot_dimension_numbers<[1], [0], [0], [1], [0, 0, 1, 1], [], []>, transpose_lhs_hint = false} : vector<10000x64xf32>, vector<64x16xf32>, vector<10000x16xf32> -> vector<10000x16xf32>
    %get3A_53 = arith.constant 0 : index
    %get3A_54 = arith.constant 0 : index
    %get3A_55 = vector.load %arg2[%get3A_53, %get3A_54] : memref<1x16xf32, #tpu.memory_space<vmem>>, vector<1x16xf32>
    %mul3A = vector.broadcast %get3A_55 : vector<1x16xf32> to vector<10000x16xf32>
    %mul3A_56 = arith.mulf %dot_general3A_52, %mul3A : vector<10000x16xf32>
    %reduce_sum3A = arith.constant dense<0.000000e+00> : vector<10000xf32>
    %reduce_sum3A_57 = vector.multi_reduction <add>, %mul3A_56, %reduce_sum3A [1] : vector<10000x16xf32> to vector<10000xf32>
    %broadcast_in_dim3A = vector.shape_cast %reduce_sum3A_57 : vector<10000xf32> to vector<10000x1xf32>
    %get3A_58 = arith.constant 0 : index
    %get3A_59 = arith.constant 0 : index
    %get3A_60 = vector.load %arg3[%get3A_58, %get3A_59] : memref<1x16xf32, #tpu.memory_space<vmem>>, vector<1x16xf32>
    %mul3A_61 = vector.broadcast %get3A_60 : vector<1x16xf32> to vector<10000x16xf32>
    %mul3A_62 = arith.mulf %dot_general3A_52, %mul3A_61 : vector<10000x16xf32>
    %reduce_sum3A_63 = arith.constant dense<0.000000e+00> : vector<10000xf32>
    %reduce_sum3A_64 = vector.multi_reduction <add>, %mul3A_62, %reduce_sum3A_63 [1] : vector<10000x16xf32> to vector<10000xf32>
    %broadcast_in_dim3A_65 = vector.shape_cast %reduce_sum3A_64 : vector<10000xf32> to vector<10000x1xf32>
    %broadcast_in_dim3A_66 = arith.constant 0.000000e+00 : f32
    %broadcast_in_dim3A_67 = vector.broadcast %broadcast_in_dim3A_66 : f32 to vector<10000x16xf32>
    %add3A_68 = vector.broadcast %broadcast_in_dim3A : vector<10000x1xf32> to vector<10000x16xf32>
    %add3A_69 = arith.addf %add3A_68, %broadcast_in_dim3A_67 : vector<10000x16xf32>
    %concatenate3A = tpu.concatenate %dot_general3A_52, %add3A_69 in 1 : vector<10000x16xf32>, vector<10000x16xf32> -> vector<10000x32xf32>
    %swap3A = arith.constant 0 : index
    %swap3A_70 = arith.constant 0 : index
    %swap3A_71 = vector.load %arg4[%swap3A, %swap3A_70] : memref<10000x32xf32, #tpu.memory_space<vmem>>, vector<10000x32xf32>
    tpu.vector_store %arg4[%swap3A, %swap3A_70], %concatenate3A {strides = array<i32>} : memref<10000x32xf32, #tpu.memory_space<vmem>>, vector<10000x32xf32>,
    %add3A_72 = vector.broadcast %broadcast_in_dim3A_65 : vector<10000x1xf32> to vector<10000x16xf32>
    %add3A_73 = arith.addf %add3A_72, %broadcast_in_dim3A_67 : vector<10000x16xf32>
    %swap3A_74 = arith.constant 0 : index
    %swap3A_75 = arith.constant 0 : index
    %swap3A_76 = vector.load %arg5[%swap3A_74, %swap3A_75] : memref<10000x16xf32, #tpu.memory_space<vmem>>, vector<10000x16xf32>
    tpu.vector_store %arg5[%swap3A_74, %swap3A_75], %add3A_73 {strides = array<i32>} : memref<10000x16xf32, #tpu.memory_space<vmem>>, vector<10000x16xf32>,
    return
  }
}

module attributes {stable_mosaic.version = 14 : i64} {
  func.func @_tc_post(%arg0: memref<2x10000x32xf32, #tpu.memory_space<vmem>>, %arg1: memref<10000x16xf32, #tpu.memory_space<vmem>>, %arg2: memref<10000x16xf32, #tpu.memory_space<vmem>>) attributes {dimension_semantics = [], scalar_prefetch = 0 : i64, scratch_operands = 0 : i64, tpu.core_type = #tpu.core_type<tc>} {
    %get3A = arith.constant 0 : index
    %get3A_0 = arith.constant 0 : index
    %get3A_1 = arith.constant 0 : index
    %get3A_2 = vector.load %arg0[%get3A, %get3A_0, %get3A_1] : memref<2x10000x32xf32, #tpu.memory_space<vmem>>, vector<1x10000x32xf32>
    %get3A_3 = vector.shape_cast %get3A_2 : vector<1x10000x32xf32> to vector<10000x32xf32>
    %get3A_4 = arith.constant 1 : index
    %get3A_5 = arith.constant 0 : index
    %get3A_6 = arith.constant 0 : index
    %get3A_7 = vector.load %arg0[%get3A_4, %get3A_5, %get3A_6] : memref<2x10000x32xf32, #tpu.memory_space<vmem>>, vector<1x10000x32xf32>
    %get3A_8 = vector.shape_cast %get3A_7 : vector<1x10000x32xf32> to vector<10000x32xf32>
    %add3A = arith.addf %get3A_3, %get3A_8 : vector<10000x32xf32>
    %slice3A = vector.extract_strided_slice %add3A {offsets = [0, 0], sizes = [10000, 16], strides = [1, 1]} : vector<10000x32xf32> to vector<10000x16xf32>
    %slice3A_9 = vector.extract_strided_slice %add3A {offsets = [0, 16], sizes = [10000, 16], strides = [1, 1]} : vector<10000x32xf32> to vector<10000x16xf32>
    %add3A_10 = arith.constant 1.000000e-16 : f32
    %add3A_11 = vector.broadcast %add3A_10 : f32 to vector<10000x16xf32>
    %add3A_12 = arith.addf %slice3A_9, %add3A_11 : vector<10000x16xf32>
    %div3A = arith.divf %slice3A, %add3A_12 : vector<10000x16xf32>
    %reduce_max3A = arith.constant dense<0xFF800000> : vector<10000xf32>
    %reduce_max3A_13 = vector.multi_reduction <maximumf>, %div3A, %reduce_max3A [1] : vector<10000x16xf32> to vector<10000xf32>
    %broadcast_in_dim3A = vector.shape_cast %reduce_max3A_13 : vector<10000xf32> to vector<10000x1xf32>
    %sub3A = vector.broadcast %broadcast_in_dim3A : vector<10000x1xf32> to vector<10000x16xf32>
    %sub3A_14 = arith.subf %div3A, %sub3A : vector<10000x16xf32>
    %exp3A = math.exp %sub3A_14 : vector<10000x16xf32>
    %reduce_sum3A = arith.constant dense<0.000000e+00> : vector<10000xf32>
    %reduce_sum3A_15 = vector.multi_reduction <add>, %exp3A, %reduce_sum3A [1] : vector<10000x16xf32> to vector<10000xf32>
    %broadcast_in_dim3A_16 = vector.shape_cast %reduce_sum3A_15 : vector<10000xf32> to vector<10000x1xf32>
    %log3A = math.log %broadcast_in_dim3A_16 : vector<10000x1xf32>
    %add3A_17 = arith.addf %log3A, %broadcast_in_dim3A : vector<10000x1xf32>
    %swap3A = arith.constant 0 : index
    %swap3A_18 = arith.constant 0 : index
    %swap3A_19 = vector.load %arg1[%swap3A, %swap3A_18] : memref<10000x16xf32, #tpu.memory_space<vmem>>, vector<10000x16xf32>
    tpu.vector_store %arg1[%swap3A, %swap3A_18], %div3A {strides = array<i32>} : memref<10000x16xf32, #tpu.memory_space<vmem>>, vector<10000x16xf32>,
    %sub3A_20 = vector.broadcast %add3A_17 : vector<10000x1xf32> to vector<10000x16xf32>
    %sub3A_21 = arith.subf %div3A, %sub3A_20 : vector<10000x16xf32>
    %swap3A_22 = arith.constant 0 : index
    %swap3A_23 = arith.constant 0 : index
    %swap3A_24 = vector.load %arg2[%swap3A_22, %swap3A_23] : memref<10000x16xf32, #tpu.memory_space<vmem>>, vector<10000x16xf32>
    tpu.vector_store %arg2[%swap3A_22, %swap3A_23], %sub3A_21 {strides = array<i32>} : memref<10000x16xf32, #tpu.memory_space<vmem>>, vector<10000x16xf32>,
    return
  }
}

</mosaic_0001>

<sc_bundles>
// kernel: kernel.10.cloned.1.call-start
scs
__scs_entry_jumppad:
0x0: {  	(pc) =	sbr.rel $0x88, $3  }
0x1: {  	(tag) =	ssettag $0x0;
	lr =	simm.s32 $0x1  }
0x2: {  	[smem:$0x3F99] =	sst lr;
	_ =	strace $0xD0000000  }
0x3: {  	_ = 	snop  }
0x4: {  	_ = 	snop  }
0x5: {  	_ = 	snop  }
0x6: {  	_ = 	snop  }
0x7: {  	_ = 	snop  }
__scs_overlays_trampoline_lowered:
0x8: {  	[smem:$0x3FA8] =	sst s0  }
0x9: {  	[smem:$0x3FA9] =	sst s1  }
0xa: {  	[smem:$0x3FAA] =	sst s2  }
0xb: {  	[smem:$0x3FAB] =	sst s3  }
0xc: {  	[smem:$0x3FAC] =	sst s4  }
0xd: {  	[smem:$0x3FAD] =	sst s5  }
0xe: {  	[smem:$0x3FAE] =	sst s6  }
0xf: {  	[smem:$0x3FAF] =	sst s7  }
0x10: {  	[smem:$0x3FB0] =	sst s8  }
0x11: {  	[smem:$0x3FB1] =	sst s9;
	s0 =	simm.s32 @!p0 $0x0  }
0x12: {  	s1 =	sld [smem:$0x3F97];
	s0 =	simm.s32 @p0 $0x1  }
0x13: {  	[smem:$0x3FB2] =	sst s0;
	s0 =	simm.s32 @!p1 $0x0  }
0x14: {  	s2 =	sld [smem:$0x3F96];
	s0 =	simm.s32 @p1 $0x1  }
0x15: {  	[smem:$0x3FB3] =	sst s0;
	s0 =	simm.s32 @!p2 $0x0  }
0x16: {  	s3 =	sld [smem:$0x3FDB];
	s0 =	simm.s32 @p2 $0x1  }
0x17: {  	s4 =	simm.s32 $0x1BF5;
	[smem:$0x3FB5] =	sst s0  }
0x18: {  	s0 =	sld [smem:$0x3F98];
	_ =	swait.ge [sflag:s4], $0x0  }
0x19: {  	s7 =	sld [smem:$0x3F99]  }
0x1a: {  	s8 =	sadd.s32 $0xFFFFE003, lr  }
0x1b: {  	s9 =	sadd.s32 $0xFFFFFEF7, lr;
	s5 =	simm.s32 $0xFFFFFFFF;
	p2 =	slt.u32 s8, $0xFFFFF086  }
0x1c: {  	p1 =	slt.u32 s9, $0xF7A;
	s5 =	simm.s32 @!p2 $0x0  }
0x1d: {  	s5 =	simm.s32 @p1 $0x1;
	p0 =	seq.s32 s7, s2  }
0x1e: {  	s7 =	smul.u32 @!p0 $0xF7A, s2;
	p2 =	seq.s32 @!p0 s5, $0x0  }
0x1f: {  	s9 =	smul.u32 $0xF7A, s1;
	s8 =	simm.s32 @!p0 $0x1BF5;
	p2 =	por !p2, p0  }
0x20: {  	[sflag:s8] =	ssyncset.s32 @!p0 $0xFFFFF086;
	s6 =	sadd.s32 @!p0 s3, s7;
	s7 =	simm.s32 @!p0 $0x108  }
0x21: {  	s3 =	sadd.s32 s3, s9;
	s6 =	sadd.s32 @!p0 $0x88, s6;
	s7 =	simm.s32 @p2 $0x1082  }
0x22: {  	[simem:s7], [sflag:s8] =	dma.local @!p0 [hbm:s6], $0xF7A  }
0x23: {  	s9 =	sor.u32 $0xD0000000, s2;
	s6 =	simm.s32 $0x108;
	_ =	swait.ge @!p0 [sflag:s8], $0x0  }
0x24: {  	s3 =	sadd.s32 $0x88, s3;
	s6 =	simm.s32 @!p1 $0x1082;
	[sflag:s4] =	ssyncset.s32 $0xFFFFF086  }
0x25: {  	[simem:s6], [sflag:s4] =	dma.local [hbm:s3], $0xF7A  }
0x26: {  	[smem:$0x3F99] =	sst s1;
	(tag) =	ssettag s2;
	_ =	strace s9  }
0x27: {  	s1 =	sld [smem:$0x3FA9]  }
0x28: {  	s2 =	sld [smem:$0x3FAA]  }
0x29: {  	s4 =	sld [smem:$0x3FAC]  }
0x2a: {  	p0 =	seq.s32 s5, $0x0;
	s5 =	sld [smem:$0x3FAD]  }
0x2b: {  	s6 =	sld [smem:$0x3FAE]  }
0x2c: {  	s7 =	sld [smem:$0x3FAF]  }
0x2d: {  	s3 =	simm.s32 $0x108;
	s8 =	sld [smem:$0x3FB0]  }
0x2e: {  	s3 =	simm.s32 @!p0 $0x1082;
	s9 =	sld [smem:$0x3FB1]  }
0x2f: {  	lr =	sadd.s32 s0, s3;
	s0 =	sld [smem:$0x3FA8]  }
0x30: {  	s3 =	sld [smem:$0x3FAB]  }
0x31: {  	[smem:$0x3FB4] =	sst s10  }
0x32: {  	s10 =	sld [smem:$0x3FB2];
	_ =	sdelay $0x3  }
0x33: {  	p0 =	seq.s32 s10, $0x1;
	s10 =	sld [smem:$0x3FB4];
	_ =	sdelay $0x3  }
0x34: {  	[smem:$0x3FB4] =	sst s10  }
0x35: {  	s10 =	sld [smem:$0x3FB3];
	_ =	sdelay $0x3  }
0x36: {  	p1 =	seq.s32 s10, $0x1;
	s10 =	sld [smem:$0x3FB4];
	_ =	sdelay $0x3  }
0x37: {  	[smem:$0x3FB4] =	sst s10  }
0x38: {  	s10 =	sld [smem:$0x3FB5]  }
0x39: {  	_ = 	snop;
	(pc) =	sbr.ind lr, $3  }
0x3a: {  	_ = 	snop  }
0x3b: {  	_ = 	snop  }
0x3c: {  	p2 =	seq.s32 s10, $0x1;
	s10 =	sld [smem:$0x3FB4]  }
0x3d: {  	_ =	shalt  }
0x3e: {  	_ =	shalt  }
0x3f: {  	_ =	shalt  }
0x40: {  	_ =	shalt  }
0x41: {  	_ =	shalt  }
0x42: {  	_ =	shalt  }
0x43: {  	_ =	shalt  }
0x44: {  	_ =	shalt  }
0x45: {  	_ =	shalt  }
0x46: {  	_ =	shalt  }
0x47: {  	_ =	shalt  }
0x48: {  	_ =	shalt  }
0x49: {  	_ =	shalt  }
0x4a: {  	_ =	shalt  }
0x4b: {  	_ =	shalt  }
0x4c: {  	_ =	shalt  }
0x4d: {  	_ =	shalt  }
0x4e: {  	_ =	shalt  }
0x4f: {  	_ =	shalt  }
0x50: {  	_ =	shalt  }
0x51: {  	_ =	shalt  }
0x52: {  	_ =	shalt  }
0x53: {  	_ =	shalt  }
0x54: {  	_ =	shalt  }
0x55: {  	_ =	shalt  }
0x56: {  	_ =	shalt  }
0x57: {  	_ =	shalt  }
0x58: {  	_ =	shalt  }
0x59: {  	_ =	shalt  }
0x5a: {  	_ =	shalt  }
0x5b: {  	_ =	shalt  }
0x5c: {  	_ =	shalt  }
0x5d: {  	_ =	shalt  }
0x5e: {  	_ =	shalt  }
0x5f: {  	_ =	shalt  }
0x60: {  	_ =	shalt  }
0x61: {  	_ =	shalt  }
0x62: {  	_ =	shalt  }
0x63: {  	_ =	shalt  }
0x64: {  	_ =	shalt  }
0x65: {  	_ =	shalt  }
0x66: {  	_ =	shalt  }
0x67: {  	_ =	shalt  }
0x68: {  	_ =	shalt  }
0x69: {  	_ =	shalt  }
0x6a: {  	_ =	shalt  }
0x6b: {  	_ =	shalt  }
0x6c: {  	_ =	shalt  }
0x6d: {  	_ =	shalt  }
0x6e: {  	_ =	shalt  }
0x6f: {  	_ =	shalt  }
0x70: {  	_ =	shalt  }
0x71: {  	_ =	shalt  }
0x72: {  	_ =	shalt  }
0x73: {  	_ =	shalt  }
0x74: {  	_ =	shalt  }
0x75: {  	_ =	shalt  }
0x76: {  	_ =	shalt  }
0x77: {  	_ =	shalt  }
0x78: {  	_ =	shalt  }
0x79: {  	_ =	shalt  }
0x7a: {  	_ =	shalt  }
0x7b: {  	_ =	shalt  }
0x7c: {  	_ =	shalt  }
0x7d: {  	_ =	shalt  }
0x7e: {  	_ =	shalt  }
0x7f: {  	_ =	shalt  }
0x80: {  	_ =	shalt  }
0x81: {  	_ =	shalt  }
0x82: {  	_ =	shalt  }
0x83: {  	_ =	shalt  }
0x84: {  	_ =	shalt  }
0x85: {  	_ =	shalt  }
0x86: {  	_ =	shalt  }
0x87: {  	_ =	shalt  }
.Lfunc_end0:
.L_simem_size_0:
called_computation.1_lowered:
.L_overlay_start_0:
0x88: {  	s2 =	sld [smem:$0x3FD9]  }
0x89: {  	s3 =	sld [smem:$0x3FFE];
	_ =	sdelay $0x1  }
0x8a: {  	s1 =	srdreg.scid  }
0x8b: {  	s0 =	sand.u32 $0x1, s1  }
0x8c: {  	s14 =	sshll.u32 s0, $0xA;
	s2 =	sadd.s32 s3, s2  }
0x8d: {  	s2 =	sadd.s32 s2, s14  }
0x8e: {  	[smem:$0x3FC0] =	sst s2  }
0x8f: {  	_ = 	snop  }
0x90: {  	s2 =	sld [smem:$0x3FD0];
	_ =	sdelay $0x2  }
0x91: {  	s15 =	simm.s32 $0xA;
	s4 =	simm.s32 $0x10  }
0x92: {  	[smem:s4], [sflag:s15] =	dma.local [hbm:s2], $0x1  }
0x93: {  	_ =	swait.eq [sflag:s15], $0x1  }
0x94: {  	[sflag:s15] =	ssyncset.done $0x0  }
0x95: {  	s16 =	sld [smem:$0x10];
	[sflag:s15] =	ssyncadd.s32 $0xFFFFFFFF  }
0x96: {  	s17 =	sld [smem:$0x11];
	(tm) =	ssettm $0x1  }
0x97: {  	s18 =	sld [smem:$0x3FFB];
	_ =	sdelay $0x3  }
0x98: {  	_ =	strace s18  }
0x99: {  	s4 =	sld [smem:$0x3FFC];
	_ =	sdelay $0x3  }
0x9a: {  	_ =	strace s4  }
0x9b: {  	s4 =	sld [smem:$0x3FFD];
	_ =	sdelay $0x3  }
0x9c: {  	_ =	strace s4  }
0x9d: {  	_ =	strace $0x8FFFFFFF  }
0x9e: {  	s19 =	sld [smem:$0x3FDB];
	_ =	sdelay $0x1  }
0x9f: {  	s5 =	simm.s32 $_scs_section_size  }
0xa0: {  	s6 =	simm.s32 $_size__tile_overlayer_lowered;
	s7 =	simm.s32 $_tile_overlayer_lowered  }
0xa1: {  	s22 =	simm.s32 $0x1BFF;
	s21 =	sshll.u32 s7, $0x1;
	s4 =	sadd.s32 s5, s19  }
0xa2: {  	s8 =	simm.s32 $0x0;
	s20 =	sshll.u32 s6, $0x1;
	s6 =	sadd.s32 s21, s4  }
0xa3: {  	[timem:s8], [sflag:s22] =	dma.local [hbm:s6], s20  }
0xa4: {  	_ =	swait.ge [sflag:s22], s20  }
0xa5: {  	s5 =	ssub.s32 $0x0, s20;
	[sflag:s22] =	ssyncset.done $0x0  }
0xa6: {  	[sflag:s22] =	ssyncadd.s32 s5;
	_ =	sdelay $0x1  }
0xa7: {  	s23 =	simm.s32 $0x1B8B  }
0xa8: {  	_ =	swait.ge [sflag:s23], $0x1  }
0xa9: {  	[sflag:s23] =	ssyncset.done $0x0  }
0xaa: {  	s25 =	simm.s32 $0x1B8E;
	s24 =	sld [smem:$0x3FFE];
	[sflag:s23] =	ssyncadd.s32 $0xFFFFFFFF  }
0xab: {  	s26 =	simm.s32 $execute0_lowered;
	[smem:$0x3FD2] =	sst s25  }
0xac: {  	s6 =	sshll.u32 s26, $0x1;
	_ =	strace $0x80000049;
	[dreg:$0x1] =	wrdreg $0xFFFFFFFF  }
0xad: {  	s28 =	simm.s32 $_size_execute0_lowered;
	s4 =	sadd.s32 s4, s6;
	[dreg:$0x0] =	wrdreg $0x0  }
0xae: {  	s6 =	sshll.u32 s28, $0x1;
	[dreg:$0x2] =	wrdreg s4  }
0xaf: {  	[dreg:$0x3] =	wrdreg s6  }
0xb0: {  	[dreg:$0x4] =	wrdreg $0xC0  }
0xb1: {  	_ =	task [dreg:s8], $0x5FFFF  }
0xb2: {  	[dreg:$0x1] =	wrdreg $0xFFFFFFFF  }
0xb3: {  	[dreg:$0x0] =	wrdreg $0x60  }
0xb4: {  	[dreg:$0x2] =	wrdreg s24  }
0xb5: {  	[dreg:$0x3] =	wrdreg s17  }
0xb6: {  	[dreg:$0x4] =	wrdreg s16  }
0xb7: {  	[dreg:$0x5] =	wrdreg $0x9F000  }
0xb8: {  	[dreg:$0x6] =	wrdreg $0x9  }
0xb9: {  	_ =	task.clear_ibuf [dreg:s8], $0x7FFFF;
	_ =	strace $0x90000049  }
0xba: {  	s29 =	simm.s32 $0x9;
	_ =	strace $0x8000004B  }
0xbb: {  	_ =	swait.ge [sflag:s29], $0x1  }
0xbc: {  	[sflag:s29] =	ssyncadd.s32 $0xFFFFFFFF  }
0xbd: {  	_ =	strace $0x9000004B  }
0xbe: {  	_ =	sfence  }
0xbf: {  	s30 =	sld [smem:$0x0];
	_ =	sdelay $0x2  }
0xc0: {  	s31 =	sshll.u32 s1, $0xD;
	s1 =	sshrl.u32 s1, $0x2  }
0xc1: {  	s3 =	sand.u32 $0x4000, s31;
	s1 =	sadd.s32 s1, s30  }
0xc2: {  	s0 =	sor.u32 s3, s0;
	s1 =	sshll.u32 s1, $0x11  }
0xc3: {  	s0 =	sor.u32 s1, s0  }
0xc4: {  	s0 =	sadd.s32 $0x8F2B, s0  }
0xc5: {  	[sflag:s0] =	ssyncadd.remote.s32 $0x1  }
0xc6: {  	_ =	sfence.sel $0xFFFF  }
0xc7: {  	[dreg:$0x0] =	wrdreg $0xFFFFFFFF;
	(pc) =	sbr.abs _section_cstart, $3  }
0xc8: {  	[dreg:$0x1] =	wrdreg $0xFFFFFFFF  }
0xc9: {  	_ =	task.clear_ibuf [dreg:s8], $0x2FFFF;
	_ =	strace $0x9FFFFFFF  }
0xca: {  	(tm) =	ssettm $0x7FFFFFFF  }
0xcb: {  	_ =	shalt  }
tec
execute0_lowered:
.L_overlay_start_1:
0x0: {  	(tag) =	ssettag $0x1  }
0x1: {  	s0 =	rddreg [dreg:$0x0]  }
0x2: {  	s2 =	srdreg.scid;
	s1 =	rddreg [dreg:$0x1]  }
0x3: {  	s18 =	stileid.u32;
	s4 =	rddreg [dreg:$0x3];
	s5 =	simm.s32 $0x0  }
0x4: {  	s16 =	simm.s32 $0x5;
	s19 =	simm.s32 $0x80;
	s22 =	simm.s32 $0x1  }
0x5: {  	s23 =	simm.s32 $0x7F00;
	s24 =	simm.s32 $0x2;
	s25 =	simm.s32 $0x8F00  }
0x6: {  	s26 =	simm.s32 $0x4;
	s28 =	simm.s32 $0x3;
	s29 =	simm.s32 $0x0  }
0x7: {  	s2 =	sand.u32 $0x1, s2;
	s3 =	sshll.u32 s18, $0x1;
	[smem:$0x7FF] =	sst s5  }
0x8: {  	s10 =	smul.u32 $0x4E00, s18;
	s31 =	sshll.u32 s18, $0x6;
	s17 =	sadd.s32 $0x4E000, s4  }
0x9: {  	p0 =	sne.s32 s18, $0xF;
	p1 =	sgt.u32 s18, $0x1;
	s18 =	simm.s32 $0x2780  }
0xa: {  	s3 =	sor.u32 s2, s3;
	s7 =	ssub.s32 $0x2, s2;
	s2 =	smul.u32 $0x4E200, s2  }
0xb: {  	_ =	strace $0x8000004A;
	s17 =	sshrl.u32 @!p0 s17, $0x3;
	s6 =	smul.u32 $0x4E, s3  }
0xc: {  	s3 =	smin.u32 s3, $0x4;
	s8 =	sshrl.u32 s7, $0x1;
	s15 =	sadd.s32 s10, s4  }
0xd: {  	s8 =	ssub.s32 s7, s8;
	s7 =	sor.u32 $0x1C05, s31;
	s11 =	sadd.s32 s10, s2  }
0xe: {  	s2 =	sshrl.u32 s2, $0x3;
	s15 =	sshrl.u32 s15, $0x3;
	s3 =	sadd.s32 s3, s6  }
.Ltmp0:
0xf: {  	s6 =	sadd.s32 $0x1A00, s0;
	s3 =	sshll.u32 s3, $0x4;
	(pc) =	sbr.rel .LBB2_1-.Ltmp0, $4  }
0x10: {  	s12 =	sshrl.u32 s11, $0x3;
	s14 =	smax.u32 s8, $0x1;
	s3 =	sadd.s32 s3, s0  }
0x11: {  	s0 =	sadd.s32 $0x2DC00, s0;
	s9 =	sadd.s32 $0x1A200, s3;
	s10 =	sadd.s32 $0x1A6E0, s3  }
0x12: {  	s11 =	sadd.s32 $0x24320, s3;
	s12 =	sadd.s32 s0, s12;
	s0 =	sadd.s32 s0, s2  }
0x13: {  	[dreg:$0x5] =	wrdreg s9;
	s9 =	sadd.s32 $0x23E40, s3;
	s13 =	sadd.s32 $0x9C00, s0  }
.LBB2_15:
0x14: {  	_ =	swait.ge [sflag:s26], $0x1000  }
0x15: {  	[sflag:s26] =	ssyncset.done $0x0  }
0x16: {  	[sflag:s26] =	ssyncadd.s32 $0xFFFFF000  }
0x17: {  	_ =	swait.ge [sflag:s28], $0x1000  }
0x18: {  	[sflag:s28] =	ssyncset.done $0x0  }
0x19: {  	[sflag:s28] =	ssyncadd.s32 $0xFFFFF000  }
0x1a: {  	[bflag:$0x0] =	sbarrier.arrive $0xFFFF  }
0x1b: {  	[hbm:s12], [sflag:s7] =	dma.local [spmem:s15], $0x9C0  }
0x1c: {  	s29 =	sadd.s32 $0x1, s29;
	_ =	swait.ge [sflag:s16], $0x9C0  }
0x1d: {  	p2 =	sne.s32 s29, s14;
	[sflag:s16] =	ssyncset.done $0x0  }
.Ltmp1:
0x1e: {  	s0 =	simm.s32 @!p0 $0x5;
	[sflag:s16] =	ssyncadd.s32 $0xFFFFF640;
	(pc) =	sbr.rel @!p2 .LBB2_16-.Ltmp1, $4  }
0x1f: {  	[hbm:s13], [sflag:s7] =	dma.local @!p0 [spmem:s17], $0x40  }
0x20: {  	_ =	swait.ge @!p0 [sflag:s0], $0x40  }
0x21: {  	[sflag:s0] =	ssyncset.done @!p0 $0x0  }
0x22: {  	[sflag:s0] =	ssyncadd.s32 @!p0 $0xFFFFFFC0  }
.LBB2_1:
0x23: {  	s0 =	rddreg [dreg:$0x2]  }
0x24: {  	[spmem:s15], [sflag:s7] =	dma.local [hbm:s0], $0x9C0  }
0x25: {  	_ =	swait.ge [sflag:s16], $0x9C0  }
0x26: {  	[sflag:s16] =	ssyncset.done $0x0  }
0x27: {  	[sflag:s16] =	ssyncadd.s32 $0xFFFFF640  }
0x28: {  	[spmem:s17], [sflag:s7] =	dma.local @!p0 [hbm:s0], $0x40  }
0x29: {  	s0 =	simm.s32 @!p0 $0x5  }
0x2a: {  	_ =	swait.ge @!p0 [sflag:s0], $0x40  }
0x2b: {  	[sflag:s0] =	ssyncset.done @!p0 $0x0  }
0x2c: {  	[sflag:s0] =	ssyncadd.s32 @!p0 $0xFFFFFFC0  }
0x2d: {  	[bflag:$0x0] =	sbarrier.arrive $0xFFFF  }
0x2e: {  	s8 =	rddreg [dreg:$0x5]  }
0x2f: {  	[tilespmem:s5], [sflag:$0x5] =	stream.linear.gather [hbm4b:s8+s5], $0x2700, $0x38;
	[tilespmem:$0xED20] =	vst v63  }
0x30: {  	_ =	swait.ge [sflag:s16], $0x2700  }
0x31: {  	[sflag:s16] =	ssyncset.done $0x0  }
0x32: {  	[sflag:s16] =	ssyncadd.s32 $0xFFFFD900  }
0x33: {  	[tilespmem:s18], [sflag:$0x5] =	stream.linear.gather [hbm4b:s9+s5], $0x2700, $0x38;
	[tilespmem:$0xED20] =	vst v63  }
0x34: {  	_ =	swait.ge [sflag:s16], $0x2700  }
0x35: {  	[sflag:s16] =	ssyncset.done $0x0  }
0x36: {  	s2 =	simm.s32 @!p1 $0x2700;
	s0 =	simm.s32 @!p1 $0x0;
	[sflag:s16] =	ssyncadd.s32 $0xFFFFD900  }
0x37: {  	[tilespmem:s2], [sflag:$0x5] =	stream.linear.gather @!p1 [hbm4b:s10+s0], $0x80, $0x38;
	[tilespmem:$0xED20] =	vst v63  }
0x38: {  	s2 =	simm.s32 @!p1 $0x5  }
0x39: {  	_ =	swait.ge @!p1 [sflag:s2], $0x80  }
0x3a: {  	[sflag:s2] =	ssyncset.done @!p1 $0x0  }
0x3b: {  	s3 =	simm.s32 @!p1 $0x4E80;
	[sflag:s2] =	ssyncadd.s32 @!p1 $0xFFFFFF80  }
0x3c: {  	[tilespmem:s3], [sflag:$0x5] =	stream.linear.gather @!p1 [hbm4b:s11+s0], $0x80, $0x38;
	[tilespmem:$0xED20] =	vst v63  }
0x3d: {  	_ =	swait.ge @!p1 [sflag:s2], $0x80  }
.Ltmp2:
0x3e: {  	[sflag:s2] =	ssyncset.done @!p1 $0x0;
	(pc) =	sbr.rel .LBB2_2-.Ltmp2, $4  }
0x3f: {  	s20 =	simm.s32 $0x4F00;
	s30 =	simm.s32 @!p1 $0x4F;
	[sflag:s2] =	ssyncadd.s32 @!p1 $0xFFFFFF80  }
0x40: {  	[tilespmem:s20], [sflag:$0x1] =	stream.indirect.gather [hbm4b:s6+s19], $0x20, s5, s19, $0xb8;
	[tilespmem:$0xED20] =	vst v63  }
0x41: {  	s21 =	simm.s32 $0x6F00;
	s31 =	simm.s32 $0x0;
	s30 =	simm.s32 @p1 $0x4E  }
0x42: {  	[tilespmem:s21], [sflag:$0x1] =	stream.indirect.gather [hbm4b:s1+s19], $0x10, s18, s19, $0xb8;
	[tilespmem:$0xED20] =	vst v63  }
.LBB2_13:
0x43: {  	v1 =	vmul.f32 v3, v1  }
0x44: {  	[tilespmem:s0+$0xFFFFFF90] =	vst v6;
	v2 =	vmul.f32 v5, v2  }
0x45: {  	v0 =	vmul.f32 v0, v4;
	s2 =	sshll.u32 s2, $0x7;
	[tilespmem:s0+$0xFFFFFFB0] =	vst v1  }
0x46: {  	s2 =	sand.u32 $0x3FFFFF80, s2;
	[tilespmem:s0+$0xFFFFFFD0] =	vst v2  }
0x47: {  	[tilespmem:s0+$0xFFFFFF10] =	vst v0;
	s21 =	sadd.s32 $0x2780, s2  }
0x48: {  	[spmem:s4] =	stream.indirect.scatter.add.f32 [tilespmem:s25], [sflag:$0x4], $0x20, s21, s19, $0xb8;
	[tilespmem:$0xED20] =	vst v63  }
.LBB2_14:
0x49: {  	s31 =	sadd.s32 $0x1, s31  }
0x4a: {  	p2 =	sne.s32 s31, $0x28  }
.Ltmp3:
0x4b: {  	_ = 	snop;
	(pc) =	sbr.rel @!p2 .LBB2_15-.Ltmp3, $1  }
0x4c: {  	_ =	sdelay $0x3  }
.LBB2_2:
0x4d: {  	s2 =	sshllo.u32 s31, $0x1  }
0x4e: {  	p2 =	sge.u32 s2, s30  }
0x4f: {  	s3 =	sshll.u32 @!p2 s2, $0x7;
	s8 =	simm.s32 @!p2 $0x80;
	s0 =	simm.s32 @!p2 $0x5F00  }
0x50: {  	[tilespmem:s0], [sflag:$0x2] =	stream.indirect.gather @!p2 [hbm4b:s6+s8], $0x20, s3, s8, $0xb8;
	[tilespmem:$0xED20] =	vst v63  }
0x51: {  	s0 =	sshll.u32 s31, $0x1  }
0x52: {  	p3 =	sge.u32 s0, s30  }
.Ltmp4:
0x53: {  	_ = 	snop;
	(pc) =	sbr.rel @p3 .LBB2_8-.Ltmp4, $3  }
0x54: {  	_ =	sdelay $0x1  }
0x55: {  	s20 =	simm.s32 @!p2 $0x7700;
	s3 =	sadd.s32 @!p2 $0x2780, s3  }
0x56: {  	[tilespmem:s20], [sflag:$0x2] =	stream.indirect.gather @!p2 [hbm4b:s1+s8], $0x10, s3, s8, $0xb8;
	[tilespmem:$0xED20] =	vst v63  }
0x57: {  	_ =	swait.ge [sflag:s22], $0x1000  }
0x58: {  	[sflag:s22] =	ssyncset.done $0x0  }
0x59: {  	[sflag:s22] =	ssyncadd.s32 $0xFFFFF000  }
0x5a: {  	_ =	swait.ge [sflag:s22], $0x800  }
0x5b: {  	p3 =	seq.s32 s31, $0x0;
	[sflag:s22] =	ssyncset.done $0x0  }
0x5c: {  	s3 =	simm.s32 @!p3 $0x3;
	[sflag:s22] =	ssyncadd.s32 $0xFFFFF800  }
0x5d: {  	_ =	swait.ge @!p3 [sflag:s3], $0x1000  }
0x5e: {  	[sflag:s3] =	ssyncset.done @!p3 $0x0  }
0x5f: {  	s21 =	simm.s32 $0x4F50;
	[sflag:s3] =	ssyncadd.s32 @!p3 $0xFFFFF000  }
0x60: {  	s8 =	simm.s32 $0x6F20;
	v0 =	vld [tilespmem:s21+$0x20]  }
0x61: {  	v1 =	vld [tilespmem:s8+$0x10]  }
0x62: {  	v2 =	vld [tilespmem:s8+$0xFFFFFFE0]  }
0x63: {  	v3 =	vld [tilespmem:s21+$0xFFFFFFE0]  }
0x64: {  	v4 =	vld [tilespmem:s8+$0xFFFFFFF0]  }
0x65: {  	v5 =	vld [tilespmem:s21+$0x0]  }
0x66: {  	s20 =	simm.s32 $0x4FD0;
	v6 =	vld [tilespmem:s8+$0x0];
	v0 =	vadd.f32 v1, v0  }
0x67: {  	v7 =	vld [tilespmem:s20+$0x20]  }
0x68: {  	v1 =	vld [tilespmem:s21+$0xFFFFFFC0];
	v8 =	vmul.f32 $2.000000030e-01, v0  }
0x69: {  	s21 =	simm.s32 $0x6F60;
	v3 =	vadd.f32 v4, v3;
	v4 =	vld [tilespmem:s20+$0xFFFFFFE0]  }
0x6a: {  	v9 =	vld [tilespmem:s21+$0x10];
	v0 =	vmax.f32 v0, v8  }
0x6b: {  	v5 =	vadd.f32 v6, v5;
	v6 =	vld [tilespmem:s21+$0xFFFFFFF0];
	v0 =	vmul.f32 $1.442695020e+00, v0  }
0x6c: {  	v11 =	vld [tilespmem:s21+$0x0]  }
0x6d: {  	v8 =	vmul.f32 $2.000000030e-01, v3;
	v1 =	vadd.f32 v2, v1;
	v2 =	vld [tilespmem:s20+$0x0];
	(erf) = vpow2.f32 v0  }
0x6e: {  	v10 =	vld [tilespmem:s21+$0xFFFFFFE0];
	v0 =	vmul.f32 $2.000000030e-01, v5  }
0x6f: {  	s8 =	simm.s32 $0x5050;
	v3 =	vmax.f32 v3, v8;
	v7 =	vadd.f32 v9, v7;
	v9 =	vld [tilespmem:s20+$0xFFFFFFC0];
	v8 =	vmul.f32 $2.000000030e-01, v1  }
0x70: {  	v12 =	vld [tilespmem:s8+$0x20];
	s21 =	simm.s32 $0x6FA0;
	v4 =	vadd.f32 v6, v4;
	v3 =	vmul.f32 $1.442695020e+00, v3;
	v0 =	vmax.f32 v5, v0  }
0x71: {  	v5 =	vmul.f32 $2.000000030e-01, v7;
	v1 =	vmax.f32 v1, v8;
	v8 =	vld [tilespmem:s21+$0x10];
	v0 =	vmul.f32 $1.442695020e+00, v0  }
0x72: {  	(erf) = vpow2.f32 v3;
	v6 =	vmul.f32 $1.442695020e+00, v1;
	v1 =	vld [tilespmem:s21+$0xFFFFFFE0];
	v11 =	vadd.f32 v11, v2  }
0x73: {  	v3 =	vmax.f32 v7, v5;
	v7 =	vmul.f32 $2.000000030e-01, v4;
	(erf) = vpow2.f32 v0;
	v0 =	vld [tilespmem:s8+$0xFFFFFFE0]  }
0x74: {  	v5 =	vadd.f32 v10, v9;
	v13 =	vmul.f32 $1.442695020e+00, v3;
	v3 =	vld [tilespmem:s21+$0xFFFFFFF0]  }
0x75: {  	v2 =	vld [tilespmem:s8+$0x0];
	v10 =	vmul.f32 $2.000000030e-01, v11;
	(erf) = vpow2.f32 v6;
	v6 =	vmax.f32 v4, v7  }
0x76: {  	s20 =	simm.s32 $0x7F50;
	v4 =	vld [tilespmem:s21+$0x0];
	v9 =	vmul.f32 $2.000000030e-01, v5;
	(erf) = vpow2.f32 v13;
	v7 =	vadd.f32 v8, v12;
	v63 =	vpop (erf)  }
0x77: {  	s3 =	simm.s32 $0x8;
	v8 =	vmul.f32 $1.442695020e+00, v6;
	v6 =	vld [tilespmem:s8+$0xFFFFFFC0];
	s8 =	simm.s32 $0x50D0;
	v10 =	vmax.f32 v11, v10;
	[tilespmem:s20+$0x20] =	vst v63  }
.LBB2_4:
0x78: {  	v12 =	vmul.f32 $2.000000030e-01, v7  }
0x79: {  	v11 =	vld [tilespmem:s8+$0x20];
	s21 =	sadd.s32 $0x40, s21;
	v16 =	vmax.f32 v5, v9;
	v9 =	vmul.f32 $1.442695020e+00, v10;
	v13 =	vadd.f32 v3, v0  }
0x7a: {  	s3 =	sadd.s32 $0x4, s3;
	v10 =	vld [tilespmem:s21+$0x10];
	v14 =	vmul.f32 $1.442695020e+00, v16;
	(erf) = vpow2.f32 v8  }
0x7b: {  	p3 =	slt.u32 s3, $0x7C;
	v15 =	vld [tilespmem:s21+$0xFFFFFFE0];
	v3 =	vmax.f32 v7, v12;
	(erf) = vpow2.f32 v9;
	v5 =	vpop (erf);
	v7 =	vmul.f32 $2.000000030e-01, v13  }
.Ltmp5:
0x7c: {  	v0 =	vld [tilespmem:s8+$0xFFFFFFE0];
	v12 =	vadd.f32 v4, v2;
	v4 =	vmul.f32 $1.442695020e+00, v3;
	[tilespmem:s20+$0xFFFFFFE0] =	vst v5;
	v2 =	vpop (erf);
	(pc) =	sbr.rel @p3 .LBB2_4-.Ltmp5, $4  }
0x7d: {  	v3 =	vld [tilespmem:s21+$0xFFFFFFF0];
	v5 =	vadd.f32 v1, v6;
	(erf) = vpow2.f32 v14;
	[tilespmem:s20+$0x0] =	vst v2  }
0x7e: {  	v2 =	vld [tilespmem:s8+$0x0];
	v14 =	vmax.f32 v13, v7;
	v13 =	vmul.f32 $2.000000030e-01, v12;
	(erf) = vpow2.f32 v4;
	v6 =	vpop (erf)  }
0x7f: {  	v4 =	vld [tilespmem:s21+$0x0];
	v7 =	vadd.f32 v10, v11;
	v9 =	vmul.f32 $2.000000030e-01, v5;
	v8 =	vmul.f32 $1.442695020e+00, v14;
	v1 =	vpop (erf);
	[tilespmem:s20+$0xFFFFFFC0] =	vst v6;
	s20 =	sadd.s32 $0x80, s20  }
0x80: {  	v6 =	vld [tilespmem:s8+$0xFFFFFFC0];
	s8 =	sadd.s32 $0x80, s8;
	v10 =	vmax.f32 v12, v13;
	[tilespmem:s20+$0x20] =	vst v1;
	v1 =	vmov v15  }
0x81: {  	_ =	sdelay $0x1  }
0x82: {  	v11 =	vmul.f32 $2.000000030e-01, v7;
	v5 =	vmax.f32 v5, v9;
	v0 =	vadd.f32 v3, v0  }
0x83: {  	(erf) = vpow2.f32 v8;
	v3 =	vmul.f32 $1.442695020e+00, v10;
	v2 =	vadd.f32 v4, v2  }
0x84: {  	v5 =	vmul.f32 $1.442695020e+00, v5;
	v4 =	vmul.f32 $2.000000030e-01, v0;
	v1 =	vadd.f32 v1, v6  }
0x85: {  	(erf) = vpow2.f32 v3;
	v6 =	vmax.f32 v7, v11;
	v3 =	vmul.f32 $2.000000030e-01, v2  }
0x86: {  	v6 =	vmul.f32 $1.442695020e+00, v6;
	v0 =	vmax.f32 v0, v4;
	v4 =	vmul.f32 $2.000000030e-01, v1  }
0x87: {  	(erf) = vpow2.f32 v5;
	v0 =	vmul.f32 $1.442695020e+00, v0  }
0x88: {  	v2 =	vmax.f32 v2, v3;
	(erf) = vpow2.f32 v6;
	v1 =	vmax.f32 v1, v4  }
0x89: {  	v2 =	vmul.f32 $1.442695020e+00, v2;
	v1 =	vmul.f32 $1.442695020e+00, v1  }
0x8a: {  	(erf) = vpow2.f32 v0  }
0x8b: {  	v0 =	vpop (erf);
	(erf) = vpow2.f32 v2  }
0x8c: {  	[tilespmem:s20+$0xFFFFFFE0] =	vst v0;
	v0 =	vpop (erf);
	(erf) = vpow2.f32 v1  }
0x8d: {  	[tilespmem:s20+$0x0] =	vst v0;
	v1 =	vpop (erf)  }
0x8e: {  	s3 =	sadd.s32 $0x80, s20;
	v0 =	vpop (erf);
	[tilespmem:s20+$0xFFFFFFC0] =	vst v1  }
0x8f: {  	v1 =	vpop (erf);
	[tilespmem:s3+$0x20] =	vst v0  }
0x90: {  	[tilespmem:s3+$0xFFFFFFE0] =	vst v1;
	v0 =	vpop (erf)  }
0x91: {  	[tilespmem:s3+$0x0] =	vst v0;
	v0 =	vpop (erf)  }
0x92: {  	v1 =	vpop (erf);
	[tilespmem:s3+$0xFFFFFFC0] =	vst v0;
	s3 =	sadd.s32 $0x80, s3  }
0x93: {  	[tilespmem:s3+$0x20] =	vst v1;
	v0 =	vpop (erf)  }
0x94: {  	[tilespmem:s3+$0xFFFFFFE0] =	vst v0;
	v0 =	vpop (erf)  }
0x95: {  	[tilespmem:s3+$0x0] =	vst v0;
	v0 =	vpop (erf)  }
0x96: {  	s20 =	simm.s32 $0x7F80;
	[tilespmem:s3+$0xFFFFFFC0] =	vst v0  }
0x97: {  	s21 =	simm.s32 $0x4F80;
	v1 =	vld [tilespmem:s20+$0x70]  }
0x98: {  	v2 =	vld [tilespmem:s21+$0x60]  }
0x99: {  	v0 =	vld [tilespmem:s21+$0xFFFFFF80]  }
0x9a: {  	v3 =	vld [tilespmem:s20+$0xFFFFFFB0]  }
0x9b: {  	v4 =	vld [tilespmem:s21+$0xFFFFFFA0]  }
0x9c: {  	v5 =	vld [tilespmem:s20+$0xFFFFFFD0]  }
0x9d: {  	v6 =	vld [tilespmem:s21+$0xFFFFFFC0]  }
0x9e: {  	v7 =	vld [tilespmem:s20+$0xFFFFFFF0]  }
0x9f: {  	v8 =	vld [tilespmem:s21+$0xFFFFFFE0]  }
0xa0: {  	v62 =	vld [tilespmem:s20+$0x10]  }
0xa1: {  	p3 =	por $0x1, $0x1;
	v63 =	vld [tilespmem:s21+$0x0];
	v2 =	vmul.f32 v2, v1  }
.Ltmp6:
0xa2: {  	v4 =	vmul.f32 v4, v3;
	v1 =	vld [tilespmem:s20+$0x30];
	(pc) =	sbr.rel @!p3 .LBB2_7-.Ltmp6, $4  }
0xa3: {  	v5 =	vmul.f32 v6, v5;
	v3 =	vld [tilespmem:s21+$0x20];
	[tilespmem:s20+$0x60] =	vst v2  }
0xa4: {  	v6 =	vmul.f32 v8, v7;
	[tilespmem:s20+$0xFFFFFFA0] =	vst v4;
	v2 =	vld [tilespmem:s20+$0x50]  }
0xa5: {  	[tilespmem:s20+$0xFFFFFFC0] =	vst v5;
	v5 =	vld [tilespmem:s21+$0x40]  }
0xa6: {  	s8 =	simm.s32 $0x8080;
	s3 =	simm.s32 $0x0;
	v4 =	vld [tilespmem:s20+$0xFFFFFF90];
	[tilespmem:s20+$0xFFFFFFE0] =	vst v6;
	v6 =	vmul.f32 v63, v62  }
.LBB2_6:
0xa7: {  	v7 =	vld [tilespmem:s8+$0x70];
	s21 =	sadd.s32 $0x100, s21  }
0xa8: {  	s3 =	sadd.s32 $0x8, s3;
	v8 =	vld [tilespmem:s21+$0x60];
	[tilespmem:s20+$0x0] =	vst v6;
	v1 =	vmul.f32 v3, v1  }
0xa9: {  	p3 =	slt.u32 s3, $0x78;
	v3 =	vld [tilespmem:s21+$0xFFFFFF80]  }
0xaa: {  	v6 =	vld [tilespmem:s8+$0xFFFFFFB0];
	[tilespmem:s20+$0x20] =	vst v1;
	v1 =	vmul.f32 v5, v2  }
0xab: {  	v2 =	vld [tilespmem:s21+$0xFFFFFFA0];
	v9 =	vmul.f32 v0, v4  }
0xac: {  	v4 =	vld [tilespmem:s8+$0xFFFFFFD0];
	[tilespmem:s20+$0x40] =	vst v1  }
0xad: {  	v1 =	vld [tilespmem:s21+$0xFFFFFFC0];
	v5 =	vmul.f32 v8, v7;
	[tilespmem:s20+$0xFFFFFF80] =	vst v9;
	s20 =	smov.u32 s8  }
0xae: {  	v7 =	vld [tilespmem:s8+$0xFFFFFFF0];
	v0 =	vmov v3  }
0xaf: {  	v8 =	vld [tilespmem:s21+$0xFFFFFFE0];
	[tilespmem:s8+$0x60] =	vst v5  }
0xb0: {  	v2 =	vmul.f32 v2, v6;
	v6 =	vld [tilespmem:s8+$0x10]  }
0xb1: {  	v9 =	vld [tilespmem:s21+$0x0]  }
.Ltmp7:
0xb2: {  	[tilespmem:s8+$0xFFFFFFA0] =	vst v2;
	v2 =	vmul.f32 v1, v4;
	v1 =	vld [tilespmem:s8+$0x30];
	(pc) =	sbr.rel @p3 .LBB2_6-.Ltmp7, $4  }
0xb3: {  	v3 =	vld [tilespmem:s21+$0x20]  }
0xb4: {  	[tilespmem:s8+$0xFFFFFFC0] =	vst v2;
	v7 =	vmul.f32 v8, v7;
	v2 =	vld [tilespmem:s8+$0x50]  }
0xb5: {  	v5 =	vld [tilespmem:s21+$0x40]  }
0xb6: {  	s8 =	sadd.s32 $0x100, s8;
	v4 =	vld [tilespmem:s20+$0xFFFFFF90];
	[tilespmem:s20+$0xFFFFFFE0] =	vst v7;
	v6 =	vmul.f32 v9, v6  }
.LBB2_7:
0xb7: {  	_ =	sdelay $0x1  }
0xb8: {  	v1 =	vmul.f32 v3, v1  }
0xb9: {  	[tilespmem:s20+$0x0] =	vst v6;
	v2 =	vmul.f32 v5, v2  }
0xba: {  	s3 =	sshll.u32 s31, $0x8;
	[tilespmem:s20+$0x20] =	vst v1;
	v0 =	vmul.f32 v0, v4  }
0xbb: {  	s3 =	sand.u32 $0x3FFFFF00, s3;
	[tilespmem:s20+$0x40] =	vst v2  }
0xbc: {  	s3 =	sadd.s32 $0x2780, s3;
	[tilespmem:s20+$0xFFFFFF80] =	vst v0  }
0xbd: {  	[spmem:s4] =	stream.indirect.scatter.add.f32 [tilespmem:s23], [sflag:$0x3], $0x20, s3, s19, $0xb8;
	[tilespmem:$0xED20] =	vst v63  }
.LBB2_8:
0xbe: {  	s0 =	sadd.s32 $0x2, s0  }
.Ltmp8:
0xbf: {  	p3 =	sge.u32 s0, s30;
	(pc) =	sbr.rel @p2 .LBB2_14-.Ltmp8, $4  }
0xc0: {  	s0 =	sshll.u32 @!p3 s0, $0x7;
	s3 =	simm.s32 @!p3 $0x80;
	s8 =	simm.s32 @!p3 $0x4F00  }
0xc1: {  	[tilespmem:s8], [sflag:$0x1] =	stream.indirect.gather @!p3 [hbm4b:s6+s3], $0x20, s0, s3, $0xb8;
	[tilespmem:$0xED20] =	vst v63  }
0xc2: {  	s0 =	sadd.s32 @!p3 $0x2780, s0;
	s8 =	simm.s32 @!p3 $0x6F00  }
0xc3: {  	[tilespmem:s8], [sflag:$0x1] =	stream.indirect.gather @!p3 [hbm4b:s1+s3], $0x10, s0, s3, $0xb8;
	[tilespmem:$0xED20] =	vst v63  }
0xc4: {  	_ =	swait.ge [sflag:s24], $0x1000  }
0xc5: {  	[sflag:s24] =	ssyncset.done $0x0  }
0xc6: {  	[sflag:s24] =	ssyncadd.s32 $0xFFFFF000  }
0xc7: {  	_ =	swait.ge [sflag:s24], $0x800  }
0xc8: {  	p2 =	seq.s32 s31, $0x0;
	[sflag:s24] =	ssyncset.done $0x0  }
0xc9: {  	s0 =	simm.s32 @!p2 $0x4;
	[sflag:s24] =	ssyncadd.s32 $0xFFFFF800  }
0xca: {  	_ =	swait.ge @!p2 [sflag:s0], $0x1000  }
0xcb: {  	[sflag:s0] =	ssyncset.done @!p2 $0x0  }
0xcc: {  	s8 =	simm.s32 $0x5F70;
	[sflag:s0] =	ssyncadd.s32 @!p2 $0xFFFFF000  }
0xcd: {  	s3 =	simm.s32 $0x7730;
	v0 =	vld [tilespmem:s8+$0x0]  }
0xce: {  	v1 =	vld [tilespmem:s3+$0x0]  }
0xcf: {  	v2 =	vld [tilespmem:s3+$0xFFFFFFD0]  }
0xd0: {  	v3 =	vld [tilespmem:s8+$0xFFFFFFC0]  }
0xd1: {  	v4 =	vld [tilespmem:s3+$0xFFFFFFE0]  }
0xd2: {  	v5 =	vld [tilespmem:s8+$0xFFFFFFE0]  }
0xd3: {  	s20 =	simm.s32 $0x5FF0;
	v6 =	vld [tilespmem:s3+$0xFFFFFFF0];
	v0 =	vadd.f32 v1, v0  }
0xd4: {  	v7 =	vld [tilespmem:s20+$0x0]  }
0xd5: {  	s21 =	simm.s32 $0x7770;
	v1 =	vld [tilespmem:s8+$0xFFFFFFA0];
	v8 =	vmul.f32 $2.000000030e-01, v0  }
0xd6: {  	v9 =	vld [tilespmem:s21+$0x0]  }
0xd7: {  	v3 =	vadd.f32 v4, v3;
	v4 =	vld [tilespmem:s20+$0xFFFFFFC0];
	v0 =	vmax.f32 v0, v8  }
0xd8: {  	v5 =	vadd.f32 v6, v5;
	v6 =	vld [tilespmem:s21+$0xFFFFFFE0];
	v0 =	vmul.f32 $1.442695020e+00, v0  }
0xd9: {  	v11 =	vld [tilespmem:s21+$0xFFFFFFF0]  }
0xda: {  	v8 =	vmul.f32 $2.000000030e-01, v3;
	v1 =	vadd.f32 v2, v1;
	v2 =	vld [tilespmem:s20+$0xFFFFFFE0];
	(erf) = vpow2.f32 v0  }
0xdb: {  	v10 =	vld [tilespmem:s21+$0xFFFFFFD0];
	v0 =	vmul.f32 $2.000000030e-01, v5  }
0xdc: {  	v7 =	vadd.f32 v9, v7;
	v9 =	vld [tilespmem:s20+$0xFFFFFFA0];
	s8 =	simm.s32 $0x6070;
	v3 =	vmax.f32 v3, v8;
	v8 =	vmul.f32 $2.000000030e-01, v1  }
0xdd: {  	v12 =	vld [tilespmem:s8+$0x0];
	s20 =	simm.s32 $0x77B0;
	v4 =	vadd.f32 v6, v4;
	v3 =	vmul.f32 $1.442695020e+00, v3;
	v0 =	vmax.f32 v5, v0  }
0xde: {  	v5 =	vmul.f32 $2.000000030e-01, v7;
	v1 =	vmax.f32 v1, v8;
	v8 =	vld [tilespmem:s20+$0x0];
	v0 =	vmul.f32 $1.442695020e+00, v0  }
0xdf: {  	(erf) = vpow2.f32 v3;
	v6 =	vmul.f32 $1.442695020e+00, v1;
	v1 =	vld [tilespmem:s20+$0xFFFFFFD0];
	v11 =	vadd.f32 v11, v2  }
0xe0: {  	v3 =	vmax.f32 v7, v5;
	v7 =	vmul.f32 $2.000000030e-01, v4;
	(erf) = vpow2.f32 v0;
	v0 =	vld [tilespmem:s8+$0xFFFFFFC0]  }
0xe1: {  	v5 =	vadd.f32 v10, v9;
	v13 =	vmul.f32 $1.442695020e+00, v3;
	v3 =	vld [tilespmem:s20+$0xFFFFFFE0]  }
0xe2: {  	v2 =	vld [tilespmem:s8+$0xFFFFFFE0];
	v10 =	vmul.f32 $2.000000030e-01, v11;
	(erf) = vpow2.f32 v6;
	v6 =	vmax.f32 v4, v7  }
0xe3: {  	s0 =	simm.s32 $0x8F70;
	v4 =	vld [tilespmem:s20+$0xFFFFFFF0];
	v9 =	vmul.f32 $2.000000030e-01, v5;
	(erf) = vpow2.f32 v13;
	v7 =	vadd.f32 v8, v12;
	v63 =	vpop (erf)  }
0xe4: {  	s3 =	simm.s32 $0x8;
	v8 =	vmul.f32 $1.442695020e+00, v6;
	v6 =	vld [tilespmem:s8+$0xFFFFFFA0];
	s8 =	simm.s32 $0x60F0;
	v10 =	vmax.f32 v11, v10;
	[tilespmem:s0+$0x0] =	vst v63  }
.LBB2_10:
0xe5: {  	v12 =	vmul.f32 $2.000000030e-01, v7  }
0xe6: {  	v11 =	vld [tilespmem:s8+$0x0];
	s20 =	sadd.s32 $0x40, s20;
	v16 =	vmax.f32 v5, v9;
	v9 =	vmul.f32 $1.442695020e+00, v10;
	v13 =	vadd.f32 v3, v0  }
0xe7: {  	s3 =	sadd.s32 $0x4, s3;
	v10 =	vld [tilespmem:s20+$0x0];
	v14 =	vmul.f32 $1.442695020e+00, v16;
	(erf) = vpow2.f32 v8  }
0xe8: {  	p2 =	slt.u32 s3, $0x7C;
	v15 =	vld [tilespmem:s20+$0xFFFFFFD0];
	v3 =	vmax.f32 v7, v12;
	(erf) = vpow2.f32 v9;
	v5 =	vpop (erf);
	v7 =	vmul.f32 $2.000000030e-01, v13  }
.Ltmp9:
0xe9: {  	v0 =	vld [tilespmem:s8+$0xFFFFFFC0];
	v12 =	vadd.f32 v4, v2;
	v4 =	vmul.f32 $1.442695020e+00, v3;
	[tilespmem:s0+$0xFFFFFFC0] =	vst v5;
	v2 =	vpop (erf);
	(pc) =	sbr.rel @p2 .LBB2_10-.Ltmp9, $4  }
0xea: {  	v3 =	vld [tilespmem:s20+$0xFFFFFFE0];
	v5 =	vadd.f32 v1, v6;
	(erf) = vpow2.f32 v14;
	[tilespmem:s0+$0xFFFFFFE0] =	vst v2  }
0xeb: {  	v2 =	vld [tilespmem:s8+$0xFFFFFFE0];
	v14 =	vmax.f32 v13, v7;
	v13 =	vmul.f32 $2.000000030e-01, v12;
	(erf) = vpow2.f32 v4;
	v6 =	vpop (erf)  }
0xec: {  	v4 =	vld [tilespmem:s20+$0xFFFFFFF0];
	v7 =	vadd.f32 v10, v11;
	v9 =	vmul.f32 $2.000000030e-01, v5;
	v8 =	vmul.f32 $1.442695020e+00, v14;
	v1 =	vpop (erf);
	[tilespmem:s0+$0xFFFFFFA0] =	vst v6;
	s0 =	sadd.s32 $0x80, s0  }
0xed: {  	v6 =	vld [tilespmem:s8+$0xFFFFFFA0];
	s8 =	sadd.s32 $0x80, s8;
	v10 =	vmax.f32 v12, v13;
	[tilespmem:s0+$0x0] =	vst v1;
	v1 =	vmov v15  }
0xee: {  	_ =	sdelay $0x1  }
0xef: {  	v11 =	vmul.f32 $2.000000030e-01, v7;
	v5 =	vmax.f32 v5, v9;
	v0 =	vadd.f32 v3, v0  }
0xf0: {  	(erf) = vpow2.f32 v8;
	v3 =	vmul.f32 $1.442695020e+00, v10;
	v2 =	vadd.f32 v4, v2  }
0xf1: {  	v5 =	vmul.f32 $1.442695020e+00, v5;
	v4 =	vmul.f32 $2.000000030e-01, v0;
	v1 =	vadd.f32 v1, v6  }
0xf2: {  	(erf) = vpow2.f32 v3;
	v6 =	vmax.f32 v7, v11;
	v3 =	vmul.f32 $2.000000030e-01, v2  }
0xf3: {  	v6 =	vmul.f32 $1.442695020e+00, v6;
	v0 =	vmax.f32 v0, v4;
	v4 =	vmul.f32 $2.000000030e-01, v1  }
0xf4: {  	(erf) = vpow2.f32 v5;
	v0 =	vmul.f32 $1.442695020e+00, v0  }
0xf5: {  	v2 =	vmax.f32 v2, v3;
	(erf) = vpow2.f32 v6;
	v1 =	vmax.f32 v1, v4  }
0xf6: {  	v2 =	vmul.f32 $1.442695020e+00, v2;
	v1 =	vmul.f32 $1.442695020e+00, v1  }
0xf7: {  	(erf) = vpow2.f32 v0  }
0xf8: {  	v0 =	vpop (erf);
	(erf) = vpow2.f32 v2  }
0xf9: {  	[tilespmem:s0+$0xFFFFFFC0] =	vst v0;
	v0 =	vpop (erf);
	(erf) = vpow2.f32 v1  }
0xfa: {  	[tilespmem:s0+$0xFFFFFFE0] =	vst v0;
	v1 =	vpop (erf)  }
0xfb: {  	s21 =	sadd.s32 $0x80, s0;
	v0 =	vpop (erf);
	[tilespmem:s0+$0xFFFFFFA0] =	vst v1  }
0xfc: {  	v1 =	vpop (erf);
	[tilespmem:s21+$0x0] =	vst v0  }
0xfd: {  	[tilespmem:s21+$0xFFFFFFC0] =	vst v1;
	v0 =	vpop (erf)  }
0xfe: {  	[tilespmem:s21+$0xFFFFFFE0] =	vst v0;
	v0 =	vpop (erf)  }
0xff: {  	s3 =	sadd.s32 $0x80, s21;
	v1 =	vpop (erf);
	[tilespmem:s21+$0xFFFFFFA0] =	vst v0  }
0x100: {  	[tilespmem:s3+$0x0] =	vst v1;
	v0 =	vpop (erf)  }
0x101: {  	[tilespmem:s3+$0xFFFFFFC0] =	vst v0;
	v0 =	vpop (erf)  }
0x102: {  	[tilespmem:s3+$0xFFFFFFE0] =	vst v0;
	v0 =	vpop (erf)  }
0x103: {  	s0 =	simm.s32 $0x8FF0;
	[tilespmem:s3+$0xFFFFFFA0] =	vst v0  }
0x104: {  	s20 =	simm.s32 $0x5FE0;
	v1 =	vld [tilespmem:s0+$0x0]  }
0x105: {  	v2 =	vld [tilespmem:s20+$0x0]  }
0x106: {  	v0 =	vld [tilespmem:s20+$0xFFFFFF20]  }
0x107: {  	v3 =	vld [tilespmem:s0+$0xFFFFFF40]  }
0x108: {  	v4 =	vld [tilespmem:s20+$0xFFFFFF40]  }
0x109: {  	v5 =	vld [tilespmem:s0+$0xFFFFFF60]  }
0x10a: {  	v6 =	vld [tilespmem:s20+$0xFFFFFF60]  }
0x10b: {  	v7 =	vld [tilespmem:s0+$0xFFFFFF80]  }
0x10c: {  	v8 =	vld [tilespmem:s20+$0xFFFFFF80]  }
0x10d: {  	v62 =	vld [tilespmem:s0+$0xFFFFFFA0]  }
0x10e: {  	v63 =	vld [tilespmem:s20+$0xFFFFFFA0]  }
0x10f: {  	v2 =	vmul.f32 v2, v1;
	v1 =	vld [tilespmem:s0+$0xFFFFFFC0]  }
0x110: {  	p2 =	por $0x1, $0x1;
	v4 =	vmul.f32 v4, v3;
	v5 =	vmul.f32 v6, v5;
	v3 =	vld [tilespmem:s20+$0xFFFFFFC0]  }
.Ltmp10:
0x111: {  	[tilespmem:s0+$0xFFFFFFF0] =	vst v2;
	v2 =	vld [tilespmem:s0+$0xFFFFFFE0];
	(pc) =	sbr.rel @!p2 .LBB2_13-.Ltmp10, $3  }
0x112: {  	[tilespmem:s0+$0xFFFFFF50] =	vst v5;
	v5 =	vld [tilespmem:s20+$0xFFFFFFE0]  }
0x113: {  	v6 =	vmul.f32 v8, v7;
	[tilespmem:s0+$0xFFFFFF30] =	vst v4;
	v4 =	vld [tilespmem:s0+$0xFFFFFF20];
	_ =	sdelay $0x1  }
0x114: {  	s8 =	simm.s32 $0x90F0;
	s3 =	simm.s32 $0x0;
	[tilespmem:s0+$0xFFFFFF70] =	vst v6;
	v6 =	vmul.f32 v63, v62  }
.LBB2_12:
0x115: {  	v7 =	vld [tilespmem:s8+$0x0];
	s20 =	sadd.s32 $0x100, s20  }
0x116: {  	s3 =	sadd.s32 $0x8, s3;
	v1 =	vmul.f32 v3, v1;
	v8 =	vld [tilespmem:s20+$0x0];
	[tilespmem:s0+$0xFFFFFF90] =	vst v6  }
0x117: {  	p2 =	slt.u32 s3, $0x78;
	v3 =	vld [tilespmem:s20+$0xFFFFFF20]  }
0x118: {  	v6 =	vld [tilespmem:s8+$0xFFFFFF40];
	[tilespmem:s0+$0xFFFFFFB0] =	vst v1;
	v1 =	vmul.f32 v5, v2  }
0x119: {  	v9 =	vmul.f32 v0, v4;
	v2 =	vld [tilespmem:s20+$0xFFFFFF40]  }
0x11a: {  	v4 =	vld [tilespmem:s8+$0xFFFFFF60];
	[tilespmem:s0+$0xFFFFFFD0] =	vst v1  }
0x11b: {  	v1 =	vld [tilespmem:s20+$0xFFFFFF60];
	v5 =	vmul.f32 v8, v7;
	[tilespmem:s0+$0xFFFFFF10] =	vst v9;
	s0 =	smov.u32 s8  }
0x11c: {  	v7 =	vld [tilespmem:s8+$0xFFFFFF80];
	v0 =	vmov v3  }
0x11d: {  	v8 =	vld [tilespmem:s20+$0xFFFFFF80];
	[tilespmem:s8+$0xFFFFFFF0] =	vst v5  }
0x11e: {  	v2 =	vmul.f32 v2, v6;
	v6 =	vld [tilespmem:s8+$0xFFFFFFA0]  }
0x11f: {  	v9 =	vld [tilespmem:s20+$0xFFFFFFA0]  }
.Ltmp11:
0x120: {  	[tilespmem:s8+$0xFFFFFF30] =	vst v2;
	v2 =	vmul.f32 v1, v4;
	v1 =	vld [tilespmem:s8+$0xFFFFFFC0];
	(pc) =	sbr.rel @p2 .LBB2_12-.Ltmp11, $4  }
0x121: {  	v3 =	vld [tilespmem:s20+$0xFFFFFFC0]  }
0x122: {  	[tilespmem:s8+$0xFFFFFF50] =	vst v2;
	v7 =	vmul.f32 v8, v7;
	v2 =	vld [tilespmem:s8+$0xFFFFFFE0]  }
0x123: {  	v5 =	vld [tilespmem:s20+$0xFFFFFFE0]  }
0x124: {  	s8 =	sadd.s32 $0x100, s8;
	v4 =	vld [tilespmem:s0+$0xFFFFFF20];
	[tilespmem:s0+$0xFFFFFF70] =	vst v7;
	v6 =	vmul.f32 v9, v6  }
.Ltmp12:
0x125: {  	_ = 	snop;
	(pc) =	sbr.rel .LBB2_13-.Ltmp12, $1  }
0x126: {  	_ =	sdelay $0x3  }
.LBB2_16:
0x127: {  	_ =	sfence.sel $0x180000  }
0x128: {  	[bflag:$0x0] =	sbarrier.arrive $0xFFFF  }
0x129: {  	_ =	strace $0x9000004A  }
0x12a: {  	s0 =	stileid.u32;
	[bflag:$0x2] =	sbarrier.arrive $0xFFFF  }
0x12b: {  	p0 =	sne.s32 s0, $0x0;
	s0 =	rddreg [dreg:$0x4]  }
0x12c: {  	s0 =	sadd.s32 @!p0 $0x100000, s0  }
0x12d: {  	[sflag:s0] =	ssyncadd.tile.s32 @!p0 $0x1;
	_ =	shalt  }
.Lfunc_end2:
_tile_overlayer_lowered:
.L_overlay_start_2:
0x12e: {  	(tag) =	ssettag $0x2  }
0x12f: {  	s0 =	rddreg [dreg:$0x0];
	s2 =	stileid.u32  }
0x130: {  	s1 =	rddreg [dreg:$0x1];
	p0 =	sne.s32 s2, $0x0  }
0x131: {  	s3 =	rddreg [dreg:$0x2];
	[bflag:$0x3] =	sbarrier.arrive $0xFFFF;
	s2 =	simm.s32 @!p0 $0x1C05  }
0x132: {  	[timem:s3], [sflag:s2] =	dma.local @!p0 [hbm:s0], s1  }
0x133: {  	s0 =	simm.s32 @!p0 $0x5  }
0x134: {  	_ =	swait.ge @!p0 [sflag:s0], s1  }
0x135: {  	s1 =	ssub.s32 @!p0 $0x0, s1;
	[sflag:s0] =	ssyncset.done @!p0 $0x0  }
0x136: {  	[sflag:s0] =	ssyncadd.s32 @!p0 s1  }
0x137: {  	[bflag:$0x3] =	sbarrier.arrive $0xFFFF  }
0x138: {  	_ =	shalt  }

// kernel: kernel.7.cloned.1.call-start
scs
__scs_entry_jumppad:
0x0: {  	(pc) =	sbr.rel $0x88, $3  }
0x1: {  	(tag) =	ssettag $0x0;
	lr =	simm.s32 $0x1  }
0x2: {  	[smem:$0x3F99] =	sst lr;
	_ =	strace $0xD0000000  }
0x3: {  	_ = 	snop  }
0x4: {  	_ = 	snop  }
0x5: {  	_ = 	snop  }
0x6: {  	_ = 	snop  }
0x7: {  	_ = 	snop  }
__scs_overlays_trampoline_lowered:
0x8: {  	[smem:$0x3FA8] =	sst s0  }
0x9: {  	[smem:$0x3FA9] =	sst s1  }
0xa: {  	[smem:$0x3FAA] =	sst s2  }
0xb: {  	[smem:$0x3FAB] =	sst s3  }
0xc: {  	[smem:$0x3FAC] =	sst s4  }
0xd: {  	[smem:$0x3FAD] =	sst s5  }
0xe: {  	[smem:$0x3FAE] =	sst s6  }
0xf: {  	[smem:$0x3FAF] =	sst s7  }
0x10: {  	[smem:$0x3FB0] =	sst s8  }
0x11: {  	[smem:$0x3FB1] =	sst s9;
	s0 =	simm.s32 @!p0 $0x0  }
0x12: {  	s1 =	sld [smem:$0x3F97];
	s0 =	simm.s32 @p0 $0x1  }
0x13: {  	[smem:$0x3FB2] =	sst s0;
	s0 =	simm.s32 @!p1 $0x0  }
0x14: {  	s2 =	sld [smem:$0x3F96];
	s0 =	simm.s32 @p1 $0x1  }
0x15: {  	[smem:$0x3FB3] =	sst s0;
	s0 =	simm.s32 @!p2 $0x0  }
0x16: {  	s3 =	sld [smem:$0x3FDB];
	s0 =	simm.s32 @p2 $0x1  }
0x17: {  	s4 =	simm.s32 $0x1BF5;
	[smem:$0x3FB5] =	sst s0  }
0x18: {  	s0 =	sld [smem:$0x3F98];
	_ =	swait.ge [sflag:s4], $0x0  }
0x19: {  	s7 =	sld [smem:$0x3F99]  }
0x1a: {  	s8 =	sadd.s32 $0xFFFFE003, lr  }
0x1b: {  	s9 =	sadd.s32 $0xFFFFFEF7, lr;
	s5 =	simm.s32 $0xFFFFFFFF;
	p2 =	slt.u32 s8, $0xFFFFF086  }
0x1c: {  	p1 =	slt.u32 s9, $0xF7A;
	s5 =	simm.s32 @!p2 $0x0  }
0x1d: {  	s5 =	simm.s32 @p1 $0x1;
	p0 =	seq.s32 s7, s2  }
0x1e: {  	s7 =	smul.u32 @!p0 $0xF7A, s2;
	p2 =	seq.s32 @!p0 s5, $0x0  }
0x1f: {  	s9 =	smul.u32 $0xF7A, s1;
	s8 =	simm.s32 @!p0 $0x1BF5;
	p2 =	por !p2, p0  }
0x20: {  	[sflag:s8] =	ssyncset.s32 @!p0 $0xFFFFF086;
	s6 =	sadd.s32 @!p0 s3, s7;
	s7 =	simm.s32 @!p0 $0x108  }
0x21: {  	s3 =	sadd.s32 s3, s9;
	s6 =	sadd.s32 @!p0 $0x88, s6;
	s7 =	simm.s32 @p2 $0x1082  }
0x22: {  	[simem:s7], [sflag:s8] =	dma.local @!p0 [hbm:s6], $0xF7A  }
0x23: {  	s9 =	sor.u32 $0xD0000000, s2;
	s6 =	simm.s32 $0x108;
	_ =	swait.ge @!p0 [sflag:s8], $0x0  }
0x24: {  	s3 =	sadd.s32 $0x88, s3;
	s6 =	simm.s32 @!p1 $0x1082;
	[sflag:s4] =	ssyncset.s32 $0xFFFFF086  }
0x25: {  	[simem:s6], [sflag:s4] =	dma.local [hbm:s3], $0xF7A  }
0x26: {  	[smem:$0x3F99] =	sst s1;
	(tag) =	ssettag s2;
	_ =	strace s9  }
0x27: {  	s1 =	sld [smem:$0x3FA9]  }
0x28: {  	s2 =	sld [smem:$0x3FAA]  }
0x29: {  	s4 =	sld [smem:$0x3FAC]  }
0x2a: {  	p0 =	seq.s32 s5, $0x0;
	s5 =	sld [smem:$0x3FAD]  }
0x2b: {  	s6 =	sld [smem:$0x3FAE]  }
0x2c: {  	s7 =	sld [smem:$0x3FAF]  }
0x2d: {  	s3 =	simm.s32 $0x108;
	s8 =	sld [smem:$0x3FB0]  }
0x2e: {  	s3 =	simm.s32 @!p0 $0x1082;
	s9 =	sld [smem:$0x3FB1]  }
0x2f: {  	lr =	sadd.s32 s0, s3;
	s0 =	sld [smem:$0x3FA8]  }
0x30: {  	s3 =	sld [smem:$0x3FAB]  }
0x31: {  	[smem:$0x3FB4] =	sst s10  }
0x32: {  	s10 =	sld [smem:$0x3FB2];
	_ =	sdelay $0x3  }
0x33: {  	p0 =	seq.s32 s10, $0x1;
	s10 =	sld [smem:$0x3FB4];
	_ =	sdelay $0x3  }
0x34: {  	[smem:$0x3FB4] =	sst s10  }
0x35: {  	s10 =	sld [smem:$0x3FB3];
	_ =	sdelay $0x3  }
0x36: {  	p1 =	seq.s32 s10, $0x1;
	s10 =	sld [smem:$0x3FB4];
	_ =	sdelay $0x3  }
0x37: {  	[smem:$0x3FB4] =	sst s10  }
0x38: {  	s10 =	sld [smem:$0x3FB5]  }
0x39: {  	_ = 	snop;
	(pc) =	sbr.ind lr, $3  }
0x3a: {  	_ = 	snop  }
0x3b: {  	_ = 	snop  }
0x3c: {  	p2 =	seq.s32 s10, $0x1;
	s10 =	sld [smem:$0x3FB4]  }
0x3d: {  	_ =	shalt  }
0x3e: {  	_ =	shalt  }
0x3f: {  	_ =	shalt  }
0x40: {  	_ =	shalt  }
0x41: {  	_ =	shalt  }
0x42: {  	_ =	shalt  }
0x43: {  	_ =	shalt  }
0x44: {  	_ =	shalt  }
0x45: {  	_ =	shalt  }
0x46: {  	_ =	shalt  }
0x47: {  	_ =	shalt  }
0x48: {  	_ =	shalt  }
0x49: {  	_ =	shalt  }
0x4a: {  	_ =	shalt  }
0x4b: {  	_ =	shalt  }
0x4c: {  	_ =	shalt  }
0x4d: {  	_ =	shalt  }
0x4e: {  	_ =	shalt  }
0x4f: {  	_ =	shalt  }
0x50: {  	_ =	shalt  }
0x51: {  	_ =	shalt  }
0x52: {  	_ =	shalt  }
0x53: {  	_ =	shalt  }
0x54: {  	_ =	shalt  }
0x55: {  	_ =	shalt  }
0x56: {  	_ =	shalt  }
0x57: {  	_ =	shalt  }
0x58: {  	_ =	shalt  }
0x59: {  	_ =	shalt  }
0x5a: {  	_ =	shalt  }
0x5b: {  	_ =	shalt  }
0x5c: {  	_ =	shalt  }
0x5d: {  	_ =	shalt  }
0x5e: {  	_ =	shalt  }
0x5f: {  	_ =	shalt  }
0x60: {  	_ =	shalt  }
0x61: {  	_ =	shalt  }
0x62: {  	_ =	shalt  }
0x63: {  	_ =	shalt  }
0x64: {  	_ =	shalt  }
0x65: {  	_ =	shalt  }
0x66: {  	_ =	shalt  }
0x67: {  	_ =	shalt  }
0x68: {  	_ =	shalt  }
0x69: {  	_ =	shalt  }
0x6a: {  	_ =	shalt  }
0x6b: {  	_ =	shalt  }
0x6c: {  	_ =	shalt  }
0x6d: {  	_ =	shalt  }
0x6e: {  	_ =	shalt  }
0x6f: {  	_ =	shalt  }
0x70: {  	_ =	shalt  }
0x71: {  	_ =	shalt  }
0x72: {  	_ =	shalt  }
0x73: {  	_ =	shalt  }
0x74: {  	_ =	shalt  }
0x75: {  	_ =	shalt  }
0x76: {  	_ =	shalt  }
0x77: {  	_ =	shalt  }
0x78: {  	_ =	shalt  }
0x79: {  	_ =	shalt  }
0x7a: {  	_ =	shalt  }
0x7b: {  	_ =	shalt  }
0x7c: {  	_ =	shalt  }
0x7d: {  	_ =	shalt  }
0x7e: {  	_ =	shalt  }
0x7f: {  	_ =	shalt  }
0x80: {  	_ =	shalt  }
0x81: {  	_ =	shalt  }
0x82: {  	_ =	shalt  }
0x83: {  	_ =	shalt  }
0x84: {  	_ =	shalt  }
0x85: {  	_ =	shalt  }
0x86: {  	_ =	shalt  }
0x87: {  	_ =	shalt  }
.Lfunc_end0:
.L_simem_size_0:
called_computation_lowered:
.L_overlay_start_0:
0x88: {  	s2 =	sld [smem:$0x3FD9]  }
0x89: {  	s3 =	sld [smem:$0x3FFE];
	_ =	sdelay $0x1  }
0x8a: {  	s1 =	srdreg.scid  }
0x8b: {  	s0 =	sand.u32 $0x1, s1  }
0x8c: {  	s14 =	sshll.u32 s0, $0xA;
	s2 =	sadd.s32 s3, s2  }
0x8d: {  	s2 =	sadd.s32 s2, s14  }
0x8e: {  	[smem:$0x3FC0] =	sst s2  }
0x8f: {  	_ = 	snop  }
0x90: {  	s2 =	sld [smem:$0x3FD0];
	_ =	sdelay $0x2  }
0x91: {  	s15 =	simm.s32 $0xA;
	s4 =	simm.s32 $0x10  }
0x92: {  	[smem:s4], [sflag:s15] =	dma.local [hbm:s2], $0x1  }
0x93: {  	_ =	swait.eq [sflag:s15], $0x1  }
0x94: {  	[sflag:s15] =	ssyncset.done $0x0  }
0x95: {  	s16 =	sld [smem:$0x10];
	[sflag:s15] =	ssyncadd.s32 $0xFFFFFFFF  }
0x96: {  	s17 =	sld [smem:$0x11];
	(tm) =	ssettm $0x1  }
0x97: {  	s18 =	sld [smem:$0x3FFB];
	_ =	sdelay $0x3  }
0x98: {  	_ =	strace s18  }
0x99: {  	s4 =	sld [smem:$0x3FFC];
	_ =	sdelay $0x3  }
0x9a: {  	_ =	strace s4  }
0x9b: {  	s4 =	sld [smem:$0x3FFD];
	_ =	sdelay $0x3  }
0x9c: {  	_ =	strace s4  }
0x9d: {  	_ =	strace $0x8FFFFFFF  }
0x9e: {  	s19 =	sld [smem:$0x3FDB];
	_ =	sdelay $0x1  }
0x9f: {  	s5 =	simm.s32 $_scs_section_size  }
0xa0: {  	s6 =	simm.s32 $_size__tile_overlayer_lowered;
	s7 =	simm.s32 $_tile_overlayer_lowered  }
0xa1: {  	s22 =	simm.s32 $0x1BFF;
	s21 =	sshll.u32 s7, $0x1;
	s4 =	sadd.s32 s5, s19  }
0xa2: {  	s8 =	simm.s32 $0x0;
	s20 =	sshll.u32 s6, $0x1;
	s6 =	sadd.s32 s21, s4  }
0xa3: {  	[timem:s8], [sflag:s22] =	dma.local [hbm:s6], s20  }
0xa4: {  	_ =	swait.ge [sflag:s22], s20  }
0xa5: {  	s5 =	ssub.s32 $0x0, s20;
	[sflag:s22] =	ssyncset.done $0x0  }
0xa6: {  	[sflag:s22] =	ssyncadd.s32 s5;
	_ =	sdelay $0x1  }
0xa7: {  	s23 =	simm.s32 $0x1B8B  }
0xa8: {  	_ =	swait.ge [sflag:s23], $0x1  }
0xa9: {  	[sflag:s23] =	ssyncset.done $0x0  }
0xaa: {  	s25 =	simm.s32 $0x1B8E;
	s24 =	sld [smem:$0x3FFE];
	[sflag:s23] =	ssyncadd.s32 $0xFFFFFFFF  }
0xab: {  	s26 =	simm.s32 $execute0_lowered;
	[smem:$0x3FD2] =	sst s25  }
0xac: {  	s6 =	sshll.u32 s26, $0x1;
	_ =	strace $0x80000046;
	[dreg:$0x1] =	wrdreg $0xFFFFFFFF  }
0xad: {  	s28 =	simm.s32 $_size_execute0_lowered;
	s4 =	sadd.s32 s4, s6;
	[dreg:$0x0] =	wrdreg $0x0  }
0xae: {  	s6 =	sshll.u32 s28, $0x1;
	[dreg:$0x2] =	wrdreg s4  }
0xaf: {  	[dreg:$0x3] =	wrdreg s6  }
0xb0: {  	[dreg:$0x4] =	wrdreg $0xC0  }
0xb1: {  	_ =	task [dreg:s8], $0x5FFFF  }
0xb2: {  	[dreg:$0x1] =	wrdreg $0xFFFFFFFF  }
0xb3: {  	[dreg:$0x0] =	wrdreg $0x60  }
0xb4: {  	[dreg:$0x2] =	wrdreg s24  }
0xb5: {  	[dreg:$0x3] =	wrdreg s17  }
0xb6: {  	[dreg:$0x4] =	wrdreg s16  }
0xb7: {  	[dreg:$0x5] =	wrdreg $0xFF000  }
0xb8: {  	[dreg:$0x6] =	wrdreg $0x9  }
0xb9: {  	_ =	task.clear_ibuf [dreg:s8], $0x7FFFF;
	_ =	strace $0x90000046  }
0xba: {  	s29 =	simm.s32 $0x9;
	_ =	strace $0x80000048  }
0xbb: {  	_ =	swait.ge [sflag:s29], $0x1  }
0xbc: {  	[sflag:s29] =	ssyncadd.s32 $0xFFFFFFFF  }
0xbd: {  	_ =	strace $0x90000048  }
0xbe: {  	_ =	sfence  }
0xbf: {  	s30 =	sld [smem:$0x0];
	_ =	sdelay $0x2  }
0xc0: {  	s31 =	sshll.u32 s1, $0xD;
	s1 =	sshrl.u32 s1, $0x2  }
0xc1: {  	s3 =	sand.u32 $0x4000, s31;
	s1 =	sadd.s32 s1, s30  }
0xc2: {  	s0 =	sor.u32 s3, s0;
	s1 =	sshll.u32 s1, $0x11  }
0xc3: {  	s0 =	sor.u32 s1, s0  }
0xc4: {  	s0 =	sadd.s32 $0x8F2B, s0  }
0xc5: {  	[sflag:s0] =	ssyncadd.remote.s32 $0x1  }
0xc6: {  	_ =	sfence.sel $0xFFFF  }
0xc7: {  	[dreg:$0x0] =	wrdreg $0xFFFFFFFF;
	(pc) =	sbr.abs _section_cstart, $3  }
0xc8: {  	[dreg:$0x1] =	wrdreg $0xFFFFFFFF  }
0xc9: {  	_ =	task.clear_ibuf [dreg:s8], $0x2FFFF;
	_ =	strace $0x9FFFFFFF  }
0xca: {  	(tm) =	ssettm $0x7FFFFFFF  }
0xcb: {  	_ =	shalt  }
tec
execute0_lowered:
.L_overlay_start_1:
0x0: {  	(tag) =	ssettag $0x1  }
0x1: {  	s0 =	rddreg [dreg:$0x0];
	s2 =	srdreg.scid  }
0x2: {  	s10 =	stileid.u32;
	s1 =	rddreg [dreg:$0x1]  }
0x3: {  	s4 =	rddreg [dreg:$0x3];
	s5 =	simm.s32 $0x0;
	s16 =	simm.s32 $0x5  }
0x4: {  	s19 =	simm.s32 $0x80;
	s22 =	simm.s32 $0x1;
	s23 =	simm.s32 $0xAF00  }
0x5: {  	s24 =	simm.s32 $0x2;
	s25 =	simm.s32 $0xD700;
	s28 =	simm.s32 $0x3  }
0x6: {  	s29 =	simm.s32 $0x0;
	s2 =	sand.u32 $0x1, s2;
	s3 =	sshll.u32 s10, $0x1  }
0x7: {  	[smem:$0x7FF] =	sst s5;
	s9 =	smul.u32 $0xC300, s10;
	s26 =	sshll.u32 s10, $0x6  }
0x8: {  	s17 =	sadd.s32 $0xC3000, s4;
	p0 =	sne.s32 s10, $0xF;
	p1 =	sgt.u32 s10, $0x1  }
0x9: {  	s3 =	sor.u32 s2, s3;
	s7 =	ssub.s32 $0x2, s2;
	s2 =	smul.u32 $0xC3500, s2  }
0xa: {  	_ =	strace $0x80000047;
	s17 =	sshrl.u32 @!p0 s17, $0x3;
	s6 =	smul.u32 $0x4E, s3  }
0xb: {  	s3 =	smin.u32 s3, $0x4;
	s8 =	sshrl.u32 s7, $0x1;
	s15 =	sadd.s32 s9, s4  }
0xc: {  	s8 =	ssub.s32 s7, s8;
	s7 =	sor.u32 $0x1C05, s26;
	s9 =	sadd.s32 s9, s2  }
0xd: {  	s2 =	sshrl.u32 s2, $0x3;
	s15 =	sshrl.u32 s15, $0x3;
	s3 =	sadd.s32 s3, s6  }
0xe: {  	s26 =	simm.s32 $0x4;
	s6 =	sadd.s32 $0x1A00, s0;
	s3 =	sshll.u32 s3, $0x4  }
.Ltmp0:
0xf: {  	s9 =	sshrl.u32 s9, $0x3;
	s3 =	sadd.s32 s3, s0;
	(pc) =	sbr.rel .LBB2_1-.Ltmp0, $4  }
0x10: {  	s14 =	smax.u32 s8, $0x1;
	s0 =	sadd.s32 $0x2DC00, s0;
	s11 =	sadd.s32 $0x1A200, s3  }
0x11: {  	v0 =	vlaneseq.u32;
	s30 =	sadd.s32 $0x23E40, s3;
	s31 =	sadd.s32 $0x1A6E0, s3;
	[dreg:$0x5] =	wrdreg s11  }
0x12: {  	v0 =	vshrl.u32 v0, $0x3;
	s12 =	sadd.s32 s0, s9;
	s0 =	sadd.s32 s0, s2;
	[dreg:$0x6] =	wrdreg s30  }
0x13: {  	v1 =	vor.u32 $0x2, v0;
	v2 =	vor.u32 $0x4, v0;
	v3 =	vor.u32 $0x6, v0;
	[dreg:$0x7] =	wrdreg s31;
	s11 =	sadd.s32 $0x24320, s3;
	s13 =	sadd.s32 $0x18600, s0  }
.LBB2_23:
0x14: {  	_ =	swait.ge [sflag:s26], $0x2800  }
0x15: {  	[sflag:s26] =	ssyncset.done $0x0  }
0x16: {  	[sflag:s26] =	ssyncadd.s32 $0xFFFFD800  }
0x17: {  	_ =	swait.ge [sflag:s28], $0x2800  }
0x18: {  	[sflag:s28] =	ssyncset.done $0x0  }
0x19: {  	[sflag:s28] =	ssyncadd.s32 $0xFFFFD800  }
0x1a: {  	[bflag:$0x0] =	sbarrier.arrive $0xFFFF  }
0x1b: {  	[hbm:s12], [sflag:s7] =	dma.local [spmem:s15], $0x1860  }
0x1c: {  	s29 =	sadd.s32 $0x1, s29;
	_ =	swait.ge [sflag:s16], $0x1860  }
0x1d: {  	p2 =	sne.s32 s29, s14;
	[sflag:s16] =	ssyncset.done $0x0  }
.Ltmp1:
0x1e: {  	s0 =	simm.s32 @!p0 $0x5;
	[sflag:s16] =	ssyncadd.s32 $0xFFFFE7A0;
	(pc) =	sbr.rel @!p2 .LBB2_24-.Ltmp1, $4  }
0x1f: {  	[hbm:s13], [sflag:s7] =	dma.local @!p0 [spmem:s17], $0xA0  }
0x20: {  	_ =	swait.ge @!p0 [sflag:s0], $0xA0  }
0x21: {  	[sflag:s0] =	ssyncset.done @!p0 $0x0  }
0x22: {  	[sflag:s0] =	ssyncadd.s32 @!p0 $0xFFFFFF60  }
.LBB2_1:
0x23: {  	s0 =	rddreg [dreg:$0x2]  }
0x24: {  	[spmem:s15], [sflag:s7] =	dma.local [hbm:s0], $0x1860  }
0x25: {  	_ =	swait.ge [sflag:s16], $0x1860  }
0x26: {  	[sflag:s16] =	ssyncset.done $0x0  }
0x27: {  	[sflag:s16] =	ssyncadd.s32 $0xFFFFE7A0  }
0x28: {  	[spmem:s17], [sflag:s7] =	dma.local @!p0 [hbm:s0], $0xA0  }
0x29: {  	s0 =	simm.s32 @!p0 $0x5  }
0x2a: {  	_ =	swait.ge @!p0 [sflag:s0], $0xA0  }
0x2b: {  	[sflag:s0] =	ssyncset.done @!p0 $0x0  }
0x2c: {  	[sflag:s0] =	ssyncadd.s32 @!p0 $0xFFFFFF60  }
0x2d: {  	[bflag:$0x0] =	sbarrier.arrive $0xFFFF  }
0x2e: {  	s10 =	rddreg [dreg:$0x5]  }
0x2f: {  	[tilespmem:s5], [sflag:$0x5] =	stream.linear.gather [hbm4b:s10+s5], $0x2700, $0x38;
	[tilespmem:$0x1C250] =	vst v63  }
0x30: {  	_ =	swait.ge [sflag:s16], $0x2700  }
0x31: {  	[sflag:s16] =	ssyncset.done $0x0  }
0x32: {  	s8 =	simm.s32 $0x2780;
	s18 =	rddreg [dreg:$0x6];
	[sflag:s16] =	ssyncadd.s32 $0xFFFFD900  }
0x33: {  	[tilespmem:s8], [sflag:$0x5] =	stream.linear.gather [hbm4b:s18+s5], $0x2700, $0x38;
	[tilespmem:$0x1C250] =	vst v63  }
0x34: {  	_ =	swait.ge [sflag:s16], $0x2700  }
0x35: {  	s2 =	simm.s32 @!p1 $0x2700;
	[sflag:s16] =	ssyncset.done $0x0  }
0x36: {  	s0 =	simm.s32 @!p1 $0x0;
	s3 =	rddreg [dreg:$0x7];
	[sflag:s16] =	ssyncadd.s32 $0xFFFFD900  }
0x37: {  	[tilespmem:s2], [sflag:$0x5] =	stream.linear.gather @!p1 [hbm4b:s3+s0], $0x80, $0x38;
	[tilespmem:$0x1C250] =	vst v63  }
0x38: {  	s2 =	simm.s32 @!p1 $0x5  }
0x39: {  	_ =	swait.ge @!p1 [sflag:s2], $0x80  }
0x3a: {  	[sflag:s2] =	ssyncset.done @!p1 $0x0  }
0x3b: {  	s3 =	simm.s32 @!p1 $0x4E80;
	[sflag:s2] =	ssyncadd.s32 @!p1 $0xFFFFFF80  }
0x3c: {  	[tilespmem:s3], [sflag:$0x5] =	stream.linear.gather @!p1 [hbm4b:s11+s0], $0x80, $0x38;
	[tilespmem:$0x1C250] =	vst v63  }
0x3d: {  	_ =	swait.ge @!p1 [sflag:s2], $0x80  }
.Ltmp2:
0x3e: {  	[sflag:s2] =	ssyncset.done @!p1 $0x0;
	(pc) =	sbr.rel .LBB2_2-.Ltmp2, $4  }
0x3f: {  	s20 =	simm.s32 $0x4F00;
	s30 =	simm.s32 @!p1 $0x4F;
	[sflag:s2] =	ssyncadd.s32 @!p1 $0xFFFFFF80  }
0x40: {  	[tilespmem:s20], [sflag:$0x1] =	stream.indirect.gather [hbm4b:s6+s19], $0x50, s5, s19, $0xb8;
	[tilespmem:$0x1C250] =	vst v63  }
0x41: {  	s21 =	simm.s32 $0x9F00;
	s31 =	simm.s32 $0x0;
	s30 =	simm.s32 @p1 $0x4E  }
0x42: {  	[tilespmem:s21], [sflag:$0x1] =	stream.indirect.gather [hbm4b:s1+s19], $0x10, s8, s19, $0xb8;
	[tilespmem:$0x1C250] =	vst v63  }
.LBB2_16:
0x43: {  	s18 =	simm.s32 $0x7960;
	s3 =	simm.s32 $0xD960  }
.LBB2_21:
0x44: {  	v8 =	vld @p2 [tilespmem:s18+$0xFFFFFEC0]  }
0x45: {  	v23 =	vbroadcast v18, $0x0;
	v18 =	vld @p2 [tilespmem:s18+$0xFFFFFF10]  }
0x46: {  	v25 =	vbroadcast v19, $0x0;
	v19 =	vld @p2 [tilespmem:s18+$0xFFFFFF60]  }
0x47: {  	v28 =	vbroadcast v20, $0x0;
	v20 =	vld @p2 [tilespmem:s18+$0xFFFFFFB0];
	s8 =	sadd.s32 @p2 $0x280, s18  }
0x48: {  	v29 =	vbroadcast v21, $0x0;
	v21 =	vld @p2 [tilespmem:s18+$0xFFFFFDD0];
	s20 =	smov.u32 @p2 s8  }
0x49: {  	v34 =	vld [tilespmem:s20+$0xFFFFFFD0]  }
0x4a: {  	v35 =	vld [tilespmem:s20+$0xFFFFFDA0]  }
0x4b: {  	v36 =	vld [tilespmem:s20+$0xFFFFFDF0]  }
0x4c: {  	v22 =	vor.u32 v0, v4;
	v46 =	vmov s9;
	v37 =	vld [tilespmem:s20+$0xFFFFFE40]  }
0x4d: {  	v24 =	vor.u32 v0, v5;
	v26 =	vmul.u32 $0x50, v46;
	v39 =	vld [tilespmem:s20+$0xFFFFFE90]  }
0x4e: {  	v27 =	vor.u32 v0, v23;
	v41 =	vld [tilespmem:s20+$0xFFFFFEE0]  }
0x4f: {  	v30 =	vor.u32 v0, v25;
	v42 =	vld [tilespmem:s20+$0xFFFFFF30];
	v47 =	vadd.s32 $0x2840, v26  }
0x50: {  	v48 =	vor.u32 v0, v28;
	v51 =	vld [tilespmem:s20+$0xFFFFFF80];
	v31 =	vbroadcast v47, $0x0  }
0x51: {  	v32 =	vor.u32 v0, v29;
	v22 =	vld.idx.msk [tilespmem:v22+s23+$0x0], $0xffff  }
0x52: {  	v24 =	vld.idx.msk [tilespmem:v24+s23+$0x0], $0xffff;
	v33 =	vor.u32 v0, v31  }
0x53: {  	v58 =	vor.u32 v1, v7;
	v27 =	vld.idx.msk [tilespmem:v27+s23+$0x0], $0xffff  }
0x54: {  	v40 =	vor.u32 v1, v4;
	v30 =	vld.idx.msk [tilespmem:v30+s23+$0x0], $0xffff  }
0x55: {  	s8 =	sadd.s32 @p2 $0x280, s3;
	v26 =	vld.idx.msk [tilespmem:v48+s23+$0x0], $0xffff;
	v6 =	vmul.f32 v35, v6  }
0x56: {  	s0 =	smov.u32 @p2 s8;
	v32 =	vld.idx.msk [tilespmem:v32+s23+$0x0], $0xffff;
	v22 =	vmul.f32 v36, v22  }
0x57: {  	v50 =	vor.u32 v1, v23;
	[tilespmem:s0+$0xFFFFFDA0] =	vst v6;
	v33 =	vld.idx.msk [tilespmem:v33+s23+$0x0], $0xffff  }
0x58: {  	v52 =	vor.u32 v1, v25;
	v24 =	vmul.f32 v37, v24;
	[tilespmem:s0+$0xFFFFFDF0] =	vst v22;
	v22 =	vld.idx.msk [tilespmem:v58+s23+$0x0], $0xffff  }
0x59: {  	v54 =	vor.u32 v1, v28;
	v53 =	vmul.f32 v39, v27;
	v56 =	vld.idx.msk [tilespmem:v40+s23+$0x0], $0xffff  }
0x5a: {  	v57 =	vor.u32 v1, v29;
	[tilespmem:s0+$0xFFFFFE40] =	vst v24;
	v30 =	vmul.f32 v41, v30;
	v45 =	vld [tilespmem:s20+$0xFFFFFE00]  }
0x5b: {  	v26 =	vmul.f32 v42, v26;
	v46 =	vld [tilespmem:s20+$0xFFFFFE50];
	[tilespmem:s0+$0xFFFFFE90] =	vst v53  }
0x5c: {  	v59 =	vmul.f32 v51, v32;
	[tilespmem:s0+$0xFFFFFEE0] =	vst v30;
	v36 =	vld.idx.msk [tilespmem:v50+s23+$0x0], $0xffff  }
0x5d: {  	[tilespmem:s0+$0xFFFFFF30] =	vst v26;
	v61 =	vld.idx.msk [tilespmem:v52+s23+$0x0], $0xffff  }
0x5e: {  	v49 =	vor.u32 v1, v5;
	[tilespmem:s0+$0xFFFFFF80] =	vst v59;
	v26 =	vld.idx.msk [tilespmem:v54+s23+$0x0], $0xffff  }
0x5f: {  	v63 =	vld.idx.msk [tilespmem:v57+s23+$0x0], $0xffff  }
0x60: {  	v47 =	vld [tilespmem:s20+$0xFFFFFEA0]  }
0x61: {  	v38 =	vor.u32 v1, v31;
	v48 =	vld [tilespmem:s20+$0xFFFFFEF0]  }
0x62: {  	v52 =	vld [tilespmem:s20+$0xFFFFFF90]  }
0x63: {  	v33 =	vmul.f32 v34, v33;
	v34 =	vld.idx.msk [tilespmem:v49+s23+$0x0], $0xffff;
	v49 =	vor.u32 v2, v4  }
0x64: {  	v50 =	vld [tilespmem:s20+$0xFFFFFF40]  }
0x65: {  	v59 =	vor.u32 v2, v29;
	v54 =	vld [tilespmem:s20+$0xFFFFFDB0];
	[tilespmem:s0+$0xFFFFFFD0] =	vst v33;
	v24 =	vmul.f32 v45, v56  }
0x66: {  	v38 =	vld.idx.msk [tilespmem:v38+s23+$0x0], $0xffff  }
0x67: {  	v55 =	vld [tilespmem:s20+$0xFFFFFFE0];
	[tilespmem:s0+$0xFFFFFE00] =	vst v24;
	v6 =	vmul.f32 v52, v63  }
0x68: {  	v33 =	vmul.f32 v48, v61;
	v58 =	vld.idx.msk [tilespmem:v49+s23+$0x0], $0xffff  }
0x69: {  	v51 =	vor.u32 v2, v5;
	v42 =	vld [tilespmem:s20+$0xFFFFFE10];
	[tilespmem:s0+$0xFFFFFF90] =	vst v6  }
0x6a: {  	v22 =	vmul.f32 v54, v22;
	[tilespmem:s0+$0xFFFFFEF0] =	vst v33;
	v41 =	vld.idx.msk [tilespmem:v59+s23+$0x0], $0xffff  }
0x6b: {  	v53 =	vor.u32 v2, v23;
	v34 =	vmul.f32 v46, v34;
	v45 =	vld [tilespmem:s20+$0xFFFFFF00]  }
0x6c: {  	v60 =	vor.u32 v2, v31;
	v56 =	vmul.f32 v47, v36;
	[tilespmem:s0+$0xFFFFFDB0] =	vst v22;
	v47 =	vld [tilespmem:s20+$0xFFFFFFA0]  }
0x6d: {  	[tilespmem:s0+$0xFFFFFE50] =	vst v34;
	v48 =	vld [tilespmem:s20+$0xFFFFFDC0]  }
0x6e: {  	v61 =	vor.u32 v2, v7;
	v62 =	vmul.f32 v55, v38;
	v30 =	vld.idx.msk [tilespmem:v51+s23+$0x0], $0xffff  }
0x6f: {  	[tilespmem:s0+$0xFFFFFEA0] =	vst v56;
	v55 =	vor.u32 v2, v25;
	v43 =	vld [tilespmem:s20+$0xFFFFFE60]  }
0x70: {  	v57 =	vor.u32 v2, v28;
	[tilespmem:s0+$0xFFFFFFE0] =	vst v62;
	v62 =	vld.idx.msk [tilespmem:v53+s23+$0x0], $0xffff  }
0x71: {  	v27 =	vld.idx.msk [tilespmem:v60+s23+$0x0], $0xffff  }
0x72: {  	v29 =	vor.u32 v3, v29;
	v44 =	vld [tilespmem:s20+$0xFFFFFFF0];
	v60 =	vmul.f32 v50, v26  }
0x73: {  	v26 =	vld.idx.msk [tilespmem:v61+s23+$0x0], $0xffff  }
0x74: {  	v22 =	vmul.f32 v47, v41;
	[tilespmem:s0+$0xFFFFFF40] =	vst v60;
	v63 =	vld.idx.msk [tilespmem:v55+s23+$0x0], $0xffff  }
0x75: {  	v5 =	vor.u32 v3, v5;
	v40 =	vld.idx.msk [tilespmem:v57+s23+$0x0], $0xffff  }
0x76: {  	v46 =	vld [tilespmem:s20+$0xFFFFFF50];
	[tilespmem:s0+$0xFFFFFFA0] =	vst v22  }
0x77: {  	v31 =	vor.u32 v3, v31;
	v30 =	vmul.f32 v43, v30;
	v54 =	vld.idx.msk [tilespmem:v29+s23+$0x0], $0xffff  }
0x78: {  	v10 =	vmul.f32 @p2 v17, v10;
	v61 =	vld [tilespmem:s20+$0xFFFFFFB0]  }
0x79: {  	v51 =	vor.u32 v3, v7;
	[tilespmem:s0+$0xFFFFFE60] =	vst v30;
	v27 =	vmul.f32 v44, v27;
	v44 =	vld [tilespmem:s20+$0xFFFFFEB0]  }
0x7a: {  	[tilespmem:s3+$0xFFFFFE70] =	vst @p2 v10;
	v4 =	vor.u32 v3, v4;
	v5 =	vld.idx.msk [tilespmem:v5+s23+$0x0], $0xffff;
	v52 =	vmul.f32 v48, v26  }
0x7b: {  	v25 =	vor.u32 v3, v25;
	v56 =	vld [tilespmem:s20+$0xFFFFFE70];
	[tilespmem:s0+$0xFFFFFFF0] =	vst v27;
	v27 =	vmul.f32 v42, v58  }
0x7c: {  	v24 =	vmul.f32 v45, v63;
	[tilespmem:s0+$0xFFFFFDC0] =	vst v52;
	v31 =	vld.idx.msk [tilespmem:v31+s23+$0x0], $0xffff  }
0x7d: {  	v50 =	vld [tilespmem:s20+$0x0];
	v6 =	vmul.f32 v46, v40;
	[tilespmem:s0+$0xFFFFFE10] =	vst v27  }
0x7e: {  	v7 =	vld.idx.msk [tilespmem:v51+s23+$0x0], $0xffff;
	[tilespmem:s0+$0xFFFFFF00] =	vst v24;
	v49 =	vmul.f32 v44, v62  }
0x7f: {  	v23 =	vor.u32 v3, v23;
	v4 =	vld.idx.msk [tilespmem:v4+s23+$0x0], $0xffff;
	[tilespmem:s0+$0xFFFFFF50] =	vst v6;
	v6 =	vmul.f32 @p2 v16, v9  }
0x80: {  	v25 =	vld.idx.msk [tilespmem:v25+s23+$0x0], $0xffff;
	v5 =	vmul.f32 v56, v5;
	[tilespmem:s0+$0xFFFFFEB0] =	vst v49  }
0x81: {  	v28 =	vor.u32 v3, v28;
	v55 =	vld [tilespmem:s20+$0xFFFFFE20];
	[tilespmem:s3+$0xFFFFFE20] =	vst @p2 v6;
	v6 =	vmul.f32 @p2 v8, v11  }
0x82: {  	v58 =	vld [tilespmem:s20+$0xFFFFFF10];
	v8 =	vmul.f32 @p2 v18, v12;
	[tilespmem:s0+$0xFFFFFE70] =	vst v5  }
0x83: {  	v62 =	vld [tilespmem:s20+$0xFFFFFDD0];
	v59 =	vmul.f32 v50, v31;
	[tilespmem:s3+$0xFFFFFEC0] =	vst @p2 v6  }
0x84: {  	v23 =	vld.idx.msk [tilespmem:v23+s23+$0x0], $0xffff;
	v6 =	vmul.f32 @p2 v19, v13;
	[tilespmem:s3+$0xFFFFFF10] =	vst @p2 v8  }
0x85: {  	v57 =	vld [tilespmem:s20+$0xFFFFFEC0];
	v8 =	vmul.f32 @p2 v20, v14;
	[tilespmem:s0+$0x0] =	vst v59  }
0x86: {  	v53 =	vld.idx.msk [tilespmem:v28+s23+$0x0], $0xffff;
	v13 =	vmul.f32 @p2 v21, v15;
	[tilespmem:s3+$0xFFFFFF60] =	vst @p2 v6  }
0x87: {  	v60 =	vld [tilespmem:s20+$0xFFFFFF60];
	v4 =	vmul.f32 v55, v4;
	[tilespmem:s3+$0xFFFFFFB0] =	vst @p2 v8  }
0x88: {  	v5 =	vmul.f32 v58, v25;
	[tilespmem:s3+$0xFFFFFDD0] =	vst @p2 v13  }
0x89: {  	v63 =	vmul.f32 v62, v7;
	[tilespmem:s0+$0xFFFFFE20] =	vst v4  }
0x8a: {  	[tilespmem:s0+$0xFFFFFF10] =	vst v5;
	v4 =	vmul.f32 v57, v23  }
0x8b: {  	v5 =	vmul.f32 v61, v54;
	[tilespmem:s0+$0xFFFFFDD0] =	vst v63  }
0x8c: {  	s2 =	sshll.u32 s2, $0x7;
	[tilespmem:s0+$0xFFFFFEC0] =	vst v4;
	v4 =	vmul.f32 v60, v53  }
0x8d: {  	s2 =	sand.u32 $0x3FFFFF80, s2;
	[tilespmem:s0+$0xFFFFFFB0] =	vst v5  }
0x8e: {  	s21 =	sadd.s32 $0x2780, s2;
	[tilespmem:s0+$0xFFFFFF60] =	vst v4  }
0x8f: {  	[spmem:s4] =	stream.indirect.scatter.add.f32 [tilespmem:s25], [sflag:$0x4], $0x50, s21, s19, $0xb8;
	[tilespmem:$0x1C250] =	vst v63  }
.LBB2_22:
0x90: {  	s31 =	sadd.s32 $0x1, s31  }
0x91: {  	p2 =	sne.s32 s31, $0x28  }
.Ltmp3:
0x92: {  	_ = 	snop;
	(pc) =	sbr.rel @!p2 .LBB2_23-.Ltmp3, $1  }
0x93: {  	_ =	sdelay $0x3  }
.LBB2_2:
0x94: {  	s2 =	sshllo.u32 s31, $0x1  }
0x95: {  	p2 =	sge.u32 s2, s30  }
0x96: {  	s3 =	sshll.u32 @!p2 s2, $0x7;
	s8 =	simm.s32 @!p2 $0x80;
	s0 =	simm.s32 @!p2 $0x7700  }
0x97: {  	[tilespmem:s0], [sflag:$0x2] =	stream.indirect.gather @!p2 [hbm4b:s6+s8], $0x50, s3, s8, $0xb8;
	[tilespmem:$0x1C250] =	vst v63  }
0x98: {  	s0 =	sshll.u32 s31, $0x1  }
0x99: {  	p3 =	sge.u32 s0, s30  }
.Ltmp4:
0x9a: {  	_ = 	snop;
	(pc) =	sbr.rel @p3 .LBB2_12-.Ltmp4, $3  }
0x9b: {  	_ =	sdelay $0x1  }
0x9c: {  	s9 =	simm.s32 @!p2 $0xA700;
	s3 =	sadd.s32 @!p2 $0x2780, s3  }
0x9d: {  	[tilespmem:s9], [sflag:$0x2] =	stream.indirect.gather @!p2 [hbm4b:s1+s8], $0x10, s3, s8, $0xb8;
	[tilespmem:$0x1C250] =	vst v63  }
0x9e: {  	_ =	swait.ge [sflag:s22], $0x2800  }
0x9f: {  	[sflag:s22] =	ssyncset.done $0x0  }
0xa0: {  	[sflag:s22] =	ssyncadd.s32 $0xFFFFD800  }
0xa1: {  	_ =	swait.ge [sflag:s22], $0x800  }
0xa2: {  	p3 =	seq.s32 s31, $0x0;
	[sflag:s22] =	ssyncset.done $0x0  }
0xa3: {  	s3 =	simm.s32 @!p3 $0x3;
	[sflag:s22] =	ssyncadd.s32 $0xFFFFF800  }
0xa4: {  	_ =	swait.ge @!p3 [sflag:s3], $0x2800  }
0xa5: {  	[sflag:s3] =	ssyncset.done @!p3 $0x0  }
0xa6: {  	s18 =	simm.s32 $0x4FE0;
	[sflag:s3] =	ssyncadd.s32 @!p3 $0xFFFFD800  }
0xa7: {  	s8 =	simm.s32 $0x9F20;
	v4 =	vld [tilespmem:s18+$0x50]  }
0xa8: {  	v5 =	vld [tilespmem:s8+$0x10]  }
0xa9: {  	v6 =	vld [tilespmem:s8+$0xFFFFFFE0]  }
0xaa: {  	v7 =	vld [tilespmem:s18+$0xFFFFFFB0]  }
0xab: {  	v8 =	vld [tilespmem:s8+$0xFFFFFFF0]  }
0xac: {  	v9 =	vld [tilespmem:s18+$0x0]  }
0xad: {  	s20 =	simm.s32 $0x5120;
	v10 =	vld [tilespmem:s8+$0x0];
	v4 =	vadd.f32 v5, v4  }
0xae: {  	v11 =	vld [tilespmem:s20+$0x50]  }
0xaf: {  	s21 =	simm.s32 $0x9F60;
	v5 =	vld [tilespmem:s18+$0xFFFFFF60];
	v12 =	vmul.f32 $2.000000030e-01, v4  }
0xb0: {  	v13 =	vld [tilespmem:s21+$0x10]  }
0xb1: {  	v14 =	vld [tilespmem:s21+$0xFFFFFFE0];
	v4 =	vmax.f32 v4, v12  }
0xb2: {  	v15 =	vld [tilespmem:s21+$0x0];
	v7 =	vadd.f32 v8, v7;
	v4 =	vmul.f32 $1.442695020e+00, v4  }
0xb3: {  	v8 =	vld [tilespmem:s20+$0xFFFFFFB0];
	v9 =	vadd.f32 v10, v9  }
0xb4: {  	v10 =	vld [tilespmem:s21+$0xFFFFFFF0];
	v12 =	vmul.f32 $2.000000030e-01, v7;
	v5 =	vadd.f32 v6, v5;
	(erf) = vpow2.f32 v4  }
0xb5: {  	s9 =	simm.s32 $0x5260;
	v6 =	vld [tilespmem:s20+$0x0];
	v4 =	vmul.f32 $2.000000030e-01, v9  }
0xb6: {  	v16 =	vld [tilespmem:s9+$0x50];
	v11 =	vadd.f32 v13, v11;
	v7 =	vmax.f32 v7, v12;
	v12 =	vmul.f32 $2.000000030e-01, v5  }
0xb7: {  	s8 =	simm.s32 $0x9FA0;
	v13 =	vld [tilespmem:s20+$0xFFFFFF60];
	v7 =	vmul.f32 $1.442695020e+00, v7;
	v4 =	vmax.f32 v9, v4  }
0xb8: {  	v9 =	vmul.f32 $2.000000030e-01, v11;
	v5 =	vmax.f32 v5, v12;
	v12 =	vld [tilespmem:s8+$0x10];
	v4 =	vmul.f32 $1.442695020e+00, v4  }
0xb9: {  	v8 =	vadd.f32 v10, v8;
	(erf) = vpow2.f32 v7;
	v10 =	vmul.f32 $1.442695020e+00, v5;
	v5 =	vld [tilespmem:s8+$0xFFFFFFE0]  }
0xba: {  	v15 =	vadd.f32 v15, v6;
	v7 =	vmax.f32 v11, v9;
	(erf) = vpow2.f32 v4;
	v4 =	vld [tilespmem:s9+$0xFFFFFFB0]  }
0xbb: {  	v11 =	vmul.f32 $2.000000030e-01, v8;
	v17 =	vmul.f32 $1.442695020e+00, v7;
	v7 =	vld [tilespmem:s8+$0xFFFFFFF0]  }
0xbc: {  	v6 =	vld [tilespmem:s9+$0x0];
	v9 =	vadd.f32 v14, v13;
	v14 =	vmul.f32 $2.000000030e-01, v15;
	(erf) = vpow2.f32 v10  }
0xbd: {  	s3 =	simm.s32 $0xAFE0;
	s20 =	simm.s32 $0x53A0;
	v10 =	vmax.f32 v8, v11;
	v8 =	vld [tilespmem:s8+$0x0];
	(erf) = vpow2.f32 v17;
	v11 =	vadd.f32 v12, v16;
	v63 =	vpop (erf)  }
0xbe: {  	s18 =	simm.s32 $0x8;
	v13 =	vmul.f32 $2.000000030e-01, v9;
	v12 =	vmul.f32 $1.442695020e+00, v10;
	v10 =	vld [tilespmem:s9+$0xFFFFFF60];
	v14 =	vmax.f32 v15, v14;
	[tilespmem:s3+$0x50] =	vst v63  }
.LBB2_4:
0xbf: {  	v16 =	vmul.f32 $2.000000030e-01, v11  }
0xc0: {  	v15 =	vld [tilespmem:s20+$0x50];
	s8 =	sadd.s32 $0x40, s8;
	v20 =	vmax.f32 v9, v13;
	v13 =	vmul.f32 $1.442695020e+00, v14;
	v17 =	vadd.f32 v7, v4  }
0xc1: {  	s18 =	sadd.s32 $0x4, s18;
	v14 =	vld [tilespmem:s8+$0x10];
	v18 =	vmul.f32 $1.442695020e+00, v20;
	(erf) = vpow2.f32 v12;
	v7 =	vmax.f32 v11, v16  }
0xc2: {  	p3 =	slt.u32 s18, $0x7C;
	v19 =	vld [tilespmem:s8+$0xFFFFFFE0];
	(erf) = vpow2.f32 v13;
	v9 =	vpop (erf);
	v11 =	vmul.f32 $2.000000030e-01, v17;
	v16 =	vadd.f32 v8, v6  }
.Ltmp5:
0xc3: {  	v4 =	vld [tilespmem:s20+$0xFFFFFFB0];
	v8 =	vmul.f32 $1.442695020e+00, v7;
	[tilespmem:s3+$0xFFFFFFB0] =	vst v9;
	v6 =	vpop (erf);
	v9 =	vadd.f32 v5, v10;
	(pc) =	sbr.rel @p3 .LBB2_4-.Ltmp5, $4  }
0xc4: {  	v7 =	vld [tilespmem:s8+$0xFFFFFFF0];
	(erf) = vpow2.f32 v18;
	[tilespmem:s3+$0x0] =	vst v6;
	v18 =	vmax.f32 v17, v11;
	v17 =	vmul.f32 $2.000000030e-01, v16  }
0xc5: {  	v6 =	vld [tilespmem:s20+$0x0];
	(erf) = vpow2.f32 v8;
	v10 =	vpop (erf);
	v13 =	vmul.f32 $2.000000030e-01, v9  }
0xc6: {  	v8 =	vld [tilespmem:s8+$0x0];
	v11 =	vadd.f32 v14, v15;
	v12 =	vmul.f32 $1.442695020e+00, v18;
	v5 =	vpop (erf);
	[tilespmem:s3+$0xFFFFFF60] =	vst v10;
	s3 =	sadd.s32 $0x140, s3  }
0xc7: {  	v10 =	vld [tilespmem:s20+$0xFFFFFF60];
	s20 =	sadd.s32 $0x140, s20;
	v14 =	vmax.f32 v16, v17;
	[tilespmem:s3+$0x50] =	vst v5;
	v5 =	vmov v19  }
0xc8: {  	_ = 	snop  }
0xc9: {  	v4 =	vadd.f32 v7, v4  }
0xca: {  	v15 =	vmul.f32 $2.000000030e-01, v11;
	v9 =	vmax.f32 v9, v13;
	v7 =	vmul.f32 $1.442695020e+00, v14  }
0xcb: {  	(erf) = vpow2.f32 v12;
	v6 =	vadd.f32 v8, v6;
	v8 =	vmul.f32 $2.000000030e-01, v4  }
0xcc: {  	v9 =	vmul.f32 $1.442695020e+00, v9;
	v55 =	vmax.f32 v11, v15;
	(erf) = vpow2.f32 v7  }
0xcd: {  	v5 =	vadd.f32 v5, v10;
	v7 =	vmul.f32 $2.000000030e-01, v6;
	v4 =	vmax.f32 v4, v8  }
0xce: {  	v10 =	vmul.f32 $1.442695020e+00, v55;
	v4 =	vmul.f32 $1.442695020e+00, v4  }
0xcf: {  	(erf) = vpow2.f32 v9;
	v8 =	vmul.f32 $2.000000030e-01, v5;
	v6 =	vmax.f32 v6, v7  }
0xd0: {  	(erf) = vpow2.f32 v10;
	v6 =	vmul.f32 $1.442695020e+00, v6  }
0xd1: {  	s8 =	simm.s32 $0x0;
	v5 =	vmax.f32 v5, v8;
	(erf) = vpow2.f32 v4  }
0xd2: {  	v5 =	vmul.f32 $1.442695020e+00, v5;
	v4 =	vpop (erf);
	(erf) = vpow2.f32 v6;
	v6 =	vmov s8;
	_ =	sdelay $0x1  }
0xd3: {  	[tilespmem:s3+$0xFFFFFFB0] =	vst v4;
	v4 =	vpop (erf);
	(erf) = vpow2.f32 v5  }
0xd4: {  	v5 =	vmul.u32 $0x50, v6;
	[tilespmem:s3+$0x0] =	vst v4;
	v6 =	vpop (erf)  }
0xd5: {  	v4 =	vpop (erf);
	[tilespmem:s3+$0xFFFFFF60] =	vst v6;
	s3 =	sadd.s32 $0x140, s3  }
0xd6: {  	s18 =	simm.s32 $0x5;
	v5 =	vadd.s32 $0x40, v5;
	v6 =	vpop (erf);
	[tilespmem:s3+$0x50] =	vst v4  }
0xd7: {  	s20 =	simm.s32 $0x4;
	v58 =	vmov s18;
	v7 =	vbroadcast v5, $0x0;
	[tilespmem:s3+$0xFFFFFFB0] =	vst v6;
	v4 =	vpop (erf)  }
0xd8: {  	s21 =	simm.s32 $0x1;
	s9 =	simm.s32 $0x2;
	s10 =	simm.s32 $0x3;
	v57 =	vmov s20;
	v11 =	vmul.u32 $0x50, v58;
	[tilespmem:s3+$0x0] =	vst v4;
	v4 =	vpop (erf)  }
0xd9: {  	p4 =	por $0x1, $0x1;
	v5 =	vor.u32 v0, v7;
	v6 =	vmov s21;
	s21 =	simm.s32 $0x6;
	v56 =	vpop (erf);
	[tilespmem:s3+$0xFFFFFF60] =	vst v4;
	s3 =	sadd.s32 $0x140, s3;
	v4 =	vmov s10  }
.Ltmp6:
0xda: {  	v10 =	vmul.u32 $0x50, v57;
	v8 =	vmov s9;
	v60 =	vmov s21;
	[tilespmem:s3+$0x50] =	vst v56;
	v59 =	vpop (erf);
	(pc) =	sbr.rel @!p4 .LBB2_6-.Ltmp6, $4  }
0xdb: {  	v8 =	vmul.u32 $0x50, v8;
	v6 =	vmul.u32 $0x50, v6;
	v63 =	vmul.u32 $0x50, v60;
	[tilespmem:s3+$0xFFFFFFB0] =	vst v59;
	v61 =	vpop (erf)  }
0xdc: {  	v20 =	vadd.s32 $0x40, v11;
	v19 =	vadd.s32 $0x40, v10;
	v62 =	vmul.u32 $0x50, v4;
	[tilespmem:s3+$0x0] =	vst v61;
	v4 =	vpop (erf)  }
0xdd: {  	p3 =	por $0x0, $0x0;
	s20 =	simm.s32 $0xB040;
	v8 =	vadd.s32 $0x40, v8;
	v6 =	vadd.s32 $0x40, v6;
	v21 =	vadd.s32 $0x40, v63;
	[tilespmem:s3+$0xFFFFFF60] =	vst v4  }
0xde: {  	s9 =	simm.s32 $0x7;
	s21 =	simm.s32 $0x5040;
	v18 =	vadd.s32 $0x40, v62;
	v4 =	vbroadcast v6, $0x0;
	s3 =	simm.s32 $0x8;
	v6 =	vld.idx.msk [tilespmem:v5+s23+$0x0], $0xffff;
	v5 =	vbroadcast v8, $0x0  }
0xdf: {  	v14 =	vbroadcast v20, $0x0;
	v20 =	vld [tilespmem:s21+$0xF0]  }
0xe0: {  	v10 =	vmov s9;
	v15 =	vbroadcast v21, $0x0;
	v21 =	vld [tilespmem:s21+$0xFFFFFEC0]  }
0xe1: {  	v9 =	vbroadcast v18, $0x0;
	v22 =	vld [tilespmem:s21+$0xFFFFFF10];
	v8 =	vor.u32 v0, v4;
	v10 =	vmul.u32 $0x50, v10  }
0xe2: {  	v12 =	vbroadcast v19, $0x0;
	v23 =	vld [tilespmem:s21+$0xFFFFFF60];
	v11 =	vor.u32 v0, v5  }
0xe3: {  	v25 =	vld [tilespmem:s21+$0xFFFFFFB0];
	v13 =	vor.u32 v0, v9;
	v10 =	vadd.s32 $0x40, v10  }
0xe4: {  	v27 =	vld [tilespmem:s21+$0x0];
	v16 =	vor.u32 v0, v12;
	v10 =	vbroadcast v10, $0x0  }
0xe5: {  	v28 =	vld [tilespmem:s21+$0x50];
	v17 =	vor.u32 v0, v14  }
0xe6: {  	v8 =	vld.idx.msk [tilespmem:v8+s23+$0x0], $0xffff;
	v19 =	vor.u32 v0, v10  }
0xe7: {  	v18 =	vor.u32 v0, v15;
	v11 =	vld.idx.msk [tilespmem:v11+s23+$0x0], $0xffff  }
0xe8: {  	v13 =	vld.idx.msk [tilespmem:v13+s23+$0x0], $0xffff  }
0xe9: {  	v26 =	vor.u32 v1, v4;
	v16 =	vld.idx.msk [tilespmem:v16+s23+$0x0], $0xffff  }
0xea: {  	v6 =	vmul.f32 v21, v6;
	v17 =	vld.idx.msk [tilespmem:v17+s23+$0x0], $0xffff  }
0xeb: {  	v19 =	vld.idx.msk [tilespmem:v19+s23+$0x0], $0xffff;
	v8 =	vmul.f32 v22, v8;
	v22 =	vor.u32 v1, v9  }
0xec: {  	v18 =	vld.idx.msk [tilespmem:v18+s23+$0x0], $0xffff;
	[tilespmem:s20+$0xFFFFFEC0] =	vst v6;
	v11 =	vmul.f32 v23, v11  }
0xed: {  	v57 =	vld [tilespmem:s21+$0xFFFFFED0];
	[tilespmem:s20+$0xFFFFFF10] =	vst v8;
	v8 =	vmul.f32 v25, v13  }
0xee: {  	v24 =	vor.u32 v1, v10;
	[tilespmem:s20+$0xFFFFFF60] =	vst v11;
	v26 =	vld.idx.msk [tilespmem:v26+s23+$0x0], $0xffff  }
0xef: {  	v21 =	vld [tilespmem:s21+$0xFFFFFF70];
	[tilespmem:s20+$0xFFFFFFB0] =	vst v8  }
0xf0: {  	v13 =	vor.u32 v1, v14;
	v8 =	vmul.f32 v28, v17;
	v19 =	vmul.f32 v20, v19;
	v17 =	vld.idx.msk [tilespmem:v22+s23+$0x0], $0xffff  }
0xf1: {  	v53 =	vor.u32 v1, v7;
	v22 =	vld [tilespmem:s21+$0xFFFFFFC0]  }
0xf2: {  	[tilespmem:s20+$0xF0] =	vst v19;
	v19 =	vld [tilespmem:s21+$0xA0]  }
0xf3: {  	v20 =	vor.u32 v1, v5;
	v24 =	vld.idx.msk [tilespmem:v24+s23+$0x0], $0xffff  }
0xf4: {  	v23 =	vor.u32 v1, v12;
	[tilespmem:s20+$0x50] =	vst v8;
	v52 =	vld [tilespmem:s21+$0x100]  }
0xf5: {  	v11 =	vmul.f32 v27, v16;
	v16 =	vor.u32 v1, v15;
	v8 =	vld.idx.msk [tilespmem:v13+s23+$0x0], $0xffff  }
0xf6: {  	v13 =	vld.idx.msk [tilespmem:v53+s23+$0x0], $0xffff  }
0xf7: {  	[tilespmem:s20+$0x0] =	vst v11;
	v55 =	vld [tilespmem:s21+$0x60];
	v11 =	vmul.f32 v19, v18;
	v18 =	vor.u32 v2, v10  }
0xf8: {  	v20 =	vld.idx.msk [tilespmem:v20+s23+$0x0], $0xffff  }
0xf9: {  	v19 =	vld.idx.msk [tilespmem:v23+s23+$0x0], $0xffff;
	[tilespmem:s20+$0xA0] =	vst v11;
	v11 =	vmul.f32 v52, v24  }
0xfa: {  	v6 =	vld.idx.msk [tilespmem:v16+s23+$0x0], $0xffff  }
0xfb: {  	v56 =	vld [tilespmem:s21+$0xB0];
	[tilespmem:s20+$0x100] =	vst v11  }
0xfc: {  	v17 =	vmul.f32 v22, v17;
	v11 =	vld.idx.msk [tilespmem:v18+s23+$0x0], $0xffff  }
0xfd: {  	v16 =	vld [tilespmem:s21+$0x110]  }
0xfe: {  	v23 =	vld [tilespmem:s21+$0x10];
	[tilespmem:s20+$0xFFFFFFC0] =	vst v17;
	v8 =	vmul.f32 v55, v8;
	v17 =	vor.u32 v2, v7  }
0xff: {  	v22 =	vor.u32 v2, v15;
	v13 =	vmul.f32 v57, v13;
	v18 =	vld [tilespmem:s21+$0xFFFFFF20]  }
0x100: {  	v10 =	vor.u32 v3, v10;
	v59 =	vld [tilespmem:s21+$0xFFFFFFD0];
	[tilespmem:s20+$0x60] =	vst v8  }
0x101: {  	[tilespmem:s20+$0xFFFFFED0] =	vst v13;
	v61 =	vld [tilespmem:s21+$0x70];
	v6 =	vmul.f32 v56, v6  }
0x102: {  	v29 =	vld [tilespmem:s21+$0xFFFFFEE0];
	v11 =	vmul.f32 v16, v11  }
0x103: {  	v54 =	vor.u32 v2, v4;
	v8 =	vmov s3;
	v17 =	vld.idx.msk [tilespmem:v17+s23+$0x0], $0xffff;
	[tilespmem:s20+$0xB0] =	vst v6  }
0x104: {  	v16 =	vor.u32 v2, v5;
	v18 =	vmul.f32 v18, v26;
	v6 =	vmul.u32 $0x50, v8;
	v13 =	vld.idx.msk [tilespmem:v22+s23+$0x0], $0xffff;
	[tilespmem:s20+$0x110] =	vst v11  }
0x105: {  	v10 =	vld.idx.msk [tilespmem:v10+s23+$0x0], $0xffff  }
0x106: {  	v58 =	vor.u32 v2, v9;
	v11 =	vmul.f32 v21, v20;
	[tilespmem:s20+$0xFFFFFF20] =	vst v18;
	v6 =	vadd.s32 $0x40, v6;
	v21 =	vld [tilespmem:s21+$0x120]  }
0x107: {  	v20 =	vor.u32 v2, v12;
	v8 =	vbroadcast v6, $0x0;
	v6 =	vld [tilespmem:s21+$0xFFFFFF30]  }
0x108: {  	[tilespmem:s20+$0xFFFFFF70] =	vst v11;
	v11 =	vmul.f32 v23, v19;
	v19 =	vld.idx.msk [tilespmem:v54+s23+$0x0], $0xffff  }
0x109: {  	v18 =	vor.u32 v2, v14;
	v16 =	vld.idx.msk [tilespmem:v16+s23+$0x0], $0xffff  }
0x10a: {  	v22 =	vld [tilespmem:s21+$0xFFFFFF80]  }
0x10b: {  	[tilespmem:s20+$0x10] =	vst v11;
	v11 =	vld.idx.msk [tilespmem:v58+s23+$0x0], $0xffff  }
0x10c: {  	v23 =	vor.u32 v0, v8;
	v20 =	vld.idx.msk [tilespmem:v20+s23+$0x0], $0xffff  }
0x10d: {  	v4 =	vor.u32 v3, v4;
	v60 =	vld [tilespmem:s21+$0x20]  }
0x10e: {  	v5 =	vor.u32 v3, v5;
	v18 =	vld.idx.msk [tilespmem:v18+s23+$0x0], $0xffff  }
0x10f: {  	v62 =	vor.u32 v3, v9;
	v15 =	vor.u32 v3, v15;
	v63 =	vld [tilespmem:s21+$0xC0];
	v19 =	vmul.f32 v6, v19  }
0x110: {  	v12 =	vor.u32 v3, v12;
	v21 =	vmul.f32 v21, v10;
	v10 =	vmul.f32 v22, v16  }
0x111: {  	v14 =	vor.u32 v3, v14;
	v6 =	vld.idx.msk [tilespmem:v23+s23+$0x0], $0xffff;
	[tilespmem:s20+$0xFFFFFF30] =	vst v19;
	v11 =	vmul.f32 v59, v11  }
0x112: {  	v7 =	vor.u32 v3, v7;
	v9 =	vld.idx.msk [tilespmem:v4+s23+$0x0], $0xffff;
	[tilespmem:s20+$0xFFFFFF80] =	vst v10;
	v4 =	vmul.f32 v60, v20  }
0x113: {  	s10 =	simm.s32 $0x9;
	s8 =	simm.s32 $0xB;
	v17 =	vmul.f32 v29, v17;
	v10 =	vld.idx.msk [tilespmem:v5+s23+$0x0], $0xffff;
	[tilespmem:s20+$0xFFFFFFD0] =	vst v11;
	v5 =	vmul.f32 v61, v18  }
0x114: {  	s9 =	simm.s32 $0xC;
	v16 =	vmov s10;
	s10 =	simm.s32 $0xD;
	v19 =	vmov s8;
	v11 =	vld.idx.msk [tilespmem:v62+s23+$0x0], $0xffff;
	[tilespmem:s20+$0x20] =	vst v4;
	v4 =	vmul.f32 v63, v13  }
0x115: {  	s18 =	simm.s32 $0xA;
	p4 =	por $0x1, $0x1;
	v22 =	vmov s10;
	v20 =	vmov s9;
	v19 =	vmul.u32 $0x50, v19;
	v12 =	vld.idx.msk [tilespmem:v12+s23+$0x0], $0xffff;
	[tilespmem:s20+$0x70] =	vst v5  }
.Ltmp7:
0x116: {  	v22 =	vmul.u32 $0x50, v22;
	v18 =	vmov s18;
	s18 =	simm.s32 $0xE;
	v5 =	vmul.u32 $0x50, v16;
	v13 =	vld.idx.msk [tilespmem:v14+s23+$0x0], $0xffff;
	[tilespmem:s20+$0xC0] =	vst v4;
	(pc) =	sbr.rel @!p4 .LBB2_8-.Ltmp7, $4  }
0x117: {  	[tilespmem:s20+$0xFFFFFEE0] =	vst v17;
	v20 =	vmul.u32 $0x50, v20;
	v16 =	vmul.u32 $0x50, v18;
	v18 =	vmov s18;
	v14 =	vld.idx.msk [tilespmem:v15+s23+$0x0], $0xffff  }
0x118: {  	v17 =	vmul.u32 $0x50, v18;
	v18 =	vadd.s32 $0x40, v19;
	v4 =	vadd.s32 $0x40, v5;
	v15 =	vld.idx.msk [tilespmem:v7+s23+$0x0], $0xffff  }
0x119: {  	p3 =	por $0x1, $0x1;
	s3 =	simm.s32 $0xB040;
	v19 =	vadd.s32 $0x40, v20;
	v5 =	vadd.s32 $0x40, v16;
	v16 =	vld [tilespmem:s21+$0xFFFFFF40];
	v4 =	vbroadcast v4, $0x0  }
0x11a: {  	[tilespmem:s20+$0x120] =	vst v21;
	s8 =	simm.s32 $0x10;
	s9 =	simm.s32 $0xF;
	s18 =	simm.s32 $0x5040;
	v20 =	vadd.s32 $0x40, v22;
	v5 =	vbroadcast v5, $0x0;
	v21 =	vadd.s32 $0x40, v17;
	v17 =	vld [tilespmem:s21+$0xFFFFFF90]  }
.LBB2_9:
0x11b: {  	p4 =	slt.u32 s8, $0x78;
	v22 =	vor.u32 v0, v4;
	v18 =	vbroadcast v18, $0x0;
	v7 =	vmov s9;
	v23 =	vld [tilespmem:s18+$0xFFFFFFE0]  }
0x11c: {  	v19 =	vbroadcast v19, $0x0;
	v24 =	vor.u32 v0, v5;
	v25 =	vmul.u32 $0x50, v7;
	v26 =	vld [tilespmem:s18+$0x30]  }
0x11d: {  	v20 =	vbroadcast v20, $0x0;
	v7 =	vbroadcast v21, $0x0;
	v27 =	vor.u32 v0, v18;
	v21 =	vld [tilespmem:s18+$0x80]  }
0x11e: {  	v28 =	vor.u32 v0, v19;
	v25 =	vadd.s32 $0x40, v25;
	v9 =	vmul.f32 v16, v9;
	v16 =	vld [tilespmem:s18+$0xD0]  }
0x11f: {  	v29 =	vor.u32 v0, v20;
	v25 =	vbroadcast v25, $0x0;
	v30 =	vld [tilespmem:s18+$0xFFFFFEF0];
	v10 =	vmul.f32 v17, v10  }
0x120: {  	v17 =	vld.idx.msk [tilespmem:v22+s23+$0x0], $0xffff;
	v22 =	vor.u32 v0, v7;
	[tilespmem:s3+$0xFFFFFF40] =	vst v9;
	v9 =	vmul.f32 v23, v11  }
0x121: {  	v11 =	vld.idx.msk [tilespmem:v24+s23+$0x0], $0xffff;
	v23 =	vor.u32 v0, v25;
	[tilespmem:s3+$0xFFFFFF90] =	vst v10;
	v10 =	vmul.f32 v26, v12  }
0x122: {  	v12 =	vld.idx.msk [tilespmem:v27+s23+$0x0], $0xffff;
	[tilespmem:s3+$0xFFFFFFE0] =	vst v9;
	v9 =	vmul.f32 v21, v13  }
0x123: {  	v13 =	vld.idx.msk [tilespmem:v28+s23+$0x0], $0xffff;
	[tilespmem:s3+$0x30] =	vst v10;
	v10 =	vmul.f32 v16, v14  }
0x124: {  	v14 =	vld.idx.msk [tilespmem:v29+s23+$0x0], $0xffff;
	v15 =	vmul.f32 v30, v15;
	[tilespmem:s3+$0x80] =	vst v9  }
0x125: {  	v9 =	vld.idx.msk [tilespmem:v22+s23+$0x0], $0xffff;
	[tilespmem:s3+$0xD0] =	vst v10  }
0x126: {  	s18 =	sadd.s32 $0x280, s18;
	v10 =	vld.idx.msk [tilespmem:v23+s23+$0x0], $0xffff;
	[tilespmem:s3+$0xFFFFFEF0] =	vst v15  }
0x127: {  	v15 =	vld [tilespmem:s18+$0xF0]  }
0x128: {  	v16 =	vld [tilespmem:s18+$0xFFFFFEC0]  }
0x129: {  	v21 =	vld [tilespmem:s18+$0xFFFFFF10]  }
0x12a: {  	v23 =	vor.u32 v1, v25;
	v22 =	vld [tilespmem:s18+$0xFFFFFF60]  }
0x12b: {  	v24 =	vld [tilespmem:s18+$0xFFFFFFB0]  }
0x12c: {  	v26 =	vor.u32 v1, v4;
	v27 =	vld [tilespmem:s18+$0x0];
	v10 =	vmul.f32 v15, v10  }
0x12d: {  	s3 =	sadd.s32 $0x280, s3;
	v15 =	vor.u32 v1, v5;
	v6 =	vmul.f32 v16, v6;
	v16 =	vld [tilespmem:s18+$0x50]  }
0x12e: {  	v17 =	vmul.f32 v21, v17;
	v21 =	vor.u32 v1, v18;
	v28 =	vld [tilespmem:s18+$0xA0];
	[tilespmem:s3+$0xF0] =	vst v10  }
0x12f: {  	v10 =	vor.u32 v1, v19;
	[tilespmem:s3+$0xFFFFFEC0] =	vst v6;
	v6 =	vmul.f32 v22, v11;
	v11 =	vld.idx.msk [tilespmem:v23+s23+$0x0], $0xffff  }
0x130: {  	[tilespmem:s3+$0xFFFFFF10] =	vst v17;
	v12 =	vmul.f32 v24, v12;
	v17 =	vor.u32 v1, v20;
	v22 =	vld [tilespmem:s18+$0x100]  }
0x131: {  	v23 =	vld.idx.msk [tilespmem:v26+s23+$0x0], $0xffff;
	[tilespmem:s3+$0xFFFFFF60] =	vst v6;
	v6 =	vmul.f32 v27, v13;
	v13 =	vor.u32 v1, v7  }
0x132: {  	v24 =	vor.u32 v1, v8;
	v15 =	vld.idx.msk [tilespmem:v15+s23+$0x0], $0xffff;
	[tilespmem:s3+$0xFFFFFFB0] =	vst v12;
	v12 =	vmul.f32 v16, v14  }
0x133: {  	v14 =	vld.idx.msk [tilespmem:v21+s23+$0x0], $0xffff;
	[tilespmem:s3+$0x0] =	vst v6;
	v6 =	vmul.f32 v28, v9;
	v9 =	vor.u32 v2, v25  }
0x134: {  	v10 =	vld.idx.msk [tilespmem:v10+s23+$0x0], $0xffff;
	[tilespmem:s3+$0x50] =	vst v12  }
0x135: {  	v12 =	vld.idx.msk [tilespmem:v17+s23+$0x0], $0xffff;
	[tilespmem:s3+$0xA0] =	vst v6;
	v6 =	vmul.f32 v22, v11  }
0x136: {  	v11 =	vld.idx.msk [tilespmem:v13+s23+$0x0], $0xffff  }
0x137: {  	v13 =	vld.idx.msk [tilespmem:v24+s23+$0x0], $0xffff;
	[tilespmem:s3+$0x100] =	vst v6  }
0x138: {  	v6 =	vld.idx.msk [tilespmem:v9+s23+$0x0], $0xffff  }
0x139: {  	v9 =	vld [tilespmem:s18+$0x110]  }
0x13a: {  	v16 =	vld [tilespmem:s18+$0xFFFFFF20]  }
0x13b: {  	v17 =	vld [tilespmem:s18+$0xFFFFFF70]  }
0x13c: {  	v22 =	vor.u32 v3, v25;
	v21 =	vld [tilespmem:s18+$0xFFFFFFC0]  }
0x13d: {  	v24 =	vld [tilespmem:s18+$0x10]  }
0x13e: {  	v25 =	vor.u32 v2, v4;
	v26 =	vld [tilespmem:s18+$0x60];
	v6 =	vmul.f32 v9, v6  }
0x13f: {  	v9 =	vmul.f32 v16, v23;
	v16 =	vor.u32 v2, v5;
	v23 =	vld [tilespmem:s18+$0xB0]  }
0x140: {  	v27 =	vld [tilespmem:s18+$0xFFFFFED0];
	v15 =	vmul.f32 v17, v15;
	v17 =	vor.u32 v2, v18;
	[tilespmem:s3+$0x110] =	vst v6  }
0x141: {  	[tilespmem:s3+$0xFFFFFF20] =	vst v9;
	v6 =	vmul.f32 v21, v14;
	v9 =	vor.u32 v2, v19;
	v14 =	vld.idx.msk [tilespmem:v22+s23+$0x0], $0xffff  }
0x142: {  	[tilespmem:s3+$0xFFFFFF70] =	vst v15;
	v10 =	vmul.f32 v24, v10;
	v15 =	vor.u32 v2, v20;
	v21 =	vld [tilespmem:s18+$0x120]  }
0x143: {  	v22 =	vld.idx.msk [tilespmem:v25+s23+$0x0], $0xffff;
	[tilespmem:s3+$0xFFFFFFC0] =	vst v6;
	v6 =	vmul.f32 v26, v12;
	v12 =	vor.u32 v2, v7  }
0x144: {  	v24 =	vor.u32 v2, v8;
	v16 =	vld.idx.msk [tilespmem:v16+s23+$0x0], $0xffff;
	[tilespmem:s3+$0x10] =	vst v10;
	v10 =	vmul.f32 v23, v11  }
0x145: {  	v11 =	vmul.f32 v27, v13;
	v13 =	vld.idx.msk [tilespmem:v17+s23+$0x0], $0xffff;
	[tilespmem:s3+$0x60] =	vst v6  }
0x146: {  	v6 =	vmov s8;
	v17 =	vld.idx.msk [tilespmem:v9+s23+$0x0], $0xffff;
	[tilespmem:s3+$0xB0] =	vst v10  }
0x147: {  	v6 =	vmul.u32 $0x50, v6;
	[tilespmem:s3+$0xFFFFFED0] =	vst v11;
	v11 =	vld.idx.msk [tilespmem:v15+s23+$0x0], $0xffff;
	v9 =	vmul.f32 v21, v14  }
0x148: {  	v12 =	vld.idx.msk [tilespmem:v12+s23+$0x0], $0xffff  }
0x149: {  	v6 =	vadd.s32 $0x40, v6;
	v14 =	vld.idx.msk [tilespmem:v24+s23+$0x0], $0xffff;
	[tilespmem:s3+$0x120] =	vst v9  }
0x14a: {  	v15 =	vbroadcast v6, $0x0;
	v6 =	vld [tilespmem:s18+$0xFFFFFF30]  }
0x14b: {  	v9 =	vld [tilespmem:s18+$0xFFFFFF80]  }
0x14c: {  	v10 =	vor.u32 v0, v15;
	v21 =	vld [tilespmem:s18+$0xFFFFFFD0]  }
0x14d: {  	v4 =	vor.u32 v3, v4;
	v23 =	vld [tilespmem:s18+$0x20]  }
0x14e: {  	v5 =	vor.u32 v3, v5;
	v24 =	vld [tilespmem:s18+$0x70]  }
0x14f: {  	v18 =	vor.u32 v3, v18;
	v22 =	vmul.f32 v6, v22;
	v25 =	vld [tilespmem:s18+$0xC0]  }
0x150: {  	v19 =	vor.u32 v3, v19;
	v26 =	vld [tilespmem:s18+$0xFFFFFEE0];
	v16 =	vmul.f32 v9, v16  }
0x151: {  	v20 =	vor.u32 v3, v20;
	v6 =	vld.idx.msk [tilespmem:v10+s23+$0x0], $0xffff;
	[tilespmem:s3+$0xFFFFFF30] =	vst v22;
	v13 =	vmul.f32 v21, v13  }
0x152: {  	s9 =	sadd.s32 $0x1, s8;
	v7 =	vor.u32 v3, v7;
	v9 =	vld.idx.msk [tilespmem:v4+s23+$0x0], $0xffff;
	[tilespmem:s3+$0xFFFFFF80] =	vst v16;
	v4 =	vmul.f32 v23, v17  }
0x153: {  	s10 =	sadd.s32 $0x3, s8;
	v16 =	vmov s9;
	s9 =	sadd.s32 $0x2, s8;
	v17 =	vor.u32 v3, v8;
	v8 =	vmovc v15;
	v10 =	vld.idx.msk [tilespmem:v5+s23+$0x0], $0xffff;
	[tilespmem:s3+$0xFFFFFFD0] =	vst v13;
	v5 =	vmul.f32 v24, v11  }
0x154: {  	v15 =	vmov s10;
	s10 =	sadd.s32 $0x5, s8;
	v13 =	vmov s9;
	s9 =	sadd.s32 $0x4, s8;
	v11 =	vld.idx.msk [tilespmem:v18+s23+$0x0], $0xffff;
	[tilespmem:s3+$0x20] =	vst v4;
	v4 =	vmul.f32 v25, v12  }
0x155: {  	v21 =	vmov s10;
	v18 =	vmov s9;
	s9 =	sadd.s32 $0x6, s8;
	v14 =	vmul.f32 v26, v14;
	v12 =	vld.idx.msk [tilespmem:v19+s23+$0x0], $0xffff;
	[tilespmem:s3+$0x70] =	vst v5  }
.Ltmp8:
0x156: {  	v5 =	vmul.u32 $0x50, v16;
	v16 =	vmul.u32 $0x50, v13;
	v19 =	vmov s9;
	v13 =	vld.idx.msk [tilespmem:v20+s23+$0x0], $0xffff;
	[tilespmem:s3+$0xC0] =	vst v4;
	(pc) =	sbr.rel @p4 .LBB2_9-.Ltmp8, $4  }
0x157: {  	v21 =	vmul.u32 $0x50, v21;
	v22 =	vmul.u32 $0x50, v18;
	v20 =	vmul.u32 $0x50, v15;
	[tilespmem:s3+$0xFFFFFEE0] =	vst v14;
	v14 =	vld.idx.msk [tilespmem:v7+s23+$0x0], $0xffff  }
0x158: {  	v4 =	vadd.s32 $0x40, v5;
	v5 =	vadd.s32 $0x40, v16;
	v7 =	vmul.u32 $0x50, v19;
	v15 =	vld.idx.msk [tilespmem:v17+s23+$0x0], $0xffff  }
0x159: {  	v19 =	vadd.s32 $0x40, v22;
	v4 =	vbroadcast v4, $0x0;
	v18 =	vadd.s32 $0x40, v20;
	v16 =	vld [tilespmem:s18+$0xFFFFFF40]  }
0x15a: {  	s9 =	sadd.s32 $0x7, s8;
	s8 =	sadd.s32 $0x8, s8;
	v5 =	vbroadcast v5, $0x0;
	v20 =	vadd.s32 $0x40, v21;
	v21 =	vadd.s32 $0x40, v7;
	v17 =	vld [tilespmem:s18+$0xFFFFFF90]  }
0x15b: {  	v7 =	vmov v8  }
.LBB2_11:
0x15c: {  	v8 =	vld @p3 [tilespmem:s18+$0xFFFFFFE0]  }
0x15d: {  	v23 =	vbroadcast v18, $0x0;
	v18 =	vld @p3 [tilespmem:s18+$0x30]  }
0x15e: {  	v25 =	vbroadcast v19, $0x0;
	v19 =	vld @p3 [tilespmem:s18+$0x80]  }
0x15f: {  	v28 =	vbroadcast v20, $0x0;
	v20 =	vld @p3 [tilespmem:s18+$0xD0];
	s8 =	sadd.s32 @p3 $0x280, s18  }
0x160: {  	v29 =	vbroadcast v21, $0x0;
	v21 =	vld @p3 [tilespmem:s18+$0xFFFFFEF0];
	s21 =	smov.u32 @p3 s8  }
0x161: {  	v34 =	vld [tilespmem:s21+$0xF0]  }
0x162: {  	v35 =	vld [tilespmem:s21+$0xFFFFFEC0]  }
0x163: {  	v36 =	vld [tilespmem:s21+$0xFFFFFF10]  }
0x164: {  	v22 =	vor.u32 v0, v4;
	v46 =	vmov s9;
	v37 =	vld [tilespmem:s21+$0xFFFFFF60]  }
0x165: {  	v24 =	vor.u32 v0, v5;
	v26 =	vmul.u32 $0x50, v46;
	v39 =	vld [tilespmem:s21+$0xFFFFFFB0]  }
0x166: {  	v27 =	vor.u32 v0, v23;
	v41 =	vld [tilespmem:s21+$0x0]  }
0x167: {  	v30 =	vor.u32 v0, v25;
	v42 =	vld [tilespmem:s21+$0x50];
	v47 =	vadd.s32 $0x40, v26  }
0x168: {  	v48 =	vor.u32 v0, v28;
	v51 =	vld [tilespmem:s21+$0xA0];
	v31 =	vbroadcast v47, $0x0  }
0x169: {  	v32 =	vor.u32 v0, v29;
	v22 =	vld.idx.msk [tilespmem:v22+s23+$0x0], $0xffff  }
0x16a: {  	v24 =	vld.idx.msk [tilespmem:v24+s23+$0x0], $0xffff;
	v33 =	vor.u32 v0, v31  }
0x16b: {  	v58 =	vor.u32 v1, v7;
	v27 =	vld.idx.msk [tilespmem:v27+s23+$0x0], $0xffff  }
0x16c: {  	v40 =	vor.u32 v1, v4;
	v30 =	vld.idx.msk [tilespmem:v30+s23+$0x0], $0xffff  }
0x16d: {  	s8 =	sadd.s32 @p3 $0x280, s3;
	v26 =	vld.idx.msk [tilespmem:v48+s23+$0x0], $0xffff;
	v6 =	vmul.f32 v35, v6  }
0x16e: {  	s20 =	smov.u32 @p3 s8;
	v32 =	vld.idx.msk [tilespmem:v32+s23+$0x0], $0xffff;
	v22 =	vmul.f32 v36, v22  }
0x16f: {  	v50 =	vor.u32 v1, v23;
	[tilespmem:s20+$0xFFFFFEC0] =	vst v6;
	v33 =	vld.idx.msk [tilespmem:v33+s23+$0x0], $0xffff  }
0x170: {  	v52 =	vor.u32 v1, v25;
	v24 =	vmul.f32 v37, v24;
	[tilespmem:s20+$0xFFFFFF10] =	vst v22;
	v22 =	vld.idx.msk [tilespmem:v58+s23+$0x0], $0xffff  }
0x171: {  	v54 =	vor.u32 v1, v28;
	v53 =	vmul.f32 v39, v27;
	v56 =	vld.idx.msk [tilespmem:v40+s23+$0x0], $0xffff  }
0x172: {  	v57 =	vor.u32 v1, v29;
	[tilespmem:s20+$0xFFFFFF60] =	vst v24;
	v30 =	vmul.f32 v41, v30;
	v45 =	vld [tilespmem:s21+$0xFFFFFF20]  }
0x173: {  	v26 =	vmul.f32 v42, v26;
	v46 =	vld [tilespmem:s21+$0xFFFFFF70];
	[tilespmem:s20+$0xFFFFFFB0] =	vst v53  }
0x174: {  	v59 =	vmul.f32 v51, v32;
	[tilespmem:s20+$0x0] =	vst v30;
	v36 =	vld.idx.msk [tilespmem:v50+s23+$0x0], $0xffff  }
0x175: {  	[tilespmem:s20+$0x50] =	vst v26;
	v61 =	vld.idx.msk [tilespmem:v52+s23+$0x0], $0xffff  }
0x176: {  	v49 =	vor.u32 v1, v5;
	[tilespmem:s20+$0xA0] =	vst v59;
	v26 =	vld.idx.msk [tilespmem:v54+s23+$0x0], $0xffff  }
0x177: {  	v63 =	vld.idx.msk [tilespmem:v57+s23+$0x0], $0xffff  }
0x178: {  	v47 =	vld [tilespmem:s21+$0xFFFFFFC0]  }
0x179: {  	v38 =	vor.u32 v1, v31;
	v48 =	vld [tilespmem:s21+$0x10]  }
0x17a: {  	v52 =	vld [tilespmem:s21+$0xB0]  }
0x17b: {  	v33 =	vmul.f32 v34, v33;
	v34 =	vld.idx.msk [tilespmem:v49+s23+$0x0], $0xffff;
	v49 =	vor.u32 v2, v4  }
0x17c: {  	v50 =	vld [tilespmem:s21+$0x60]  }
0x17d: {  	v59 =	vor.u32 v2, v29;
	v54 =	vld [tilespmem:s21+$0xFFFFFED0];
	[tilespmem:s20+$0xF0] =	vst v33;
	v24 =	vmul.f32 v45, v56  }
0x17e: {  	v38 =	vld.idx.msk [tilespmem:v38+s23+$0x0], $0xffff  }
0x17f: {  	v55 =	vld [tilespmem:s21+$0x100];
	[tilespmem:s20+$0xFFFFFF20] =	vst v24;
	v6 =	vmul.f32 v52, v63  }
0x180: {  	v33 =	vmul.f32 v48, v61;
	v58 =	vld.idx.msk [tilespmem:v49+s23+$0x0], $0xffff  }
0x181: {  	v51 =	vor.u32 v2, v5;
	v42 =	vld [tilespmem:s21+$0xFFFFFF30];
	[tilespmem:s20+$0xB0] =	vst v6  }
0x182: {  	v22 =	vmul.f32 v54, v22;
	[tilespmem:s20+$0x10] =	vst v33;
	v41 =	vld.idx.msk [tilespmem:v59+s23+$0x0], $0xffff  }
0x183: {  	v53 =	vor.u32 v2, v23;
	v34 =	vmul.f32 v46, v34;
	v45 =	vld [tilespmem:s21+$0x20]  }
0x184: {  	v60 =	vor.u32 v2, v31;
	v56 =	vmul.f32 v47, v36;
	[tilespmem:s20+$0xFFFFFED0] =	vst v22;
	v47 =	vld [tilespmem:s21+$0xC0]  }
0x185: {  	[tilespmem:s20+$0xFFFFFF70] =	vst v34;
	v48 =	vld [tilespmem:s21+$0xFFFFFEE0]  }
0x186: {  	v61 =	vor.u32 v2, v7;
	v62 =	vmul.f32 v55, v38;
	v30 =	vld.idx.msk [tilespmem:v51+s23+$0x0], $0xffff  }
0x187: {  	[tilespmem:s20+$0xFFFFFFC0] =	vst v56;
	v55 =	vor.u32 v2, v25;
	v43 =	vld [tilespmem:s21+$0xFFFFFF80]  }
0x188: {  	v57 =	vor.u32 v2, v28;
	[tilespmem:s20+$0x100] =	vst v62;
	v62 =	vld.idx.msk [tilespmem:v53+s23+$0x0], $0xffff  }
0x189: {  	v27 =	vld.idx.msk [tilespmem:v60+s23+$0x0], $0xffff  }
0x18a: {  	v29 =	vor.u32 v3, v29;
	v44 =	vld [tilespmem:s21+$0x110];
	v60 =	vmul.f32 v50, v26  }
0x18b: {  	v26 =	vld.idx.msk [tilespmem:v61+s23+$0x0], $0xffff  }
0x18c: {  	v22 =	vmul.f32 v47, v41;
	[tilespmem:s20+$0x60] =	vst v60;
	v63 =	vld.idx.msk [tilespmem:v55+s23+$0x0], $0xffff  }
0x18d: {  	v5 =	vor.u32 v3, v5;
	v40 =	vld.idx.msk [tilespmem:v57+s23+$0x0], $0xffff  }
0x18e: {  	v46 =	vld [tilespmem:s21+$0x70];
	[tilespmem:s20+$0xC0] =	vst v22  }
0x18f: {  	v31 =	vor.u32 v3, v31;
	v30 =	vmul.f32 v43, v30;
	v54 =	vld.idx.msk [tilespmem:v29+s23+$0x0], $0xffff  }
0x190: {  	v10 =	vmul.f32 @p3 v17, v10;
	v61 =	vld [tilespmem:s21+$0xD0]  }
0x191: {  	v51 =	vor.u32 v3, v7;
	[tilespmem:s20+$0xFFFFFF80] =	vst v30;
	v27 =	vmul.f32 v44, v27;
	v44 =	vld [tilespmem:s21+$0xFFFFFFD0]  }
0x192: {  	[tilespmem:s3+$0xFFFFFF90] =	vst @p3 v10;
	v4 =	vor.u32 v3, v4;
	v5 =	vld.idx.msk [tilespmem:v5+s23+$0x0], $0xffff;
	v52 =	vmul.f32 v48, v26  }
0x193: {  	v25 =	vor.u32 v3, v25;
	v56 =	vld [tilespmem:s21+$0xFFFFFF90];
	[tilespmem:s20+$0x110] =	vst v27;
	v27 =	vmul.f32 v42, v58  }
0x194: {  	v24 =	vmul.f32 v45, v63;
	[tilespmem:s20+$0xFFFFFEE0] =	vst v52;
	v31 =	vld.idx.msk [tilespmem:v31+s23+$0x0], $0xffff  }
0x195: {  	v50 =	vld [tilespmem:s21+$0x120];
	v6 =	vmul.f32 v46, v40;
	[tilespmem:s20+$0xFFFFFF30] =	vst v27  }
0x196: {  	v7 =	vld.idx.msk [tilespmem:v51+s23+$0x0], $0xffff;
	[tilespmem:s20+$0x20] =	vst v24;
	v49 =	vmul.f32 v44, v62  }
0x197: {  	v23 =	vor.u32 v3, v23;
	v4 =	vld.idx.msk [tilespmem:v4+s23+$0x0], $0xffff;
	[tilespmem:s20+$0x70] =	vst v6;
	v6 =	vmul.f32 @p3 v16, v9  }
0x198: {  	v25 =	vld.idx.msk [tilespmem:v25+s23+$0x0], $0xffff;
	v5 =	vmul.f32 v56, v5;
	[tilespmem:s20+$0xFFFFFFD0] =	vst v49  }
0x199: {  	v28 =	vor.u32 v3, v28;
	v55 =	vld [tilespmem:s21+$0xFFFFFF40];
	[tilespmem:s3+$0xFFFFFF40] =	vst @p3 v6;
	v6 =	vmul.f32 @p3 v8, v11  }
0x19a: {  	v58 =	vld [tilespmem:s21+$0x30];
	v8 =	vmul.f32 @p3 v18, v12;
	[tilespmem:s20+$0xFFFFFF90] =	vst v5  }
0x19b: {  	v62 =	vld [tilespmem:s21+$0xFFFFFEF0];
	v59 =	vmul.f32 v50, v31;
	[tilespmem:s3+$0xFFFFFFE0] =	vst @p3 v6  }
0x19c: {  	v23 =	vld.idx.msk [tilespmem:v23+s23+$0x0], $0xffff;
	v6 =	vmul.f32 @p3 v19, v13;
	[tilespmem:s3+$0x30] =	vst @p3 v8  }
0x19d: {  	v57 =	vld [tilespmem:s21+$0xFFFFFFE0];
	v8 =	vmul.f32 @p3 v20, v14;
	[tilespmem:s20+$0x120] =	vst v59  }
0x19e: {  	v53 =	vld.idx.msk [tilespmem:v28+s23+$0x0], $0xffff;
	v13 =	vmul.f32 @p3 v21, v15;
	[tilespmem:s3+$0x80] =	vst @p3 v6  }
0x19f: {  	v60 =	vld [tilespmem:s21+$0x80];
	v4 =	vmul.f32 v55, v4;
	[tilespmem:s3+$0xD0] =	vst @p3 v8  }
0x1a0: {  	v5 =	vmul.f32 v58, v25;
	[tilespmem:s3+$0xFFFFFEF0] =	vst @p3 v13  }
0x1a1: {  	v63 =	vmul.f32 v62, v7;
	[tilespmem:s20+$0xFFFFFF40] =	vst v4  }
0x1a2: {  	[tilespmem:s20+$0x30] =	vst v5;
	v4 =	vmul.f32 v57, v23  }
0x1a3: {  	v5 =	vmul.f32 v61, v54;
	[tilespmem:s20+$0xFFFFFEF0] =	vst v63  }
0x1a4: {  	s21 =	sshll.u32 s31, $0x8;
	[tilespmem:s20+$0xFFFFFFE0] =	vst v4;
	v4 =	vmul.f32 v60, v53  }
0x1a5: {  	s3 =	sand.u32 $0x3FFFFF00, s21;
	[tilespmem:s20+$0xD0] =	vst v5  }
0x1a6: {  	s3 =	sadd.s32 $0x2780, s3;
	[tilespmem:s20+$0x80] =	vst v4  }
0x1a7: {  	[spmem:s4] =	stream.indirect.scatter.add.f32 [tilespmem:s23], [sflag:$0x3], $0x50, s3, s19, $0xb8;
	[tilespmem:$0x1C250] =	vst v63  }
.LBB2_12:
0x1a8: {  	s0 =	sadd.s32 $0x2, s0  }
.Ltmp9:
0x1a9: {  	p3 =	sge.u32 s0, s30;
	(pc) =	sbr.rel @p2 .LBB2_22-.Ltmp9, $4  }
0x1aa: {  	s0 =	sshll.u32 @!p3 s0, $0x7;
	s3 =	simm.s32 @!p3 $0x80;
	s8 =	simm.s32 @!p3 $0x4F00  }
0x1ab: {  	[tilespmem:s8], [sflag:$0x1] =	stream.indirect.gather @!p3 [hbm4b:s6+s3], $0x50, s0, s3, $0xb8;
	[tilespmem:$0x1C250] =	vst v63  }
0x1ac: {  	s0 =	sadd.s32 @!p3 $0x2780, s0;
	s8 =	simm.s32 @!p3 $0x9F00  }
0x1ad: {  	[tilespmem:s8], [sflag:$0x1] =	stream.indirect.gather @!p3 [hbm4b:s1+s3], $0x10, s0, s3, $0xb8;
	[tilespmem:$0x1C250] =	vst v63  }
0x1ae: {  	_ =	swait.ge [sflag:s24], $0x2800  }
0x1af: {  	[sflag:s24] =	ssyncset.done $0x0  }
0x1b0: {  	[sflag:s24] =	ssyncadd.s32 $0xFFFFD800  }
0x1b1: {  	_ =	swait.ge [sflag:s24], $0x800  }
0x1b2: {  	p2 =	seq.s32 s31, $0x0;
	[sflag:s24] =	ssyncset.done $0x0  }
0x1b3: {  	s0 =	simm.s32 @!p2 $0x4;
	[sflag:s24] =	ssyncadd.s32 $0xFFFFF800  }
0x1b4: {  	_ =	swait.ge @!p2 [sflag:s0], $0x2800  }
0x1b5: {  	[sflag:s0] =	ssyncset.done @!p2 $0x0  }
0x1b6: {  	s18 =	simm.s32 $0x7830;
	[sflag:s0] =	ssyncadd.s32 @!p2 $0xFFFFD800  }
0x1b7: {  	s3 =	simm.s32 $0xA730;
	v4 =	vld [tilespmem:s18+$0x0]  }
0x1b8: {  	v5 =	vld [tilespmem:s3+$0x0]  }
0x1b9: {  	v6 =	vld [tilespmem:s3+$0xFFFFFFD0]  }
0x1ba: {  	v7 =	vld [tilespmem:s18+$0xFFFFFF60]  }
0x1bb: {  	v8 =	vld [tilespmem:s3+$0xFFFFFFE0]  }
0x1bc: {  	v9 =	vld [tilespmem:s18+$0xFFFFFFB0]  }
0x1bd: {  	s20 =	simm.s32 $0x7970;
	v10 =	vld [tilespmem:s3+$0xFFFFFFF0]  }
0x1be: {  	s21 =	simm.s32 $0xA770;
	v11 =	vld [tilespmem:s20+$0x0]  }
0x1bf: {  	v13 =	vld [tilespmem:s21+$0x0];
	v4 =	vadd.f32 v5, v4  }
0x1c0: {  	v5 =	vld [tilespmem:s18+$0xFFFFFF10]  }
0x1c1: {  	v7 =	vadd.f32 v8, v7;
	v8 =	vld [tilespmem:s20+$0xFFFFFF60];
	v12 =	vmul.f32 $2.000000030e-01, v4  }
0x1c2: {  	v9 =	vadd.f32 v10, v9;
	v10 =	vld [tilespmem:s21+$0xFFFFFFE0]  }
0x1c3: {  	v4 =	vmax.f32 v4, v12  }
0x1c4: {  	v4 =	vmul.f32 $1.442695020e+00, v4  }
0x1c5: {  	v14 =	vld [tilespmem:s21+$0xFFFFFFD0];
	v12 =	vmul.f32 $2.000000030e-01, v7  }
0x1c6: {  	v15 =	vld [tilespmem:s21+$0xFFFFFFF0];
	v11 =	vadd.f32 v13, v11;
	v5 =	vadd.f32 v6, v5;
	(erf) = vpow2.f32 v4  }
0x1c7: {  	v6 =	vld [tilespmem:s20+$0xFFFFFFB0];
	v8 =	vadd.f32 v10, v8;
	v7 =	vmax.f32 v7, v12;
	v4 =	vmul.f32 $2.000000030e-01, v9  }
0x1c8: {  	s9 =	simm.s32 $0x7AB0;
	v13 =	vld [tilespmem:s20+$0xFFFFFF10];
	v12 =	vmul.f32 $2.000000030e-01, v5;
	v7 =	vmul.f32 $1.442695020e+00, v7  }
0x1c9: {  	s3 =	simm.s32 $0xA7B0;
	v16 =	vmul.f32 $2.000000030e-01, v11;
	v62 =	vmul.f32 $2.000000030e-01, v8;
	v4 =	vmax.f32 v9, v4;
	v9 =	vld [tilespmem:s9+$0x0]  }
0x1ca: {  	v5 =	vmax.f32 v5, v12;
	v12 =	vld [tilespmem:s3+$0x0];
	(erf) = vpow2.f32 v7;
	v4 =	vmul.f32 $1.442695020e+00, v4  }
0x1cb: {  	v7 =	vmax.f32 v11, v16;
	v16 =	vmax.f32 v8, v62;
	v8 =	vld [tilespmem:s3+$0xFFFFFFF0];
	v10 =	vmul.f32 $1.442695020e+00, v5  }
0x1cc: {  	v15 =	vadd.f32 v15, v6;
	v17 =	vmul.f32 $1.442695020e+00, v7;
	v7 =	vld [tilespmem:s3+$0xFFFFFFE0];
	(erf) = vpow2.f32 v4  }
0x1cd: {  	v4 =	vld [tilespmem:s9+$0xFFFFFF60]  }
0x1ce: {  	v11 =	vadd.f32 v14, v13;
	v5 =	vld [tilespmem:s3+$0xFFFFFFD0];
	v14 =	vmul.f32 $2.000000030e-01, v15;
	(erf) = vpow2.f32 v10  }
0x1cf: {  	s0 =	simm.s32 $0xD830;
	v6 =	vld [tilespmem:s9+$0xFFFFFFB0];
	(erf) = vpow2.f32 v17;
	v10 =	vadd.f32 v12, v9;
	v63 =	vpop (erf)  }
0x1d0: {  	s8 =	simm.s32 $0x8;
	s18 =	simm.s32 $0x7BF0;
	v13 =	vmul.f32 $2.000000030e-01, v11;
	v9 =	vld [tilespmem:s9+$0xFFFFFF10];
	v12 =	vmul.f32 $1.442695020e+00, v16;
	v14 =	vmax.f32 v15, v14;
	[tilespmem:s0+$0x0] =	vst v63  }
.LBB2_14:
0x1d1: {  	v16 =	vmul.f32 $2.000000030e-01, v10  }
0x1d2: {  	v15 =	vld [tilespmem:s18+$0x0];
	s3 =	sadd.s32 $0x40, s3;
	v11 =	vmax.f32 v11, v13;
	v13 =	vmul.f32 $1.442695020e+00, v14;
	v17 =	vadd.f32 v7, v4  }
0x1d3: {  	s8 =	sadd.s32 $0x4, s8;
	v14 =	vld [tilespmem:s3+$0x0];
	v18 =	vmul.f32 $1.442695020e+00, v11;
	(erf) = vpow2.f32 v12  }
0x1d4: {  	p2 =	slt.u32 s8, $0x7C;
	v19 =	vld [tilespmem:s3+$0xFFFFFFD0];
	v7 =	vmax.f32 v10, v16;
	(erf) = vpow2.f32 v13;
	v10 =	vpop (erf);
	v12 =	vmul.f32 $2.000000030e-01, v17  }
.Ltmp10:
0x1d5: {  	v4 =	vld [tilespmem:s18+$0xFFFFFF60];
	v16 =	vadd.f32 v8, v6;
	v8 =	vmul.f32 $1.442695020e+00, v7;
	[tilespmem:s0+$0xFFFFFF60] =	vst v10;
	v6 =	vpop (erf);
	(pc) =	sbr.rel @p2 .LBB2_14-.Ltmp10, $4  }
0x1d6: {  	v7 =	vld [tilespmem:s3+$0xFFFFFFE0];
	v11 =	vadd.f32 v5, v9;
	(erf) = vpow2.f32 v18;
	[tilespmem:s0+$0xFFFFFFB0] =	vst v6  }
0x1d7: {  	v6 =	vld [tilespmem:s18+$0xFFFFFFB0];
	v18 =	vmax.f32 v17, v12;
	v17 =	vmul.f32 $2.000000030e-01, v16;
	(erf) = vpow2.f32 v8;
	v9 =	vpop (erf)  }
0x1d8: {  	v8 =	vld [tilespmem:s3+$0xFFFFFFF0];
	v10 =	vadd.f32 v14, v15;
	v13 =	vmul.f32 $2.000000030e-01, v11;
	v15 =	vpop (erf);
	[tilespmem:s0+$0xFFFFFF10] =	vst v9;
	s0 =	sadd.s32 $0x140, s0  }
0x1d9: {  	v12 =	vmul.f32 $1.442695020e+00, v18;
	v9 =	vld [tilespmem:s18+$0xFFFFFF10];
	s18 =	sadd.s32 $0x140, s18;
	v14 =	vmax.f32 v16, v17;
	[tilespmem:s0+$0x0] =	vst v15;
	v5 =	vmov v19  }
0x1da: {  	_ = 	snop  }
0x1db: {  	v4 =	vadd.f32 v7, v4  }
0x1dc: {  	v15 =	vmul.f32 $2.000000030e-01, v10;
	v11 =	vmax.f32 v11, v13;
	v7 =	vmul.f32 $1.442695020e+00, v14  }
0x1dd: {  	(erf) = vpow2.f32 v12;
	v6 =	vadd.f32 v8, v6;
	v8 =	vmul.f32 $2.000000030e-01, v4  }
0x1de: {  	v11 =	vmul.f32 $1.442695020e+00, v11;
	v56 =	vmax.f32 v10, v15;
	(erf) = vpow2.f32 v7  }
0x1df: {  	v5 =	vadd.f32 v5, v9;
	v7 =	vmul.f32 $2.000000030e-01, v6;
	v4 =	vmax.f32 v4, v8  }
0x1e0: {  	v9 =	vmul.f32 $1.442695020e+00, v56;
	v4 =	vmul.f32 $1.442695020e+00, v4  }
0x1e1: {  	(erf) = vpow2.f32 v11;
	v8 =	vmul.f32 $2.000000030e-01, v5;
	v6 =	vmax.f32 v6, v7  }
0x1e2: {  	(erf) = vpow2.f32 v9;
	v6 =	vmul.f32 $1.442695020e+00, v6  }
0x1e3: {  	s3 =	simm.s32 $0x0;
	v5 =	vmax.f32 v5, v8;
	(erf) = vpow2.f32 v4  }
0x1e4: {  	v5 =	vmul.f32 $1.442695020e+00, v5;
	v4 =	vpop (erf);
	(erf) = vpow2.f32 v6;
	v6 =	vmov s3;
	_ =	sdelay $0x1  }
0x1e5: {  	[tilespmem:s0+$0xFFFFFF60] =	vst v4;
	v4 =	vpop (erf);
	(erf) = vpow2.f32 v5  }
0x1e6: {  	v5 =	vmul.u32 $0x50, v6;
	[tilespmem:s0+$0xFFFFFFB0] =	vst v4;
	v6 =	vpop (erf)  }
0x1e7: {  	s21 =	sadd.s32 $0x140, s0;
	v4 =	vpop (erf);
	[tilespmem:s0+$0xFFFFFF10] =	vst v6  }
0x1e8: {  	v5 =	vadd.s32 $0x2840, v5;
	v6 =	vpop (erf);
	[tilespmem:s21+$0x0] =	vst v4  }
0x1e9: {  	s8 =	simm.s32 $0x2;
	s20 =	simm.s32 $0x4;
	s9 =	simm.s32 $0x5;
	v7 =	vbroadcast v5, $0x0;
	[tilespmem:s21+$0xFFFFFF60] =	vst v6;
	v4 =	vpop (erf)  }
0x1ea: {  	s10 =	simm.s32 $0x1;
	s18 =	simm.s32 $0x3;
	v57 =	vmov s20;
	v58 =	vmov s9;
	v8 =	vmov s8;
	[tilespmem:s21+$0xFFFFFFB0] =	vst v4;
	v4 =	vpop (erf)  }
0x1eb: {  	p3 =	por $0x1, $0x1;
	v5 =	vor.u32 v0, v7;
	v6 =	vmov s10;
	s10 =	sadd.s32 $0x140, s21;
	v9 =	vpop (erf);
	[tilespmem:s21+$0xFFFFFF10] =	vst v4;
	v4 =	vmov s18  }
.Ltmp11:
0x1ec: {  	v10 =	vmul.u32 $0x50, v57;
	v11 =	vmul.u32 $0x50, v58;
	v8 =	vmul.u32 $0x50, v8;
	s21 =	simm.s32 $0x6;
	[tilespmem:s10+$0x0] =	vst v9;
	v59 =	vpop (erf);
	(pc) =	sbr.rel @!p3 .LBB2_16-.Ltmp11, $4  }
0x1ed: {  	v6 =	vmul.u32 $0x50, v6;
	v60 =	vmov s21;
	v62 =	vmul.u32 $0x50, v4;
	[tilespmem:s10+$0xFFFFFF60] =	vst v59;
	v61 =	vpop (erf)  }
0x1ee: {  	v19 =	vadd.s32 $0x2840, v10;
	v20 =	vadd.s32 $0x2840, v11;
	v63 =	vmul.u32 $0x50, v60;
	[tilespmem:s10+$0xFFFFFFB0] =	vst v61;
	v4 =	vpop (erf)  }
0x1ef: {  	p2 =	por $0x0, $0x0;
	s20 =	simm.s32 $0x7960;
	v8 =	vadd.s32 $0x2840, v8;
	v6 =	vadd.s32 $0x2840, v6;
	v18 =	vadd.s32 $0x2840, v62;
	[tilespmem:s10+$0xFFFFFF10] =	vst v4  }
0x1f0: {  	s9 =	simm.s32 $0x7;
	s3 =	simm.s32 $0x8;
	s0 =	simm.s32 $0xD960;
	v4 =	vbroadcast v6, $0x0;
	v21 =	vadd.s32 $0x2840, v63;
	v6 =	vld.idx.msk [tilespmem:v5+s23+$0x0], $0xffff;
	v5 =	vbroadcast v8, $0x0  }
0x1f1: {  	v14 =	vbroadcast v20, $0x0;
	v20 =	vld [tilespmem:s20+$0xFFFFFFD0]  }
0x1f2: {  	v10 =	vmov s9;
	v15 =	vbroadcast v21, $0x0;
	v21 =	vld [tilespmem:s20+$0xFFFFFDA0]  }
0x1f3: {  	v9 =	vbroadcast v18, $0x0;
	v22 =	vld [tilespmem:s20+$0xFFFFFDF0];
	v8 =	vor.u32 v0, v4;
	v10 =	vmul.u32 $0x50, v10  }
0x1f4: {  	v12 =	vbroadcast v19, $0x0;
	v23 =	vld [tilespmem:s20+$0xFFFFFE40];
	v11 =	vor.u32 v0, v5  }
0x1f5: {  	v25 =	vld [tilespmem:s20+$0xFFFFFE90];
	v13 =	vor.u32 v0, v9;
	v10 =	vadd.s32 $0x2840, v10  }
0x1f6: {  	v27 =	vld [tilespmem:s20+$0xFFFFFEE0];
	v16 =	vor.u32 v0, v12;
	v10 =	vbroadcast v10, $0x0  }
0x1f7: {  	v28 =	vld [tilespmem:s20+$0xFFFFFF30];
	v17 =	vor.u32 v0, v14  }
0x1f8: {  	v8 =	vld.idx.msk [tilespmem:v8+s23+$0x0], $0xffff;
	v19 =	vor.u32 v0, v10  }
0x1f9: {  	v18 =	vor.u32 v0, v15;
	v11 =	vld.idx.msk [tilespmem:v11+s23+$0x0], $0xffff  }
0x1fa: {  	v13 =	vld.idx.msk [tilespmem:v13+s23+$0x0], $0xffff  }
0x1fb: {  	v26 =	vor.u32 v1, v4;
	v16 =	vld.idx.msk [tilespmem:v16+s23+$0x0], $0xffff  }
0x1fc: {  	v6 =	vmul.f32 v21, v6;
	v17 =	vld.idx.msk [tilespmem:v17+s23+$0x0], $0xffff  }
0x1fd: {  	v19 =	vld.idx.msk [tilespmem:v19+s23+$0x0], $0xffff;
	v8 =	vmul.f32 v22, v8;
	v22 =	vor.u32 v1, v9  }
0x1fe: {  	v18 =	vld.idx.msk [tilespmem:v18+s23+$0x0], $0xffff;
	[tilespmem:s0+$0xFFFFFDA0] =	vst v6;
	v11 =	vmul.f32 v23, v11  }
0x1ff: {  	v57 =	vld [tilespmem:s20+$0xFFFFFDB0];
	[tilespmem:s0+$0xFFFFFDF0] =	vst v8;
	v8 =	vmul.f32 v25, v13  }
0x200: {  	v24 =	vor.u32 v1, v10;
	[tilespmem:s0+$0xFFFFFE40] =	vst v11;
	v26 =	vld.idx.msk [tilespmem:v26+s23+$0x0], $0xffff  }
0x201: {  	v21 =	vld [tilespmem:s20+$0xFFFFFE50];
	[tilespmem:s0+$0xFFFFFE90] =	vst v8  }
0x202: {  	v13 =	vor.u32 v1, v14;
	v8 =	vmul.f32 v28, v17;
	v19 =	vmul.f32 v20, v19;
	v17 =	vld.idx.msk [tilespmem:v22+s23+$0x0], $0xffff  }
0x203: {  	v53 =	vor.u32 v1, v7;
	v22 =	vld [tilespmem:s20+$0xFFFFFEA0]  }
0x204: {  	[tilespmem:s0+$0xFFFFFFD0] =	vst v19;
	v19 =	vld [tilespmem:s20+$0xFFFFFF80]  }
0x205: {  	v20 =	vor.u32 v1, v5;
	v24 =	vld.idx.msk [tilespmem:v24+s23+$0x0], $0xffff  }
0x206: {  	v23 =	vor.u32 v1, v12;
	[tilespmem:s0+$0xFFFFFF30] =	vst v8;
	v52 =	vld [tilespmem:s20+$0xFFFFFFE0]  }
0x207: {  	v11 =	vmul.f32 v27, v16;
	v16 =	vor.u32 v1, v15;
	v8 =	vld.idx.msk [tilespmem:v13+s23+$0x0], $0xffff  }
0x208: {  	v13 =	vld.idx.msk [tilespmem:v53+s23+$0x0], $0xffff  }
0x209: {  	[tilespmem:s0+$0xFFFFFEE0] =	vst v11;
	v55 =	vld [tilespmem:s20+$0xFFFFFF40];
	v11 =	vmul.f32 v19, v18;
	v18 =	vor.u32 v2, v10  }
0x20a: {  	v20 =	vld.idx.msk [tilespmem:v20+s23+$0x0], $0xffff  }
0x20b: {  	v19 =	vld.idx.msk [tilespmem:v23+s23+$0x0], $0xffff;
	[tilespmem:s0+$0xFFFFFF80] =	vst v11;
	v11 =	vmul.f32 v52, v24  }
0x20c: {  	v6 =	vld.idx.msk [tilespmem:v16+s23+$0x0], $0xffff  }
0x20d: {  	v56 =	vld [tilespmem:s20+$0xFFFFFF90];
	[tilespmem:s0+$0xFFFFFFE0] =	vst v11  }
0x20e: {  	v17 =	vmul.f32 v22, v17;
	v11 =	vld.idx.msk [tilespmem:v18+s23+$0x0], $0xffff  }
0x20f: {  	v16 =	vld [tilespmem:s20+$0xFFFFFFF0]  }
0x210: {  	v23 =	vld [tilespmem:s20+$0xFFFFFEF0];
	[tilespmem:s0+$0xFFFFFEA0] =	vst v17;
	v8 =	vmul.f32 v55, v8;
	v17 =	vor.u32 v2, v7  }
0x211: {  	v22 =	vor.u32 v2, v15;
	v13 =	vmul.f32 v57, v13;
	v18 =	vld [tilespmem:s20+$0xFFFFFE00]  }
0x212: {  	v10 =	vor.u32 v3, v10;
	v59 =	vld [tilespmem:s20+$0xFFFFFEB0];
	[tilespmem:s0+$0xFFFFFF40] =	vst v8  }
0x213: {  	[tilespmem:s0+$0xFFFFFDB0] =	vst v13;
	v61 =	vld [tilespmem:s20+$0xFFFFFF50];
	v6 =	vmul.f32 v56, v6  }
0x214: {  	v29 =	vld [tilespmem:s20+$0xFFFFFDC0];
	v11 =	vmul.f32 v16, v11  }
0x215: {  	v54 =	vor.u32 v2, v4;
	v8 =	vmov s3;
	v17 =	vld.idx.msk [tilespmem:v17+s23+$0x0], $0xffff;
	[tilespmem:s0+$0xFFFFFF90] =	vst v6  }
0x216: {  	v16 =	vor.u32 v2, v5;
	v18 =	vmul.f32 v18, v26;
	v6 =	vmul.u32 $0x50, v8;
	v13 =	vld.idx.msk [tilespmem:v22+s23+$0x0], $0xffff;
	[tilespmem:s0+$0xFFFFFFF0] =	vst v11  }
0x217: {  	v10 =	vld.idx.msk [tilespmem:v10+s23+$0x0], $0xffff  }
0x218: {  	v58 =	vor.u32 v2, v9;
	v11 =	vmul.f32 v21, v20;
	[tilespmem:s0+$0xFFFFFE00] =	vst v18;
	v6 =	vadd.s32 $0x2840, v6;
	v21 =	vld [tilespmem:s20+$0x0]  }
0x219: {  	v20 =	vor.u32 v2, v12;
	v8 =	vbroadcast v6, $0x0;
	v6 =	vld [tilespmem:s20+$0xFFFFFE10]  }
0x21a: {  	[tilespmem:s0+$0xFFFFFE50] =	vst v11;
	v11 =	vmul.f32 v23, v19;
	v19 =	vld.idx.msk [tilespmem:v54+s23+$0x0], $0xffff  }
0x21b: {  	v18 =	vor.u32 v2, v14;
	v16 =	vld.idx.msk [tilespmem:v16+s23+$0x0], $0xffff  }
0x21c: {  	v22 =	vld [tilespmem:s20+$0xFFFFFE60]  }
0x21d: {  	[tilespmem:s0+$0xFFFFFEF0] =	vst v11;
	v11 =	vld.idx.msk [tilespmem:v58+s23+$0x0], $0xffff  }
0x21e: {  	v23 =	vor.u32 v0, v8;
	v20 =	vld.idx.msk [tilespmem:v20+s23+$0x0], $0xffff  }
0x21f: {  	v4 =	vor.u32 v3, v4;
	v60 =	vld [tilespmem:s20+$0xFFFFFF00]  }
0x220: {  	v5 =	vor.u32 v3, v5;
	v18 =	vld.idx.msk [tilespmem:v18+s23+$0x0], $0xffff  }
0x221: {  	v62 =	vor.u32 v3, v9;
	v15 =	vor.u32 v3, v15;
	v63 =	vld [tilespmem:s20+$0xFFFFFFA0];
	v19 =	vmul.f32 v6, v19  }
0x222: {  	v12 =	vor.u32 v3, v12;
	v21 =	vmul.f32 v21, v10;
	v10 =	vmul.f32 v22, v16  }
0x223: {  	v14 =	vor.u32 v3, v14;
	v6 =	vld.idx.msk [tilespmem:v23+s23+$0x0], $0xffff;
	[tilespmem:s0+$0xFFFFFE10] =	vst v19;
	v11 =	vmul.f32 v59, v11  }
0x224: {  	v7 =	vor.u32 v3, v7;
	v9 =	vld.idx.msk [tilespmem:v4+s23+$0x0], $0xffff;
	[tilespmem:s0+$0xFFFFFE60] =	vst v10;
	v4 =	vmul.f32 v60, v20  }
0x225: {  	s8 =	simm.s32 $0x9;
	s18 =	simm.s32 $0xD;
	v17 =	vmul.f32 v29, v17;
	v10 =	vld.idx.msk [tilespmem:v5+s23+$0x0], $0xffff;
	[tilespmem:s0+$0xFFFFFEB0] =	vst v11;
	v5 =	vmul.f32 v61, v18  }
0x226: {  	s10 =	simm.s32 $0xC;
	v16 =	vmov s8;
	s8 =	simm.s32 $0xB;
	v22 =	vmov s18;
	v11 =	vld.idx.msk [tilespmem:v62+s23+$0x0], $0xffff;
	[tilespmem:s0+$0xFFFFFF00] =	vst v4;
	v4 =	vmul.f32 v63, v13  }
0x227: {  	s9 =	simm.s32 $0xA;
	p3 =	por $0x1, $0x1;
	v19 =	vmov s8;
	v22 =	vmul.u32 $0x50, v22;
	v20 =	vmov s10;
	v12 =	vld.idx.msk [tilespmem:v12+s23+$0x0], $0xffff;
	[tilespmem:s0+$0xFFFFFF50] =	vst v5  }
.Ltmp12:
0x228: {  	s21 =	simm.s32 $0xE;
	v19 =	vmul.u32 $0x50, v19;
	v18 =	vmov s9;
	v5 =	vmul.u32 $0x50, v16;
	v13 =	vld.idx.msk [tilespmem:v14+s23+$0x0], $0xffff;
	[tilespmem:s0+$0xFFFFFFA0] =	vst v4;
	(pc) =	sbr.rel @!p3 .LBB2_18-.Ltmp12, $4  }
0x229: {  	[tilespmem:s0+$0xFFFFFDC0] =	vst v17;
	v20 =	vmul.u32 $0x50, v20;
	v16 =	vmul.u32 $0x50, v18;
	v18 =	vmov s21;
	v14 =	vld.idx.msk [tilespmem:v15+s23+$0x0], $0xffff  }
0x22a: {  	v17 =	vmul.u32 $0x50, v18;
	v18 =	vadd.s32 $0x2840, v19;
	v4 =	vadd.s32 $0x2840, v5;
	v15 =	vld.idx.msk [tilespmem:v7+s23+$0x0], $0xffff  }
0x22b: {  	p2 =	por $0x1, $0x1;
	s3 =	simm.s32 $0xD960;
	v19 =	vadd.s32 $0x2840, v20;
	v5 =	vadd.s32 $0x2840, v16;
	v16 =	vld [tilespmem:s20+$0xFFFFFE20];
	v4 =	vbroadcast v4, $0x0  }
0x22c: {  	[tilespmem:s0+$0x0] =	vst v21;
	s18 =	simm.s32 $0x7960;
	s8 =	simm.s32 $0x10;
	s9 =	simm.s32 $0xF;
	v20 =	vadd.s32 $0x2840, v22;
	v5 =	vbroadcast v5, $0x0;
	v21 =	vadd.s32 $0x2840, v17;
	v17 =	vld [tilespmem:s20+$0xFFFFFE70]  }
.LBB2_19:
0x22d: {  	p3 =	slt.u32 s8, $0x78;
	v22 =	vor.u32 v0, v4;
	v18 =	vbroadcast v18, $0x0;
	v7 =	vmov s9;
	v23 =	vld [tilespmem:s18+$0xFFFFFEC0]  }
0x22e: {  	v19 =	vbroadcast v19, $0x0;
	v24 =	vor.u32 v0, v5;
	v25 =	vmul.u32 $0x50, v7;
	v26 =	vld [tilespmem:s18+$0xFFFFFF10]  }
0x22f: {  	v20 =	vbroadcast v20, $0x0;
	v7 =	vbroadcast v21, $0x0;
	v27 =	vor.u32 v0, v18;
	v21 =	vld [tilespmem:s18+$0xFFFFFF60]  }
0x230: {  	v28 =	vor.u32 v0, v19;
	v25 =	vadd.s32 $0x2840, v25;
	v9 =	vmul.f32 v16, v9;
	v16 =	vld [tilespmem:s18+$0xFFFFFFB0]  }
0x231: {  	v29 =	vor.u32 v0, v20;
	v25 =	vbroadcast v25, $0x0;
	v30 =	vld [tilespmem:s18+$0xFFFFFDD0];
	v10 =	vmul.f32 v17, v10  }
0x232: {  	v17 =	vld.idx.msk [tilespmem:v22+s23+$0x0], $0xffff;
	v22 =	vor.u32 v0, v7;
	[tilespmem:s3+$0xFFFFFE20] =	vst v9;
	v9 =	vmul.f32 v23, v11  }
0x233: {  	v11 =	vld.idx.msk [tilespmem:v24+s23+$0x0], $0xffff;
	v23 =	vor.u32 v0, v25;
	[tilespmem:s3+$0xFFFFFE70] =	vst v10;
	v10 =	vmul.f32 v26, v12  }
0x234: {  	v12 =	vld.idx.msk [tilespmem:v27+s23+$0x0], $0xffff;
	[tilespmem:s3+$0xFFFFFEC0] =	vst v9;
	v9 =	vmul.f32 v21, v13  }
0x235: {  	v13 =	vld.idx.msk [tilespmem:v28+s23+$0x0], $0xffff;
	[tilespmem:s3+$0xFFFFFF10] =	vst v10;
	v10 =	vmul.f32 v16, v14  }
0x236: {  	v14 =	vld.idx.msk [tilespmem:v29+s23+$0x0], $0xffff;
	v15 =	vmul.f32 v30, v15;
	[tilespmem:s3+$0xFFFFFF60] =	vst v9  }
0x237: {  	v9 =	vld.idx.msk [tilespmem:v22+s23+$0x0], $0xffff;
	[tilespmem:s3+$0xFFFFFFB0] =	vst v10  }
0x238: {  	s18 =	sadd.s32 $0x280, s18;
	v10 =	vld.idx.msk [tilespmem:v23+s23+$0x0], $0xffff;
	[tilespmem:s3+$0xFFFFFDD0] =	vst v15  }
0x239: {  	v15 =	vld [tilespmem:s18+$0xFFFFFFD0]  }
0x23a: {  	v16 =	vld [tilespmem:s18+$0xFFFFFDA0]  }
0x23b: {  	v21 =	vld [tilespmem:s18+$0xFFFFFDF0]  }
0x23c: {  	v23 =	vor.u32 v1, v25;
	v22 =	vld [tilespmem:s18+$0xFFFFFE40]  }
0x23d: {  	v24 =	vld [tilespmem:s18+$0xFFFFFE90]  }
0x23e: {  	v26 =	vor.u32 v1, v4;
	v27 =	vld [tilespmem:s18+$0xFFFFFEE0];
	v10 =	vmul.f32 v15, v10  }
0x23f: {  	s3 =	sadd.s32 $0x280, s3;
	v15 =	vor.u32 v1, v5;
	v6 =	vmul.f32 v16, v6;
	v16 =	vld [tilespmem:s18+$0xFFFFFF30]  }
0x240: {  	v17 =	vmul.f32 v21, v17;
	v21 =	vor.u32 v1, v18;
	v28 =	vld [tilespmem:s18+$0xFFFFFF80];
	[tilespmem:s3+$0xFFFFFFD0] =	vst v10  }
0x241: {  	v10 =	vor.u32 v1, v19;
	[tilespmem:s3+$0xFFFFFDA0] =	vst v6;
	v6 =	vmul.f32 v22, v11;
	v11 =	vld.idx.msk [tilespmem:v23+s23+$0x0], $0xffff  }
0x242: {  	[tilespmem:s3+$0xFFFFFDF0] =	vst v17;
	v12 =	vmul.f32 v24, v12;
	v17 =	vor.u32 v1, v20;
	v22 =	vld [tilespmem:s18+$0xFFFFFFE0]  }
0x243: {  	v23 =	vld.idx.msk [tilespmem:v26+s23+$0x0], $0xffff;
	[tilespmem:s3+$0xFFFFFE40] =	vst v6;
	v6 =	vmul.f32 v27, v13;
	v13 =	vor.u32 v1, v7  }
0x244: {  	v24 =	vor.u32 v1, v8;
	v15 =	vld.idx.msk [tilespmem:v15+s23+$0x0], $0xffff;
	[tilespmem:s3+$0xFFFFFE90] =	vst v12;
	v12 =	vmul.f32 v16, v14  }
0x245: {  	v14 =	vld.idx.msk [tilespmem:v21+s23+$0x0], $0xffff;
	[tilespmem:s3+$0xFFFFFEE0] =	vst v6;
	v6 =	vmul.f32 v28, v9;
	v9 =	vor.u32 v2, v25  }
0x246: {  	v10 =	vld.idx.msk [tilespmem:v10+s23+$0x0], $0xffff;
	[tilespmem:s3+$0xFFFFFF30] =	vst v12  }
0x247: {  	v12 =	vld.idx.msk [tilespmem:v17+s23+$0x0], $0xffff;
	[tilespmem:s3+$0xFFFFFF80] =	vst v6;
	v6 =	vmul.f32 v22, v11  }
0x248: {  	v11 =	vld.idx.msk [tilespmem:v13+s23+$0x0], $0xffff  }
0x249: {  	v13 =	vld.idx.msk [tilespmem:v24+s23+$0x0], $0xffff;
	[tilespmem:s3+$0xFFFFFFE0] =	vst v6  }
0x24a: {  	v6 =	vld.idx.msk [tilespmem:v9+s23+$0x0], $0xffff  }
0x24b: {  	v9 =	vld [tilespmem:s18+$0xFFFFFFF0]  }
0x24c: {  	v16 =	vld [tilespmem:s18+$0xFFFFFE00]  }
0x24d: {  	v17 =	vld [tilespmem:s18+$0xFFFFFE50]  }
0x24e: {  	v22 =	vor.u32 v3, v25;
	v21 =	vld [tilespmem:s18+$0xFFFFFEA0]  }
0x24f: {  	v24 =	vld [tilespmem:s18+$0xFFFFFEF0]  }
0x250: {  	v25 =	vor.u32 v2, v4;
	v26 =	vld [tilespmem:s18+$0xFFFFFF40];
	v6 =	vmul.f32 v9, v6  }
0x251: {  	v9 =	vmul.f32 v16, v23;
	v16 =	vor.u32 v2, v5;
	v23 =	vld [tilespmem:s18+$0xFFFFFF90]  }
0x252: {  	v27 =	vld [tilespmem:s18+$0xFFFFFDB0];
	v15 =	vmul.f32 v17, v15;
	v17 =	vor.u32 v2, v18;
	[tilespmem:s3+$0xFFFFFFF0] =	vst v6  }
0x253: {  	[tilespmem:s3+$0xFFFFFE00] =	vst v9;
	v6 =	vmul.f32 v21, v14;
	v9 =	vor.u32 v2, v19;
	v14 =	vld.idx.msk [tilespmem:v22+s23+$0x0], $0xffff  }
0x254: {  	[tilespmem:s3+$0xFFFFFE50] =	vst v15;
	v10 =	vmul.f32 v24, v10;
	v15 =	vor.u32 v2, v20;
	v21 =	vld [tilespmem:s18+$0x0]  }
0x255: {  	v22 =	vld.idx.msk [tilespmem:v25+s23+$0x0], $0xffff;
	[tilespmem:s3+$0xFFFFFEA0] =	vst v6;
	v6 =	vmul.f32 v26, v12;
	v12 =	vor.u32 v2, v7  }
0x256: {  	v24 =	vor.u32 v2, v8;
	v16 =	vld.idx.msk [tilespmem:v16+s23+$0x0], $0xffff;
	[tilespmem:s3+$0xFFFFFEF0] =	vst v10;
	v10 =	vmul.f32 v23, v11  }
0x257: {  	v11 =	vmul.f32 v27, v13;
	v13 =	vld.idx.msk [tilespmem:v17+s23+$0x0], $0xffff;
	[tilespmem:s3+$0xFFFFFF40] =	vst v6  }
0x258: {  	v6 =	vmov s8;
	v17 =	vld.idx.msk [tilespmem:v9+s23+$0x0], $0xffff;
	[tilespmem:s3+$0xFFFFFF90] =	vst v10  }
0x259: {  	v6 =	vmul.u32 $0x50, v6;
	[tilespmem:s3+$0xFFFFFDB0] =	vst v11;
	v11 =	vld.idx.msk [tilespmem:v15+s23+$0x0], $0xffff;
	v9 =	vmul.f32 v21, v14  }
0x25a: {  	v12 =	vld.idx.msk [tilespmem:v12+s23+$0x0], $0xffff  }
0x25b: {  	v6 =	vadd.s32 $0x2840, v6;
	v14 =	vld.idx.msk [tilespmem:v24+s23+$0x0], $0xffff;
	[tilespmem:s3+$0x0] =	vst v9  }
0x25c: {  	v15 =	vbroadcast v6, $0x0;
	v6 =	vld [tilespmem:s18+$0xFFFFFE10]  }
0x25d: {  	v9 =	vld [tilespmem:s18+$0xFFFFFE60]  }
0x25e: {  	v10 =	vor.u32 v0, v15;
	v21 =	vld [tilespmem:s18+$0xFFFFFEB0]  }
0x25f: {  	v4 =	vor.u32 v3, v4;
	v23 =	vld [tilespmem:s18+$0xFFFFFF00]  }
0x260: {  	v5 =	vor.u32 v3, v5;
	v24 =	vld [tilespmem:s18+$0xFFFFFF50]  }
0x261: {  	v18 =	vor.u32 v3, v18;
	v22 =	vmul.f32 v6, v22;
	v25 =	vld [tilespmem:s18+$0xFFFFFFA0]  }
0x262: {  	v19 =	vor.u32 v3, v19;
	v26 =	vld [tilespmem:s18+$0xFFFFFDC0];
	v16 =	vmul.f32 v9, v16  }
0x263: {  	v20 =	vor.u32 v3, v20;
	v6 =	vld.idx.msk [tilespmem:v10+s23+$0x0], $0xffff;
	[tilespmem:s3+$0xFFFFFE10] =	vst v22;
	v13 =	vmul.f32 v21, v13  }
0x264: {  	s9 =	sadd.s32 $0x1, s8;
	v7 =	vor.u32 v3, v7;
	v9 =	vld.idx.msk [tilespmem:v4+s23+$0x0], $0xffff;
	[tilespmem:s3+$0xFFFFFE60] =	vst v16;
	v4 =	vmul.f32 v23, v17  }
0x265: {  	s10 =	sadd.s32 $0x3, s8;
	v16 =	vmov s9;
	s9 =	sadd.s32 $0x2, s8;
	v17 =	vor.u32 v3, v8;
	v8 =	vmovc v15;
	v10 =	vld.idx.msk [tilespmem:v5+s23+$0x0], $0xffff;
	[tilespmem:s3+$0xFFFFFEB0] =	vst v13;
	v5 =	vmul.f32 v24, v11  }
0x266: {  	v15 =	vmov s10;
	s10 =	sadd.s32 $0x5, s8;
	v13 =	vmov s9;
	s9 =	sadd.s32 $0x4, s8;
	v11 =	vld.idx.msk [tilespmem:v18+s23+$0x0], $0xffff;
	[tilespmem:s3+$0xFFFFFF00] =	vst v4;
	v4 =	vmul.f32 v25, v12  }
0x267: {  	v21 =	vmov s10;
	v18 =	vmov s9;
	s9 =	sadd.s32 $0x6, s8;
	v14 =	vmul.f32 v26, v14;
	v12 =	vld.idx.msk [tilespmem:v19+s23+$0x0], $0xffff;
	[tilespmem:s3+$0xFFFFFF50] =	vst v5  }
.Ltmp13:
0x268: {  	v5 =	vmul.u32 $0x50, v16;
	v16 =	vmul.u32 $0x50, v13;
	v19 =	vmov s9;
	v13 =	vld.idx.msk [tilespmem:v20+s23+$0x0], $0xffff;
	[tilespmem:s3+$0xFFFFFFA0] =	vst v4;
	(pc) =	sbr.rel @p3 .LBB2_19-.Ltmp13, $4  }
0x269: {  	v21 =	vmul.u32 $0x50, v21;
	v22 =	vmul.u32 $0x50, v18;
	v20 =	vmul.u32 $0x50, v15;
	[tilespmem:s3+$0xFFFFFDC0] =	vst v14;
	v14 =	vld.idx.msk [tilespmem:v7+s23+$0x0], $0xffff  }
0x26a: {  	v4 =	vadd.s32 $0x2840, v5;
	v5 =	vadd.s32 $0x2840, v16;
	v7 =	vmul.u32 $0x50, v19;
	v15 =	vld.idx.msk [tilespmem:v17+s23+$0x0], $0xffff  }
0x26b: {  	v19 =	vadd.s32 $0x2840, v22;
	v4 =	vbroadcast v4, $0x0;
	v18 =	vadd.s32 $0x2840, v20;
	v16 =	vld [tilespmem:s18+$0xFFFFFE20]  }
0x26c: {  	s9 =	sadd.s32 $0x7, s8;
	s8 =	sadd.s32 $0x8, s8;
	v5 =	vbroadcast v5, $0x0;
	v20 =	vadd.s32 $0x2840, v21;
	v21 =	vadd.s32 $0x2840, v7;
	v17 =	vld [tilespmem:s18+$0xFFFFFE70]  }
.Ltmp14:
0x26d: {  	(pc) =	sbr.rel .LBB2_21-.Ltmp14, $2  }
0x26e: {  	_ =	sdelay $0x2  }
0x26f: {  	v7 =	vmov v8  }
.LBB2_6:
.Ltmp15:
0x270: {  	(pc) =	sbr.rel .LBB2_11-.Ltmp15, $2  }
0x271: {  	_ =	sdelay $0x2  }
0x272: {  	s18 =	simm.s32 $0x5040;
	s3 =	simm.s32 $0xB040  }
.LBB2_8:
.Ltmp16:
0x273: {  	(pc) =	sbr.rel .LBB2_11-.Ltmp16, $2  }
0x274: {  	_ =	sdelay $0x2  }
0x275: {  	s18 =	simm.s32 $0x5040;
	s3 =	simm.s32 $0xB040;
	v7 =	vmov v8  }
.LBB2_18:
.Ltmp17:
0x276: {  	(pc) =	sbr.rel .LBB2_21-.Ltmp17, $2  }
0x277: {  	_ =	sdelay $0x2  }
0x278: {  	s18 =	simm.s32 $0x7960;
	s3 =	simm.s32 $0xD960;
	v7 =	vmov v8  }
.LBB2_24:
0x279: {  	_ =	sfence.sel $0x180000  }
0x27a: {  	[bflag:$0x0] =	sbarrier.arrive $0xFFFF  }
0x27b: {  	_ =	strace $0x90000047  }
0x27c: {  	s0 =	stileid.u32;
	[bflag:$0x2] =	sbarrier.arrive $0xFFFF  }
0x27d: {  	p0 =	sne.s32 s0, $0x0;
	s0 =	rddreg [dreg:$0x4]  }
0x27e: {  	s0 =	sadd.s32 @!p0 $0x100000, s0  }
0x27f: {  	[sflag:s0] =	ssyncadd.tile.s32 @!p0 $0x1;
	_ =	shalt  }
.Lfunc_end2:
_tile_overlayer_lowered:
.L_overlay_start_2:
0x280: {  	(tag) =	ssettag $0x2  }
0x281: {  	s0 =	rddreg [dreg:$0x0];
	s2 =	stileid.u32  }
0x282: {  	s1 =	rddreg [dreg:$0x1];
	p0 =	sne.s32 s2, $0x0  }
0x283: {  	s3 =	rddreg [dreg:$0x2];
	[bflag:$0x3] =	sbarrier.arrive $0xFFFF;
	s2 =	simm.s32 @!p0 $0x1C05  }
0x284: {  	[timem:s3], [sflag:s2] =	dma.local @!p0 [hbm:s0], s1  }
0x285: {  	s0 =	simm.s32 @!p0 $0x5  }
0x286: {  	_ =	swait.ge @!p0 [sflag:s0], s1  }
0x287: {  	s1 =	ssub.s32 @!p0 $0x0, s1;
	[sflag:s0] =	ssyncset.done @!p0 $0x0  }
0x288: {  	[sflag:s0] =	ssyncadd.s32 @!p0 s1  }
0x289: {  	[bflag:$0x3] =	sbarrier.arrive $0xFFFF  }
0x28a: {  	_ =	shalt  }

</sc_bundles>
